<compile_context>
chip_gen: v7x
topology: tpu7x:2x2x1
jax: 0.10.2.dev20260603
libtpu: 0.0.44.dev20260713+nightly
codegen_flags: <defaults>
</compile_context>

<pallas_src>
import jax
import jax.numpy as jnp
from jax import lax
from jax.experimental import pallas as pl
from jax.experimental.pallas import tpu as pltpu
from jax.experimental.pallas import tpu_sc as plsc

N = 10000
D = 128
E = 320000

NC = 2
NS = 16
DH = D // NC
EPT = E // NS
CH = 80
NITER = EPT // CH
K = 10
NG = NITER // K
NP = 10240
RPT = NP // NS
DEGW = 16


def _sc_body(x_hbm, src_hbm, dst_hbm, agg_out, deg_out,
             msg_v, sidx_v, didx_v, ones_v, zdeg_v,
             agg_sh, deg_sh, sem_g, sem_sc, sem_i):
    c = lax.axis_index("c")
    s = lax.axis_index("s")
    cdeg = c * CH

    def z2(i, _):
        zdeg_v[i, :] = jnp.zeros((16,), jnp.float32)
        return 0
    lax.fori_loop(0, CH, z2, 0)

    def o1(i, _):
        ones_v[i, :] = jnp.ones((16,), jnp.float32)
        return 0
    lax.fori_loop(0, CH, o1, 0)

    def zm(i, _):
        msg_v[0, i // (DH // 16), pl.ds((i % (DH // 16)) * 16, 16)] = (
            jnp.zeros((16,), jnp.float32))
        return 0
    lax.fori_loop(0, CH * (DH // 16), zm, 0)

    base_r = s * RPT
    for j in range(RPT // CH):
        pltpu.sync_copy(msg_v.at[0], agg_sh.at[pl.ds(base_r + j * CH, CH)])
        pltpu.sync_copy(zdeg_v, deg_sh.at[pl.ds(base_r + j * CH, CH)])

    pltpu.sync_copy(src_hbm.at[0, pl.ds(s * EPT, K * CH)], sidx_v.at[0])
    pltpu.sync_copy(dst_hbm.at[1, pl.ds(s * EPT, K * CH)], didx_v.at[0])

    def badd0(i, _):
        sidx_v[0, pl.ds(i * 16, 16)] = sidx_v[0, pl.ds(i * 16, 16)] * 2 + c
        return 0
    lax.fori_loop(0, K * CH // 16, badd0, 0)
    plsc.subcore_barrier()

    def group(g, _):
        bank = g % 2

        @pl.when(g > 0)
        def _():
            for j in range(K):
                pltpu.make_async_copy(
                    x_hbm.at[pl.ds(0, CH)], msg_v.at[j], sem_sc).wait()
            for j in range(K // 2):
                pltpu.make_async_copy(
                    deg_out.at[0, pl.ds(0, CH)], ones_v, sem_sc).wait()

        @pl.when(g + 1 < NG)
        def _():
            pltpu.async_copy(
                src_hbm.at[0, pl.ds(s * EPT + (g + 1) * K * CH, K * CH)],
                sidx_v.at[1 - bank], sem_i)
            pltpu.async_copy(
                dst_hbm.at[1, pl.ds(s * EPT + (g + 1) * K * CH, K * CH)],
                didx_v.at[1 - bank], sem_i)

        gathers = []
        for j in range(K):
            gathers.append(
                pltpu.async_copy(
                    x_hbm.at[sidx_v.at[bank, pl.ds(j * CH, CH)]],
                    msg_v.at[j], sem_g))
        for j in range(K // 2):
            pltpu.async_copy(ones_v, deg_sh.at[didx_v.at[bank, pl.ds((2 * j) * CH + cdeg, CH)]],
                             sem_sc, add=True)
        for j in range(K):
            gathers[j].wait()
            pltpu.async_copy(msg_v.at[j], agg_sh.at[didx_v.at[bank, pl.ds(j * CH, CH)]],
                             sem_sc, add=True)

        @pl.when(g + 1 < NG)
        def _():
            pltpu.make_async_copy(
                src_hbm.at[0, pl.ds(s * EPT + (g + 1) * K * CH, K * CH)],
                sidx_v.at[1 - bank], sem_i).wait()
            pltpu.make_async_copy(
                dst_hbm.at[1, pl.ds(s * EPT + (g + 1) * K * CH, K * CH)],
                didx_v.at[1 - bank], sem_i).wait()

            def badd(i, _):
                sidx_v[1 - bank, pl.ds(i * 16, 16)] = (
                    sidx_v[1 - bank, pl.ds(i * 16, 16)] * 2 + c)
                return 0
            lax.fori_loop(0, K * CH // 16, badd, 0)
        return 0
    lax.fori_loop(0, NG, group, 0)

    for j in range(K):
        pltpu.make_async_copy(x_hbm.at[pl.ds(0, CH)], msg_v.at[j],
                              sem_sc).wait()
    for j in range(K // 2):
        pltpu.make_async_copy(deg_out.at[0, pl.ds(0, CH)], ones_v,
                              sem_sc).wait()
    plsc.subcore_barrier()

    pltpu.sync_copy(agg_sh.at[pl.ds(base_r, RPT)],
                    agg_out.at[c, pl.ds(base_r, RPT)])
    pltpu.sync_copy(deg_sh.at[pl.ds(base_r, RPT)],
                    deg_out.at[c, pl.ds(base_r, RPT)])


_sc_call = pl.kernel(
    _sc_body,
    out_type=(jax.ShapeDtypeStruct((NC, NP, DH), jnp.float32),
              jax.ShapeDtypeStruct((NC, NP, DEGW), jnp.float32)),
    mesh=plsc.VectorSubcoreMesh(core_axis_name="c", subcore_axis_name="s",
                                num_cores=NC),
    compiler_params=pltpu.CompilerParams(use_tc_tiling_on_sc=False),
    scratch_types=[
        pltpu.VMEM((K, CH, DH), jnp.float32),
        pltpu.VMEM((2, K * CH), jnp.int32),
        pltpu.VMEM((2, K * CH), jnp.int32),
        pltpu.VMEM((CH, DEGW), jnp.float32),
        pltpu.VMEM((CH, DEGW), jnp.float32),
        pltpu.VMEM_SHARED((NP, DH), jnp.float32),
        pltpu.VMEM_SHARED((NP, DEGW), jnp.float32),
        pltpu.SemaphoreType.DMA,
        pltpu.SemaphoreType.DMA,
        pltpu.SemaphoreType.DMA,
    ],
)


def _tc_body(agg_ref, deg_ref, wi_ref, bi_ref, wg_ref, bg_ref, wo_ref,
             bo_ref, out_ref):
    deg = deg_ref[0, :, 0:1] + deg_ref[1, :, 0:1]
    rdeg = 1.0 / jnp.maximum(deg, 1.0)
    a0 = agg_ref[0] * rdeg
    a1 = agg_ref[1] * rdeg
    dn = (((1,), (1,)), ((), ()))

    def mm(w_ref):
        return (lax.dot_general(a0, w_ref[:, 0:DH], dn,
                                preferred_element_type=jnp.float32)
                + lax.dot_general(a1, w_ref[:, DH:D], dn,
                                  preferred_element_type=jnp.float32))

    h = mm(wi_ref) + bi_ref[...]
    g = jax.nn.sigmoid(mm(wg_ref) + bg_ref[...])
    hg = jnp.maximum(h, 0.0) * g
    out_ref[...] = lax.dot_general(hg, wo_ref[...], dn,
                                   preferred_element_type=jnp.float32) + bo_ref[...]


_TC_R = 2000


def _tc_call(agg_p, deg_p, wi, bi, wg, bg, wo, bo):
    grid = (N // _TC_R,)
    wspec = pl.BlockSpec((D, D), lambda i: (0, 0))
    bspec = pl.BlockSpec((1, D), lambda i: (0, 0))
    return pl.pallas_call(
        _tc_body,
        grid=grid,
        in_specs=[
            pl.BlockSpec((NC, _TC_R, DH), lambda i: (0, i, 0)),
            pl.BlockSpec((NC, _TC_R, DEGW), lambda i: (0, i, 0)),
            wspec, bspec, wspec, bspec, wspec, bspec,
        ],
        out_specs=pl.BlockSpec((_TC_R, D), lambda i: (i, 0)),
        out_shape=jax.ShapeDtypeStruct((N, D), jnp.float32),
    )(agg_p, deg_p, wi, bi, wg, bg, wo, bo)


@jax.jit
def kernel(X, edge_index, W_in, b_in, W_gate, b_gate, W_out, b_out):
    src2 = edge_index
    xh = X.reshape(NC * N, DH)
    agg_p, deg_p = _sc_call(xh, src2, src2)
    return _tc_call(agg_p, deg_p,
                    W_in, b_in.reshape(1, D),
                    W_gate, b_gate.reshape(1, D),
                    W_out, b_out.reshape(1, D))

# --- scband reference (transcript-rebuilt; emitter-appended) ---
"""Pipeline reference for scband-graph-mamba-11699490914481 (READ-ONLY COPY).

The authoritative reference and input builder live on the scoring server;
editing this copy changes nothing except your own understanding.
"""

import jax, jax.numpy as jnp
import numpy as np

N = 10000
D = 128
E = 320000

def setup_inputs(seed: int = 0) -> dict:
    key = jax.random.key(seed)
    ks = jax.random.split(key, 8)
    X = jax.random.normal(ks[0], (N, D), dtype=jnp.float32)
    edge_index = jax.random.randint(ks[1], (2, E), 0, N, dtype=jnp.int32)
    W_in = jax.random.normal(ks[2], (D, D), dtype=jnp.float32) * 0.05
    b_in = jax.random.normal(ks[3], (D,), dtype=jnp.float32) * 0.05
    W_gate = jax.random.normal(ks[4], (D, D), dtype=jnp.float32) * 0.05
    b_gate = jax.random.normal(ks[5], (D,), dtype=jnp.float32) * 0.05
    W_out = jax.random.normal(ks[6], (D, D), dtype=jnp.float32) * 0.05
    b_out = jax.random.normal(ks[7], (D,), dtype=jnp.float32) * 0.05
    return {"X": X, "edge_index": edge_index, "W_in": W_in, "b_in": b_in,
            "W_gate": W_gate, "b_gate": b_gate, "W_out": W_out, "b_out": b_out}

def reference(X, edge_index, W_in, b_in, W_gate, b_gate, W_out, b_out):
    src = edge_index[0]
    dst = edge_index[1]
    messages = X[src]                                  # gather [E, D]
    agg = jnp.zeros_like(X).at[dst].add(messages)      # scatter-add
    deg = jnp.zeros((X.shape[0],), dtype=X.dtype).at[dst].add(jnp.ones((dst.shape[0],), dtype=X.dtype))
    deg = jnp.clip(deg, 1.0, None)[:, None]
    agg = agg / deg
    h = agg @ W_in.T + b_in
    g = jax.nn.sigmoid(agg @ W_gate.T + b_gate)
    out = (jax.nn.relu(h) * g) @ W_out.T + b_out
    return out

if __name__ == "__main__":
    import jax
    _d = setup_inputs()
    print(jax.jit(kernel)(*tuple(_d.values())))

</pallas_src>

<mosaic_0001>
#map = affine_map<(d0, d1) -> (0, 0)>
#map1 = affine_map<(d0, d1) -> (0, 0, 0)>
module attributes {stable_mosaic.version = 14 : i64} {
  func.func @_sc_body(%arg0: i32, %arg1: i32, %arg2: memref<20000x64xf32, #tpu.memory_space<hbm>>, %arg3: memref<2x320000xi32, #tpu.memory_space<hbm>>, %arg4: memref<2x320000xi32, #tpu.memory_space<hbm>>, %arg5: memref<2x10240x64xf32, #tpu.memory_space<hbm>>, %arg6: memref<2x10240x16xf32, #tpu.memory_space<hbm>>, %arg7: memref<10x80x64xf32, #tpu.memory_space<vmem>>, %arg8: memref<2x800xi32, #tpu.memory_space<vmem>>, %arg9: memref<2x800xi32, #tpu.memory_space<vmem>>, %arg10: memref<80x16xf32, #tpu.memory_space<vmem>>, %arg11: memref<80x16xf32, #tpu.memory_space<vmem>>, %arg12: memref<10240x64xf32, #tpu.memory_space<vmem_shared>>, %arg13: memref<10240x16xf32, #tpu.memory_space<vmem_shared>>, %arg14: memref<!tpu.dma_semaphore, #tpu.memory_space<semaphore_mem>>, %arg15: memref<!tpu.dma_semaphore, #tpu.memory_space<semaphore_mem>>, %arg16: memref<!tpu.dma_semaphore, #tpu.memory_space<semaphore_mem>>) attributes {dimension_semantics = [#tpu.dimension_semantics<core_parallel>, #tpu.dimension_semantics<subcore_parallel>], iteration_bounds = array<i64: 2, 16>, scalar_prefetch = 0 : i64, scratch_operands = 10 : i64, tpu.core_type = #tpu.core_type<sc_vector_subcore>, window_params = [{transform_indices = #map}, {transform_indices = #map}, {transform_indices = #map}, {transform_indices = #map1}, {transform_indices = #map1}]} {
    %mul3A = arith.constant 80 : i32
    %mul3A_0 = arith.muli %arg0, %mul3A : i32
    %scan3A = arith.constant 0 : i32
    %scan3A_1 = arith.constant 0 : i32
    %scan3A_2 = arith.constant 80 : i32
    %scan3A_3 = arith.addi %scan3A_1, %scan3A_2 : i32
    %scan3A_4 = arith.constant 1 : i32
    %scan3A_5 = scf.for %scan3A_278 = %scan3A_1 to %scan3A_3 step %scan3A_4 iter_args(%scan3A_279 = %scan3A) -> (i32)  : i32 {
      %broadcast_in_dim3A = arith.constant 0.000000e+00 : f32
      %broadcast_in_dim3A_280 = vector.broadcast %broadcast_in_dim3A : f32 to vector<16xf32>
      %swap3A = arith.index_cast %scan3A_278 : i32 to index
      %swap3A_281 = arith.constant 0 : index
      %swap3A_282 = tpu.vector_load %arg11[%swap3A, %swap3A_281] {strides = array<i32>} : memref<80x16xf32, #tpu.memory_space<vmem>>, vector<1x16xf32>,
      %swap3A_283 = vector.shape_cast %swap3A_282 : vector<1x16xf32> to vector<16xf32>
      %swap3A_284 = vector.shape_cast %broadcast_in_dim3A_280 : vector<16xf32> to vector<1x16xf32>
      tpu.vector_store %arg11[%swap3A, %swap3A_281], %swap3A_284 {strides = array<i32>} : memref<80x16xf32, #tpu.memory_space<vmem>>, vector<1x16xf32>,
      %scan3A_285 = arith.constant 0 : i32
      scf.yield %scan3A_285 : i32
    }
    %scan3A_6 = arith.constant 80 : i32
    %scan3A_7 = arith.constant 0 : i32
    %scan3A_8 = arith.constant 0 : i32
    %scan3A_9 = arith.constant 80 : i32
    %scan3A_10 = arith.addi %scan3A_8, %scan3A_9 : i32
    %scan3A_11 = arith.constant 1 : i32
    %scan3A_12 = scf.for %scan3A_278 = %scan3A_8 to %scan3A_10 step %scan3A_11 iter_args(%scan3A_279 = %scan3A_7) -> (i32)  : i32 {
      %broadcast_in_dim3A = arith.constant 1.000000e+00 : f32
      %broadcast_in_dim3A_280 = vector.broadcast %broadcast_in_dim3A : f32 to vector<16xf32>
      %swap3A = arith.index_cast %scan3A_278 : i32 to index
      %swap3A_281 = arith.constant 0 : index
      %swap3A_282 = tpu.vector_load %arg10[%swap3A, %swap3A_281] {strides = array<i32>} : memref<80x16xf32, #tpu.memory_space<vmem>>, vector<1x16xf32>,
      %swap3A_283 = vector.shape_cast %swap3A_282 : vector<1x16xf32> to vector<16xf32>
      %swap3A_284 = vector.shape_cast %broadcast_in_dim3A_280 : vector<16xf32> to vector<1x16xf32>
      tpu.vector_store %arg10[%swap3A, %swap3A_281], %swap3A_284 {strides = array<i32>} : memref<80x16xf32, #tpu.memory_space<vmem>>, vector<1x16xf32>,
      %scan3A_285 = arith.constant 0 : i32
      scf.yield %scan3A_285 : i32
    }
    %scan3A_13 = arith.constant 80 : i32
    %scan3A_14 = arith.constant 0 : i32
    %scan3A_15 = arith.constant 0 : i32
    %scan3A_16 = arith.constant 320 : i32
    %scan3A_17 = arith.addi %scan3A_15, %scan3A_16 : i32
    %scan3A_18 = arith.constant 1 : i32
    %scan3A_19 = scf.for %scan3A_278 = %scan3A_15 to %scan3A_17 step %scan3A_18 iter_args(%scan3A_279 = %scan3A_14) -> (i32)  : i32 {
      %broadcast_in_dim3A = arith.constant 0.000000e+00 : f32
      %broadcast_in_dim3A_280 = vector.broadcast %broadcast_in_dim3A : f32 to vector<16xf32>
      %jit3A = arith.constant 4 : i32
      %div3A = arith.divsi %scan3A_278, %jit3A : i32
      %sign3A = arith.constant 0 : i32
      %sign3A_281 = arith.cmpi sgt, %scan3A_278, %sign3A : i32
      %sign3A_282 = arith.extui %sign3A_281 : i1 to i32
      %sign3A_283 = arith.constant 0 : i32
      %sign3A_284 = arith.cmpi slt, %scan3A_278, %sign3A_283 : i32
      %sign3A_285 = arith.extui %sign3A_284 : i1 to i32
      %sign3A_286 = arith.subi %sign3A_282, %sign3A_285 : i32
      %sign3A_287 = arith.constant 0 : i32
      %sign3A_288 = arith.cmpi sgt, %jit3A, %sign3A_287 : i32
      %sign3A_289 = arith.extui %sign3A_288 : i1 to i32
      %sign3A_290 = arith.constant 0 : i32
      %sign3A_291 = arith.cmpi slt, %jit3A, %sign3A_290 : i32
      %sign3A_292 = arith.extui %sign3A_291 : i1 to i32
      %sign3A_293 = arith.subi %sign3A_289, %sign3A_292 : i32
      %ne3A = arith.cmpi ne, %sign3A_286, %sign3A_293 : i32
      %rem3A = arith.remsi %scan3A_278, %jit3A : i32
      %ne3A_294 = arith.constant 0 : i32
      %ne3A_295 = arith.cmpi ne, %rem3A, %ne3A_294 : i32
      %and3A = arith.andi %ne3A, %ne3A_295 : i1
      %sub3A = arith.constant 1 : i32
      %sub3A_296 = arith.subi %div3A, %sub3A : i32
      %select_n3A = arith.select %and3A, %sub3A_296, %div3A : i32
      %jit3A_297 = arith.constant 4 : i32
      %eq3A = arith.constant 0 : i32
      %eq3A_298 = arith.cmpi eq, %jit3A_297, %eq3A : i32
      %jit3A_299 = arith.constant 1 : i32
      %select_n3A_300 = arith.select %eq3A_298, %jit3A_299, %jit3A_297 : i32
      %rem3A_301 = arith.remsi %scan3A_278, %select_n3A_300 : i32
      %ne3A_302 = arith.constant 0 : i32
      %ne3A_303 = arith.cmpi ne, %rem3A_301, %ne3A_302 : i32
      %lt3A = arith.constant 0 : i32
      %lt3A_304 = arith.cmpi slt, %rem3A_301, %lt3A : i32
      %lt3A_305 = arith.constant 0 : i32
      %lt3A_306 = arith.cmpi slt, %select_n3A_300, %lt3A_305 : i32
      %ne3A_307 = arith.xori %lt3A_304, %lt3A_306 : i1
      %and3A_308 = arith.andi %ne3A_307, %ne3A_303 : i1
      %add3A_309 = arith.addi %rem3A_301, %select_n3A_300 : i32
      %select_n3A_310 = arith.select %and3A_308, %add3A_309, %rem3A_301 : i32
      %mul3A_311 = arith.constant 16 : i32
      %mul3A_312 = arith.muli %select_n3A_310, %mul3A_311 : i32
      %swap3A = arith.constant 0 : i32
      %swap3A_313 = arith.index_cast %swap3A : i32 to index
      %swap3A_314 = arith.index_cast %select_n3A : i32 to index
      %swap3A_315 = arith.index_cast %mul3A_312 : i32 to index
      %swap3A_316 = tpu.vector_load %arg7[%swap3A_313, %swap3A_314, %swap3A_315] {strides = array<i32>} : memref<10x80x64xf32, #tpu.memory_space<vmem>>, vector<1x1x16xf32>,
      %swap3A_317 = vector.shape_cast %swap3A_316 : vector<1x1x16xf32> to vector<16xf32>
      %swap3A_318 = vector.shape_cast %broadcast_in_dim3A_280 : vector<16xf32> to vector<1x1x16xf32>
      tpu.vector_store %arg7[%swap3A_313, %swap3A_314, %swap3A_315], %swap3A_318 {strides = array<i32>} : memref<10x80x64xf32, #tpu.memory_space<vmem>>, vector<1x1x16xf32>,
      %scan3A_319 = arith.constant 0 : i32
      scf.yield %scan3A_319 : i32
    }
    %scan3A_20 = arith.constant 320 : i32
    %mul3A_21 = arith.constant 640 : i32
    %mul3A_22 = arith.muli %arg1, %mul3A_21 : i32
    %add3A = arith.constant 0 : i32
    %add3A_23 = arith.addi %mul3A_22, %add3A : i32
    %run_scoped3A = arith.constant 0 : i32
    "tpu.region"() ({
      %run_scoped3A_278 = tpu.sem_alloc : memref<!tpu.dma_semaphore, #tpu.memory_space<semaphore_mem>>
      %dma_start3A = arith.constant 0 : i32
      %dma_start3A_279 = arith.constant 0 : i32
      %dma_start3A_280 = tpu.memref_slice %arg7[%run_scoped3A, %dma_start3A, %dma_start3A_279] : memref<10x80x64xf32, #tpu.memory_space<vmem>> -> memref<1x80x64xf32, #tpu.memory_space<vmem>>
      %dma_start3A_281 = tpu.memref_squeeze %dma_start3A_280 : memref<1x80x64xf32, #tpu.memory_space<vmem>> -> memref<80x64xf32, #tpu.memory_space<vmem>>
      %dma_start3A_282 = arith.constant 0 : i32
      %dma_start3A_283 = tpu.memref_slice %arg12[%add3A_23, %dma_start3A_282] : memref<10240x64xf32, #tpu.memory_space<vmem_shared>> -> memref<80x64xf32, #tpu.memory_space<vmem_shared>>
      %dma_start3A_284 = arith.constant 0 : i32
      %dma_start3A_285 = tpu.memref_slice %arg12[%add3A_23, %dma_start3A_284] : memref<10240x64xf32, #tpu.memory_space<vmem_shared>> -> memref<80x64xf32, #tpu.memory_space<vmem_shared>>
      %dma_start3A_286 = arith.constant 0 : i32
      %dma_start3A_287 = arith.constant 0 : i32
      %dma_start3A_288 = tpu.memref_slice %arg7[%run_scoped3A, %dma_start3A_286, %dma_start3A_287] : memref<10x80x64xf32, #tpu.memory_space<vmem>> -> memref<1x80x64xf32, #tpu.memory_space<vmem>>
      %dma_start3A_289 = tpu.memref_squeeze %dma_start3A_288 : memref<1x80x64xf32, #tpu.memory_space<vmem>> -> memref<80x64xf32, #tpu.memory_space<vmem>>
      tpu.enqueue_dma source(%dma_start3A_289 : memref<80x64xf32, #tpu.memory_space<vmem>>) target(%dma_start3A_285 : memref<80x64xf32, #tpu.memory_space<vmem_shared>>) target_semaphore(%run_scoped3A_278 : memref<!tpu.dma_semaphore, #tpu.memory_space<semaphore_mem>>)
      %dma_wait3A_290 = arith.constant 0 : i32
      %dma_wait3A_291 = arith.constant 0 : i32
      %dma_wait3A_292 = tpu.memref_slice %arg7[%run_scoped3A, %dma_wait3A_290, %dma_wait3A_291] : memref<10x80x64xf32, #tpu.memory_space<vmem>> -> memref<1x80x64xf32, #tpu.memory_space<vmem>>
      %dma_wait3A_293 = tpu.memref_squeeze %dma_wait3A_292 : memref<1x80x64xf32, #tpu.memory_space<vmem>> -> memref<80x64xf32, #tpu.memory_space<vmem>>
      %dma_wait3A_294 = arith.constant 0 : i32
      %dma_wait3A_295 = tpu.memref_slice %arg12[%add3A_23, %dma_wait3A_294] : memref<10240x64xf32, #tpu.memory_space<vmem_shared>> -> memref<80x64xf32, #tpu.memory_space<vmem_shared>>
      %dma_wait3A_296 = arith.constant 0 : i32
      %dma_wait3A_297 = tpu.memref_slice %arg12[%add3A_23, %dma_wait3A_296] : memref<10240x64xf32, #tpu.memory_space<vmem_shared>> -> memref<80x64xf32, #tpu.memory_space<vmem_shared>>
      %dma_wait3A_298 = arith.constant 0 : i32
      %dma_wait3A_299 = arith.constant 0 : i32
      %dma_wait3A_300 = tpu.memref_slice %arg7[%run_scoped3A, %dma_wait3A_298, %dma_wait3A_299] : memref<10x80x64xf32, #tpu.memory_space<vmem>> -> memref<1x80x64xf32, #tpu.memory_space<vmem>>
      %dma_wait3A_301 = tpu.memref_squeeze %dma_wait3A_300 : memref<1x80x64xf32, #tpu.memory_space<vmem>> -> memref<80x64xf32, #tpu.memory_space<vmem>>
      tpu.wait_dma2 semaphore(%run_scoped3A_278 : memref<!tpu.dma_semaphore, #tpu.memory_space<semaphore_mem>>) src(%dma_wait3A_301 : memref<80x64xf32, #tpu.memory_space<vmem>>) dst(%dma_wait3A_297 : memref<80x64xf32, #tpu.memory_space<vmem_shared>>)
      tpu.yield
    }) : () -> ()
    %add3A_24 = arith.constant 0 : i32
    %add3A_25 = arith.addi %mul3A_22, %add3A_24 : i32
    "tpu.region"() ({
      %run_scoped3A_278 = tpu.sem_alloc : memref<!tpu.dma_semaphore, #tpu.memory_space<semaphore_mem>>
      %dma_start3A = arith.constant 0 : i32
      %dma_start3A_279 = tpu.memref_slice %arg13[%add3A_25, %dma_start3A] : memref<10240x16xf32, #tpu.memory_space<vmem_shared>> -> memref<80x16xf32, #tpu.memory_space<vmem_shared>>
      %dma_start3A_280 = arith.constant 0 : i32
      %dma_start3A_281 = tpu.memref_slice %arg13[%add3A_25, %dma_start3A_280] : memref<10240x16xf32, #tpu.memory_space<vmem_shared>> -> memref<80x16xf32, #tpu.memory_space<vmem_shared>>
      tpu.enqueue_dma source(%arg11 : memref<80x16xf32, #tpu.memory_space<vmem>>) target(%dma_start3A_281 : memref<80x16xf32, #tpu.memory_space<vmem_shared>>) target_semaphore(%run_scoped3A_278 : memref<!tpu.dma_semaphore, #tpu.memory_space<semaphore_mem>>)
      %dma_wait3A_282 = arith.constant 0 : i32
      %dma_wait3A_283 = tpu.memref_slice %arg13[%add3A_25, %dma_wait3A_282] : memref<10240x16xf32, #tpu.memory_space<vmem_shared>> -> memref<80x16xf32, #tpu.memory_space<vmem_shared>>
      %dma_wait3A_284 = arith.constant 0 : i32
      %dma_wait3A_285 = tpu.memref_slice %arg13[%add3A_25, %dma_wait3A_284] : memref<10240x16xf32, #tpu.memory_space<vmem_shared>> -> memref<80x16xf32, #tpu.memory_space<vmem_shared>>
      tpu.wait_dma2 semaphore(%run_scoped3A_278 : memref<!tpu.dma_semaphore, #tpu.memory_space<semaphore_mem>>) src(%arg11 : memref<80x16xf32, #tpu.memory_space<vmem>>) dst(%dma_wait3A_285 : memref<80x16xf32, #tpu.memory_space<vmem_shared>>)
      tpu.yield
    }) : () -> ()
    %add3A_26 = arith.constant 80 : i32
    %add3A_27 = arith.addi %mul3A_22, %add3A_26 : i32
    %run_scoped3A_28 = arith.constant 0 : i32
    "tpu.region"() ({
      %run_scoped3A_278 = tpu.sem_alloc : memref<!tpu.dma_semaphore, #tpu.memory_space<semaphore_mem>>
      %dma_start3A = arith.constant 0 : i32
      %dma_start3A_279 = arith.constant 0 : i32
      %dma_start3A_280 = tpu.memref_slice %arg7[%run_scoped3A_28, %dma_start3A, %dma_start3A_279] : memref<10x80x64xf32, #tpu.memory_space<vmem>> -> memref<1x80x64xf32, #tpu.memory_space<vmem>>
      %dma_start3A_281 = tpu.memref_squeeze %dma_start3A_280 : memref<1x80x64xf32, #tpu.memory_space<vmem>> -> memref<80x64xf32, #tpu.memory_space<vmem>>
      %dma_start3A_282 = arith.constant 0 : i32
      %dma_start3A_283 = tpu.memref_slice %arg12[%add3A_27, %dma_start3A_282] : memref<10240x64xf32, #tpu.memory_space<vmem_shared>> -> memref<80x64xf32, #tpu.memory_space<vmem_shared>>
      %dma_start3A_284 = arith.constant 0 : i32
      %dma_start3A_285 = tpu.memref_slice %arg12[%add3A_27, %dma_start3A_284] : memref<10240x64xf32, #tpu.memory_space<vmem_shared>> -> memref<80x64xf32, #tpu.memory_space<vmem_shared>>
      %dma_start3A_286 = arith.constant 0 : i32
      %dma_start3A_287 = arith.constant 0 : i32
      %dma_start3A_288 = tpu.memref_slice %arg7[%run_scoped3A_28, %dma_start3A_286, %dma_start3A_287] : memref<10x80x64xf32, #tpu.memory_space<vmem>> -> memref<1x80x64xf32, #tpu.memory_space<vmem>>
      %dma_start3A_289 = tpu.memref_squeeze %dma_start3A_288 : memref<1x80x64xf32, #tpu.memory_space<vmem>> -> memref<80x64xf32, #tpu.memory_space<vmem>>
      tpu.enqueue_dma source(%dma_start3A_289 : memref<80x64xf32, #tpu.memory_space<vmem>>) target(%dma_start3A_285 : memref<80x64xf32, #tpu.memory_space<vmem_shared>>) target_semaphore(%run_scoped3A_278 : memref<!tpu.dma_semaphore, #tpu.memory_space<semaphore_mem>>)
      %dma_wait3A_290 = arith.constant 0 : i32
      %dma_wait3A_291 = arith.constant 0 : i32
      %dma_wait3A_292 = tpu.memref_slice %arg7[%run_scoped3A_28, %dma_wait3A_290, %dma_wait3A_291] : memref<10x80x64xf32, #tpu.memory_space<vmem>> -> memref<1x80x64xf32, #tpu.memory_space<vmem>>
      %dma_wait3A_293 = tpu.memref_squeeze %dma_wait3A_292 : memref<1x80x64xf32, #tpu.memory_space<vmem>> -> memref<80x64xf32, #tpu.memory_space<vmem>>
      %dma_wait3A_294 = arith.constant 0 : i32
      %dma_wait3A_295 = tpu.memref_slice %arg12[%add3A_27, %dma_wait3A_294] : memref<10240x64xf32, #tpu.memory_space<vmem_shared>> -> memref<80x64xf32, #tpu.memory_space<vmem_shared>>
      %dma_wait3A_296 = arith.constant 0 : i32
      %dma_wait3A_297 = tpu.memref_slice %arg12[%add3A_27, %dma_wait3A_296] : memref<10240x64xf32, #tpu.memory_space<vmem_shared>> -> memref<80x64xf32, #tpu.memory_space<vmem_shared>>
      %dma_wait3A_298 = arith.constant 0 : i32
      %dma_wait3A_299 = arith.constant 0 : i32
      %dma_wait3A_300 = tpu.memref_slice %arg7[%run_scoped3A_28, %dma_wait3A_298, %dma_wait3A_299] : memref<10x80x64xf32, #tpu.memory_space<vmem>> -> memref<1x80x64xf32, #tpu.memory_space<vmem>>
      %dma_wait3A_301 = tpu.memref_squeeze %dma_wait3A_300 : memref<1x80x64xf32, #tpu.memory_space<vmem>> -> memref<80x64xf32, #tpu.memory_space<vmem>>
      tpu.wait_dma2 semaphore(%run_scoped3A_278 : memref<!tpu.dma_semaphore, #tpu.memory_space<semaphore_mem>>) src(%dma_wait3A_301 : memref<80x64xf32, #tpu.memory_space<vmem>>) dst(%dma_wait3A_297 : memref<80x64xf32, #tpu.memory_space<vmem_shared>>)
      tpu.yield
    }) : () -> ()
    %add3A_29 = arith.constant 80 : i32
    %add3A_30 = arith.addi %mul3A_22, %add3A_29 : i32
    "tpu.region"() ({
      %run_scoped3A_278 = tpu.sem_alloc : memref<!tpu.dma_semaphore, #tpu.memory_space<semaphore_mem>>
      %dma_start3A = arith.constant 0 : i32
      %dma_start3A_279 = tpu.memref_slice %arg13[%add3A_30, %dma_start3A] : memref<10240x16xf32, #tpu.memory_space<vmem_shared>> -> memref<80x16xf32, #tpu.memory_space<vmem_shared>>
      %dma_start3A_280 = arith.constant 0 : i32
      %dma_start3A_281 = tpu.memref_slice %arg13[%add3A_30, %dma_start3A_280] : memref<10240x16xf32, #tpu.memory_space<vmem_shared>> -> memref<80x16xf32, #tpu.memory_space<vmem_shared>>
      tpu.enqueue_dma source(%arg11 : memref<80x16xf32, #tpu.memory_space<vmem>>) target(%dma_start3A_281 : memref<80x16xf32, #tpu.memory_space<vmem_shared>>) target_semaphore(%run_scoped3A_278 : memref<!tpu.dma_semaphore, #tpu.memory_space<semaphore_mem>>)
      %dma_wait3A_282 = arith.constant 0 : i32
      %dma_wait3A_283 = tpu.memref_slice %arg13[%add3A_30, %dma_wait3A_282] : memref<10240x16xf32, #tpu.memory_space<vmem_shared>> -> memref<80x16xf32, #tpu.memory_space<vmem_shared>>
      %dma_wait3A_284 = arith.constant 0 : i32
      %dma_wait3A_285 = tpu.memref_slice %arg13[%add3A_30, %dma_wait3A_284] : memref<10240x16xf32, #tpu.memory_space<vmem_shared>> -> memref<80x16xf32, #tpu.memory_space<vmem_shared>>
      tpu.wait_dma2 semaphore(%run_scoped3A_278 : memref<!tpu.dma_semaphore, #tpu.memory_space<semaphore_mem>>) src(%arg11 : memref<80x16xf32, #tpu.memory_space<vmem>>) dst(%dma_wait3A_285 : memref<80x16xf32, #tpu.memory_space<vmem_shared>>)
      tpu.yield
    }) : () -> ()
    %add3A_31 = arith.constant 160 : i32
    %add3A_32 = arith.addi %mul3A_22, %add3A_31 : i32
    %run_scoped3A_33 = arith.constant 0 : i32
    "tpu.region"() ({
      %run_scoped3A_278 = tpu.sem_alloc : memref<!tpu.dma_semaphore, #tpu.memory_space<semaphore_mem>>
      %dma_start3A = arith.constant 0 : i32
      %dma_start3A_279 = arith.constant 0 : i32
      %dma_start3A_280 = tpu.memref_slice %arg7[%run_scoped3A_33, %dma_start3A, %dma_start3A_279] : memref<10x80x64xf32, #tpu.memory_space<vmem>> -> memref<1x80x64xf32, #tpu.memory_space<vmem>>
      %dma_start3A_281 = tpu.memref_squeeze %dma_start3A_280 : memref<1x80x64xf32, #tpu.memory_space<vmem>> -> memref<80x64xf32, #tpu.memory_space<vmem>>
      %dma_start3A_282 = arith.constant 0 : i32
      %dma_start3A_283 = tpu.memref_slice %arg12[%add3A_32, %dma_start3A_282] : memref<10240x64xf32, #tpu.memory_space<vmem_shared>> -> memref<80x64xf32, #tpu.memory_space<vmem_shared>>
      %dma_start3A_284 = arith.constant 0 : i32
      %dma_start3A_285 = tpu.memref_slice %arg12[%add3A_32, %dma_start3A_284] : memref<10240x64xf32, #tpu.memory_space<vmem_shared>> -> memref<80x64xf32, #tpu.memory_space<vmem_shared>>
      %dma_start3A_286 = arith.constant 0 : i32
      %dma_start3A_287 = arith.constant 0 : i32
      %dma_start3A_288 = tpu.memref_slice %arg7[%run_scoped3A_33, %dma_start3A_286, %dma_start3A_287] : memref<10x80x64xf32, #tpu.memory_space<vmem>> -> memref<1x80x64xf32, #tpu.memory_space<vmem>>
      %dma_start3A_289 = tpu.memref_squeeze %dma_start3A_288 : memref<1x80x64xf32, #tpu.memory_space<vmem>> -> memref<80x64xf32, #tpu.memory_space<vmem>>
      tpu.enqueue_dma source(%dma_start3A_289 : memref<80x64xf32, #tpu.memory_space<vmem>>) target(%dma_start3A_285 : memref<80x64xf32, #tpu.memory_space<vmem_shared>>) target_semaphore(%run_scoped3A_278 : memref<!tpu.dma_semaphore, #tpu.memory_space<semaphore_mem>>)
      %dma_wait3A_290 = arith.constant 0 : i32
      %dma_wait3A_291 = arith.constant 0 : i32
      %dma_wait3A_292 = tpu.memref_slice %arg7[%run_scoped3A_33, %dma_wait3A_290, %dma_wait3A_291] : memref<10x80x64xf32, #tpu.memory_space<vmem>> -> memref<1x80x64xf32, #tpu.memory_space<vmem>>
      %dma_wait3A_293 = tpu.memref_squeeze %dma_wait3A_292 : memref<1x80x64xf32, #tpu.memory_space<vmem>> -> memref<80x64xf32, #tpu.memory_space<vmem>>
      %dma_wait3A_294 = arith.constant 0 : i32
      %dma_wait3A_295 = tpu.memref_slice %arg12[%add3A_32, %dma_wait3A_294] : memref<10240x64xf32, #tpu.memory_space<vmem_shared>> -> memref<80x64xf32, #tpu.memory_space<vmem_shared>>
      %dma_wait3A_296 = arith.constant 0 : i32
      %dma_wait3A_297 = tpu.memref_slice %arg12[%add3A_32, %dma_wait3A_296] : memref<10240x64xf32, #tpu.memory_space<vmem_shared>> -> memref<80x64xf32, #tpu.memory_space<vmem_shared>>
      %dma_wait3A_298 = arith.constant 0 : i32
      %dma_wait3A_299 = arith.constant 0 : i32
      %dma_wait3A_300 = tpu.memref_slice %arg7[%run_scoped3A_33, %dma_wait3A_298, %dma_wait3A_299] : memref<10x80x64xf32, #tpu.memory_space<vmem>> -> memref<1x80x64xf32, #tpu.memory_space<vmem>>
      %dma_wait3A_301 = tpu.memref_squeeze %dma_wait3A_300 : memref<1x80x64xf32, #tpu.memory_space<vmem>> -> memref<80x64xf32, #tpu.memory_space<vmem>>
      tpu.wait_dma2 semaphore(%run_scoped3A_278 : memref<!tpu.dma_semaphore, #tpu.memory_space<semaphore_mem>>) src(%dma_wait3A_301 : memref<80x64xf32, #tpu.memory_space<vmem>>) dst(%dma_wait3A_297 : memref<80x64xf32, #tpu.memory_space<vmem_shared>>)
      tpu.yield
    }) : () -> ()
    %add3A_34 = arith.constant 160 : i32
    %add3A_35 = arith.addi %mul3A_22, %add3A_34 : i32
    "tpu.region"() ({
      %run_scoped3A_278 = tpu.sem_alloc : memref<!tpu.dma_semaphore, #tpu.memory_space<semaphore_mem>>
      %dma_start3A = arith.constant 0 : i32
      %dma_start3A_279 = tpu.memref_slice %arg13[%add3A_35, %dma_start3A] : memref<10240x16xf32, #tpu.memory_space<vmem_shared>> -> memref<80x16xf32, #tpu.memory_space<vmem_shared>>
      %dma_start3A_280 = arith.constant 0 : i32
      %dma_start3A_281 = tpu.memref_slice %arg13[%add3A_35, %dma_start3A_280] : memref<10240x16xf32, #tpu.memory_space<vmem_shared>> -> memref<80x16xf32, #tpu.memory_space<vmem_shared>>
      tpu.enqueue_dma source(%arg11 : memref<80x16xf32, #tpu.memory_space<vmem>>) target(%dma_start3A_281 : memref<80x16xf32, #tpu.memory_space<vmem_shared>>) target_semaphore(%run_scoped3A_278 : memref<!tpu.dma_semaphore, #tpu.memory_space<semaphore_mem>>)
      %dma_wait3A_282 = arith.constant 0 : i32
      %dma_wait3A_283 = tpu.memref_slice %arg13[%add3A_35, %dma_wait3A_282] : memref<10240x16xf32, #tpu.memory_space<vmem_shared>> -> memref<80x16xf32, #tpu.memory_space<vmem_shared>>
      %dma_wait3A_284 = arith.constant 0 : i32
      %dma_wait3A_285 = tpu.memref_slice %arg13[%add3A_35, %dma_wait3A_284] : memref<10240x16xf32, #tpu.memory_space<vmem_shared>> -> memref<80x16xf32, #tpu.memory_space<vmem_shared>>
      tpu.wait_dma2 semaphore(%run_scoped3A_278 : memref<!tpu.dma_semaphore, #tpu.memory_space<semaphore_mem>>) src(%arg11 : memref<80x16xf32, #tpu.memory_space<vmem>>) dst(%dma_wait3A_285 : memref<80x16xf32, #tpu.memory_space<vmem_shared>>)
      tpu.yield
    }) : () -> ()
    %add3A_36 = arith.constant 240 : i32
    %add3A_37 = arith.addi %mul3A_22, %add3A_36 : i32
    %run_scoped3A_38 = arith.constant 0 : i32
    "tpu.region"() ({
      %run_scoped3A_278 = tpu.sem_alloc : memref<!tpu.dma_semaphore, #tpu.memory_space<semaphore_mem>>
      %dma_start3A = arith.constant 0 : i32
      %dma_start3A_279 = arith.constant 0 : i32
      %dma_start3A_280 = tpu.memref_slice %arg7[%run_scoped3A_38, %dma_start3A, %dma_start3A_279] : memref<10x80x64xf32, #tpu.memory_space<vmem>> -> memref<1x80x64xf32, #tpu.memory_space<vmem>>
      %dma_start3A_281 = tpu.memref_squeeze %dma_start3A_280 : memref<1x80x64xf32, #tpu.memory_space<vmem>> -> memref<80x64xf32, #tpu.memory_space<vmem>>
      %dma_start3A_282 = arith.constant 0 : i32
      %dma_start3A_283 = tpu.memref_slice %arg12[%add3A_37, %dma_start3A_282] : memref<10240x64xf32, #tpu.memory_space<vmem_shared>> -> memref<80x64xf32, #tpu.memory_space<vmem_shared>>
      %dma_start3A_284 = arith.constant 0 : i32
      %dma_start3A_285 = tpu.memref_slice %arg12[%add3A_37, %dma_start3A_284] : memref<10240x64xf32, #tpu.memory_space<vmem_shared>> -> memref<80x64xf32, #tpu.memory_space<vmem_shared>>
      %dma_start3A_286 = arith.constant 0 : i32
      %dma_start3A_287 = arith.constant 0 : i32
      %dma_start3A_288 = tpu.memref_slice %arg7[%run_scoped3A_38, %dma_start3A_286, %dma_start3A_287] : memref<10x80x64xf32, #tpu.memory_space<vmem>> -> memref<1x80x64xf32, #tpu.memory_space<vmem>>
      %dma_start3A_289 = tpu.memref_squeeze %dma_start3A_288 : memref<1x80x64xf32, #tpu.memory_space<vmem>> -> memref<80x64xf32, #tpu.memory_space<vmem>>
      tpu.enqueue_dma source(%dma_start3A_289 : memref<80x64xf32, #tpu.memory_space<vmem>>) target(%dma_start3A_285 : memref<80x64xf32, #tpu.memory_space<vmem_shared>>) target_semaphore(%run_scoped3A_278 : memref<!tpu.dma_semaphore, #tpu.memory_space<semaphore_mem>>)
      %dma_wait3A_290 = arith.constant 0 : i32
      %dma_wait3A_291 = arith.constant 0 : i32
      %dma_wait3A_292 = tpu.memref_slice %arg7[%run_scoped3A_38, %dma_wait3A_290, %dma_wait3A_291] : memref<10x80x64xf32, #tpu.memory_space<vmem>> -> memref<1x80x64xf32, #tpu.memory_space<vmem>>
      %dma_wait3A_293 = tpu.memref_squeeze %dma_wait3A_292 : memref<1x80x64xf32, #tpu.memory_space<vmem>> -> memref<80x64xf32, #tpu.memory_space<vmem>>
      %dma_wait3A_294 = arith.constant 0 : i32
      %dma_wait3A_295 = tpu.memref_slice %arg12[%add3A_37, %dma_wait3A_294] : memref<10240x64xf32, #tpu.memory_space<vmem_shared>> -> memref<80x64xf32, #tpu.memory_space<vmem_shared>>
      %dma_wait3A_296 = arith.constant 0 : i32
      %dma_wait3A_297 = tpu.memref_slice %arg12[%add3A_37, %dma_wait3A_296] : memref<10240x64xf32, #tpu.memory_space<vmem_shared>> -> memref<80x64xf32, #tpu.memory_space<vmem_shared>>
      %dma_wait3A_298 = arith.constant 0 : i32
      %dma_wait3A_299 = arith.constant 0 : i32
      %dma_wait3A_300 = tpu.memref_slice %arg7[%run_scoped3A_38, %dma_wait3A_298, %dma_wait3A_299] : memref<10x80x64xf32, #tpu.memory_space<vmem>> -> memref<1x80x64xf32, #tpu.memory_space<vmem>>
      %dma_wait3A_301 = tpu.memref_squeeze %dma_wait3A_300 : memref<1x80x64xf32, #tpu.memory_space<vmem>> -> memref<80x64xf32, #tpu.memory_space<vmem>>
      tpu.wait_dma2 semaphore(%run_scoped3A_278 : memref<!tpu.dma_semaphore, #tpu.memory_space<semaphore_mem>>) src(%dma_wait3A_301 : memref<80x64xf32, #tpu.memory_space<vmem>>) dst(%dma_wait3A_297 : memref<80x64xf32, #tpu.memory_space<vmem_shared>>)
      tpu.yield
    }) : () -> ()
    %add3A_39 = arith.constant 240 : i32
    %add3A_40 = arith.addi %mul3A_22, %add3A_39 : i32
    "tpu.region"() ({
      %run_scoped3A_278 = tpu.sem_alloc : memref<!tpu.dma_semaphore, #tpu.memory_space<semaphore_mem>>
      %dma_start3A = arith.constant 0 : i32
      %dma_start3A_279 = tpu.memref_slice %arg13[%add3A_40, %dma_start3A] : memref<10240x16xf32, #tpu.memory_space<vmem_shared>> -> memref<80x16xf32, #tpu.memory_space<vmem_shared>>
      %dma_start3A_280 = arith.constant 0 : i32
      %dma_start3A_281 = tpu.memref_slice %arg13[%add3A_40, %dma_start3A_280] : memref<10240x16xf32, #tpu.memory_space<vmem_shared>> -> memref<80x16xf32, #tpu.memory_space<vmem_shared>>
      tpu.enqueue_dma source(%arg11 : memref<80x16xf32, #tpu.memory_space<vmem>>) target(%dma_start3A_281 : memref<80x16xf32, #tpu.memory_space<vmem_shared>>) target_semaphore(%run_scoped3A_278 : memref<!tpu.dma_semaphore, #tpu.memory_space<semaphore_mem>>)
      %dma_wait3A_282 = arith.constant 0 : i32
      %dma_wait3A_283 = tpu.memref_slice %arg13[%add3A_40, %dma_wait3A_282] : memref<10240x16xf32, #tpu.memory_space<vmem_shared>> -> memref<80x16xf32, #tpu.memory_space<vmem_shared>>
      %dma_wait3A_284 = arith.constant 0 : i32
      %dma_wait3A_285 = tpu.memref_slice %arg13[%add3A_40, %dma_wait3A_284] : memref<10240x16xf32, #tpu.memory_space<vmem_shared>> -> memref<80x16xf32, #tpu.memory_space<vmem_shared>>
      tpu.wait_dma2 semaphore(%run_scoped3A_278 : memref<!tpu.dma_semaphore, #tpu.memory_space<semaphore_mem>>) src(%arg11 : memref<80x16xf32, #tpu.memory_space<vmem>>) dst(%dma_wait3A_285 : memref<80x16xf32, #tpu.memory_space<vmem_shared>>)
      tpu.yield
    }) : () -> ()
    %add3A_41 = arith.constant 320 : i32
    %add3A_42 = arith.addi %mul3A_22, %add3A_41 : i32
    %run_scoped3A_43 = arith.constant 0 : i32
    "tpu.region"() ({
      %run_scoped3A_278 = tpu.sem_alloc : memref<!tpu.dma_semaphore, #tpu.memory_space<semaphore_mem>>
      %dma_start3A = arith.constant 0 : i32
      %dma_start3A_279 = arith.constant 0 : i32
      %dma_start3A_280 = tpu.memref_slice %arg7[%run_scoped3A_43, %dma_start3A, %dma_start3A_279] : memref<10x80x64xf32, #tpu.memory_space<vmem>> -> memref<1x80x64xf32, #tpu.memory_space<vmem>>
      %dma_start3A_281 = tpu.memref_squeeze %dma_start3A_280 : memref<1x80x64xf32, #tpu.memory_space<vmem>> -> memref<80x64xf32, #tpu.memory_space<vmem>>
      %dma_start3A_282 = arith.constant 0 : i32
      %dma_start3A_283 = tpu.memref_slice %arg12[%add3A_42, %dma_start3A_282] : memref<10240x64xf32, #tpu.memory_space<vmem_shared>> -> memref<80x64xf32, #tpu.memory_space<vmem_shared>>
      %dma_start3A_284 = arith.constant 0 : i32
      %dma_start3A_285 = tpu.memref_slice %arg12[%add3A_42, %dma_start3A_284] : memref<10240x64xf32, #tpu.memory_space<vmem_shared>> -> memref<80x64xf32, #tpu.memory_space<vmem_shared>>
      %dma_start3A_286 = arith.constant 0 : i32
      %dma_start3A_287 = arith.constant 0 : i32
      %dma_start3A_288 = tpu.memref_slice %arg7[%run_scoped3A_43, %dma_start3A_286, %dma_start3A_287] : memref<10x80x64xf32, #tpu.memory_space<vmem>> -> memref<1x80x64xf32, #tpu.memory_space<vmem>>
      %dma_start3A_289 = tpu.memref_squeeze %dma_start3A_288 : memref<1x80x64xf32, #tpu.memory_space<vmem>> -> memref<80x64xf32, #tpu.memory_space<vmem>>
      tpu.enqueue_dma source(%dma_start3A_289 : memref<80x64xf32, #tpu.memory_space<vmem>>) target(%dma_start3A_285 : memref<80x64xf32, #tpu.memory_space<vmem_shared>>) target_semaphore(%run_scoped3A_278 : memref<!tpu.dma_semaphore, #tpu.memory_space<semaphore_mem>>)
      %dma_wait3A_290 = arith.constant 0 : i32
      %dma_wait3A_291 = arith.constant 0 : i32
      %dma_wait3A_292 = tpu.memref_slice %arg7[%run_scoped3A_43, %dma_wait3A_290, %dma_wait3A_291] : memref<10x80x64xf32, #tpu.memory_space<vmem>> -> memref<1x80x64xf32, #tpu.memory_space<vmem>>
      %dma_wait3A_293 = tpu.memref_squeeze %dma_wait3A_292 : memref<1x80x64xf32, #tpu.memory_space<vmem>> -> memref<80x64xf32, #tpu.memory_space<vmem>>
      %dma_wait3A_294 = arith.constant 0 : i32
      %dma_wait3A_295 = tpu.memref_slice %arg12[%add3A_42, %dma_wait3A_294] : memref<10240x64xf32, #tpu.memory_space<vmem_shared>> -> memref<80x64xf32, #tpu.memory_space<vmem_shared>>
      %dma_wait3A_296 = arith.constant 0 : i32
      %dma_wait3A_297 = tpu.memref_slice %arg12[%add3A_42, %dma_wait3A_296] : memref<10240x64xf32, #tpu.memory_space<vmem_shared>> -> memref<80x64xf32, #tpu.memory_space<vmem_shared>>
      %dma_wait3A_298 = arith.constant 0 : i32
      %dma_wait3A_299 = arith.constant 0 : i32
      %dma_wait3A_300 = tpu.memref_slice %arg7[%run_scoped3A_43, %dma_wait3A_298, %dma_wait3A_299] : memref<10x80x64xf32, #tpu.memory_space<vmem>> -> memref<1x80x64xf32, #tpu.memory_space<vmem>>
      %dma_wait3A_301 = tpu.memref_squeeze %dma_wait3A_300 : memref<1x80x64xf32, #tpu.memory_space<vmem>> -> memref<80x64xf32, #tpu.memory_space<vmem>>
      tpu.wait_dma2 semaphore(%run_scoped3A_278 : memref<!tpu.dma_semaphore, #tpu.memory_space<semaphore_mem>>) src(%dma_wait3A_301 : memref<80x64xf32, #tpu.memory_space<vmem>>) dst(%dma_wait3A_297 : memref<80x64xf32, #tpu.memory_space<vmem_shared>>)
      tpu.yield
    }) : () -> ()
    %add3A_44 = arith.constant 320 : i32
    %add3A_45 = arith.addi %mul3A_22, %add3A_44 : i32
    "tpu.region"() ({
      %run_scoped3A_278 = tpu.sem_alloc : memref<!tpu.dma_semaphore, #tpu.memory_space<semaphore_mem>>
      %dma_start3A = arith.constant 0 : i32
      %dma_start3A_279 = tpu.memref_slice %arg13[%add3A_45, %dma_start3A] : memref<10240x16xf32, #tpu.memory_space<vmem_shared>> -> memref<80x16xf32, #tpu.memory_space<vmem_shared>>
      %dma_start3A_280 = arith.constant 0 : i32
      %dma_start3A_281 = tpu.memref_slice %arg13[%add3A_45, %dma_start3A_280] : memref<10240x16xf32, #tpu.memory_space<vmem_shared>> -> memref<80x16xf32, #tpu.memory_space<vmem_shared>>
      tpu.enqueue_dma source(%arg11 : memref<80x16xf32, #tpu.memory_space<vmem>>) target(%dma_start3A_281 : memref<80x16xf32, #tpu.memory_space<vmem_shared>>) target_semaphore(%run_scoped3A_278 : memref<!tpu.dma_semaphore, #tpu.memory_space<semaphore_mem>>)
      %dma_wait3A_282 = arith.constant 0 : i32
      %dma_wait3A_283 = tpu.memref_slice %arg13[%add3A_45, %dma_wait3A_282] : memref<10240x16xf32, #tpu.memory_space<vmem_shared>> -> memref<80x16xf32, #tpu.memory_space<vmem_shared>>
      %dma_wait3A_284 = arith.constant 0 : i32
      %dma_wait3A_285 = tpu.memref_slice %arg13[%add3A_45, %dma_wait3A_284] : memref<10240x16xf32, #tpu.memory_space<vmem_shared>> -> memref<80x16xf32, #tpu.memory_space<vmem_shared>>
      tpu.wait_dma2 semaphore(%run_scoped3A_278 : memref<!tpu.dma_semaphore, #tpu.memory_space<semaphore_mem>>) src(%arg11 : memref<80x16xf32, #tpu.memory_space<vmem>>) dst(%dma_wait3A_285 : memref<80x16xf32, #tpu.memory_space<vmem_shared>>)
      tpu.yield
    }) : () -> ()
    %add3A_46 = arith.constant 400 : i32
    %add3A_47 = arith.addi %mul3A_22, %add3A_46 : i32
    %run_scoped3A_48 = arith.constant 0 : i32
    "tpu.region"() ({
      %run_scoped3A_278 = tpu.sem_alloc : memref<!tpu.dma_semaphore, #tpu.memory_space<semaphore_mem>>
      %dma_start3A = arith.constant 0 : i32
      %dma_start3A_279 = arith.constant 0 : i32
      %dma_start3A_280 = tpu.memref_slice %arg7[%run_scoped3A_48, %dma_start3A, %dma_start3A_279] : memref<10x80x64xf32, #tpu.memory_space<vmem>> -> memref<1x80x64xf32, #tpu.memory_space<vmem>>
      %dma_start3A_281 = tpu.memref_squeeze %dma_start3A_280 : memref<1x80x64xf32, #tpu.memory_space<vmem>> -> memref<80x64xf32, #tpu.memory_space<vmem>>
      %dma_start3A_282 = arith.constant 0 : i32
      %dma_start3A_283 = tpu.memref_slice %arg12[%add3A_47, %dma_start3A_282] : memref<10240x64xf32, #tpu.memory_space<vmem_shared>> -> memref<80x64xf32, #tpu.memory_space<vmem_shared>>
      %dma_start3A_284 = arith.constant 0 : i32
      %dma_start3A_285 = tpu.memref_slice %arg12[%add3A_47, %dma_start3A_284] : memref<10240x64xf32, #tpu.memory_space<vmem_shared>> -> memref<80x64xf32, #tpu.memory_space<vmem_shared>>
      %dma_start3A_286 = arith.constant 0 : i32
      %dma_start3A_287 = arith.constant 0 : i32
      %dma_start3A_288 = tpu.memref_slice %arg7[%run_scoped3A_48, %dma_start3A_286, %dma_start3A_287] : memref<10x80x64xf32, #tpu.memory_space<vmem>> -> memref<1x80x64xf32, #tpu.memory_space<vmem>>
      %dma_start3A_289 = tpu.memref_squeeze %dma_start3A_288 : memref<1x80x64xf32, #tpu.memory_space<vmem>> -> memref<80x64xf32, #tpu.memory_space<vmem>>
      tpu.enqueue_dma source(%dma_start3A_289 : memref<80x64xf32, #tpu.memory_space<vmem>>) target(%dma_start3A_285 : memref<80x64xf32, #tpu.memory_space<vmem_shared>>) target_semaphore(%run_scoped3A_278 : memref<!tpu.dma_semaphore, #tpu.memory_space<semaphore_mem>>)
      %dma_wait3A_290 = arith.constant 0 : i32
      %dma_wait3A_291 = arith.constant 0 : i32
      %dma_wait3A_292 = tpu.memref_slice %arg7[%run_scoped3A_48, %dma_wait3A_290, %dma_wait3A_291] : memref<10x80x64xf32, #tpu.memory_space<vmem>> -> memref<1x80x64xf32, #tpu.memory_space<vmem>>
      %dma_wait3A_293 = tpu.memref_squeeze %dma_wait3A_292 : memref<1x80x64xf32, #tpu.memory_space<vmem>> -> memref<80x64xf32, #tpu.memory_space<vmem>>
      %dma_wait3A_294 = arith.constant 0 : i32
      %dma_wait3A_295 = tpu.memref_slice %arg12[%add3A_47, %dma_wait3A_294] : memref<10240x64xf32, #tpu.memory_space<vmem_shared>> -> memref<80x64xf32, #tpu.memory_space<vmem_shared>>
      %dma_wait3A_296 = arith.constant 0 : i32
      %dma_wait3A_297 = tpu.memref_slice %arg12[%add3A_47, %dma_wait3A_296] : memref<10240x64xf32, #tpu.memory_space<vmem_shared>> -> memref<80x64xf32, #tpu.memory_space<vmem_shared>>
      %dma_wait3A_298 = arith.constant 0 : i32
      %dma_wait3A_299 = arith.constant 0 : i32
      %dma_wait3A_300 = tpu.memref_slice %arg7[%run_scoped3A_48, %dma_wait3A_298, %dma_wait3A_299] : memref<10x80x64xf32, #tpu.memory_space<vmem>> -> memref<1x80x64xf32, #tpu.memory_space<vmem>>
      %dma_wait3A_301 = tpu.memref_squeeze %dma_wait3A_300 : memref<1x80x64xf32, #tpu.memory_space<vmem>> -> memref<80x64xf32, #tpu.memory_space<vmem>>
      tpu.wait_dma2 semaphore(%run_scoped3A_278 : memref<!tpu.dma_semaphore, #tpu.memory_space<semaphore_mem>>) src(%dma_wait3A_301 : memref<80x64xf32, #tpu.memory_space<vmem>>) dst(%dma_wait3A_297 : memref<80x64xf32, #tpu.memory_space<vmem_shared>>)
      tpu.yield
    }) : () -> ()
    %add3A_49 = arith.constant 400 : i32
    %add3A_50 = arith.addi %mul3A_22, %add3A_49 : i32
    "tpu.region"() ({
      %run_scoped3A_278 = tpu.sem_alloc : memref<!tpu.dma_semaphore, #tpu.memory_space<semaphore_mem>>
      %dma_start3A = arith.constant 0 : i32
      %dma_start3A_279 = tpu.memref_slice %arg13[%add3A_50, %dma_start3A] : memref<10240x16xf32, #tpu.memory_space<vmem_shared>> -> memref<80x16xf32, #tpu.memory_space<vmem_shared>>
      %dma_start3A_280 = arith.constant 0 : i32
      %dma_start3A_281 = tpu.memref_slice %arg13[%add3A_50, %dma_start3A_280] : memref<10240x16xf32, #tpu.memory_space<vmem_shared>> -> memref<80x16xf32, #tpu.memory_space<vmem_shared>>
      tpu.enqueue_dma source(%arg11 : memref<80x16xf32, #tpu.memory_space<vmem>>) target(%dma_start3A_281 : memref<80x16xf32, #tpu.memory_space<vmem_shared>>) target_semaphore(%run_scoped3A_278 : memref<!tpu.dma_semaphore, #tpu.memory_space<semaphore_mem>>)
      %dma_wait3A_282 = arith.constant 0 : i32
      %dma_wait3A_283 = tpu.memref_slice %arg13[%add3A_50, %dma_wait3A_282] : memref<10240x16xf32, #tpu.memory_space<vmem_shared>> -> memref<80x16xf32, #tpu.memory_space<vmem_shared>>
      %dma_wait3A_284 = arith.constant 0 : i32
      %dma_wait3A_285 = tpu.memref_slice %arg13[%add3A_50, %dma_wait3A_284] : memref<10240x16xf32, #tpu.memory_space<vmem_shared>> -> memref<80x16xf32, #tpu.memory_space<vmem_shared>>
      tpu.wait_dma2 semaphore(%run_scoped3A_278 : memref<!tpu.dma_semaphore, #tpu.memory_space<semaphore_mem>>) src(%arg11 : memref<80x16xf32, #tpu.memory_space<vmem>>) dst(%dma_wait3A_285 : memref<80x16xf32, #tpu.memory_space<vmem_shared>>)
      tpu.yield
    }) : () -> ()
    %add3A_51 = arith.constant 480 : i32
    %add3A_52 = arith.addi %mul3A_22, %add3A_51 : i32
    %run_scoped3A_53 = arith.constant 0 : i32
    "tpu.region"() ({
      %run_scoped3A_278 = tpu.sem_alloc : memref<!tpu.dma_semaphore, #tpu.memory_space<semaphore_mem>>
      %dma_start3A = arith.constant 0 : i32
      %dma_start3A_279 = arith.constant 0 : i32
      %dma_start3A_280 = tpu.memref_slice %arg7[%run_scoped3A_53, %dma_start3A, %dma_start3A_279] : memref<10x80x64xf32, #tpu.memory_space<vmem>> -> memref<1x80x64xf32, #tpu.memory_space<vmem>>
      %dma_start3A_281 = tpu.memref_squeeze %dma_start3A_280 : memref<1x80x64xf32, #tpu.memory_space<vmem>> -> memref<80x64xf32, #tpu.memory_space<vmem>>
      %dma_start3A_282 = arith.constant 0 : i32
      %dma_start3A_283 = tpu.memref_slice %arg12[%add3A_52, %dma_start3A_282] : memref<10240x64xf32, #tpu.memory_space<vmem_shared>> -> memref<80x64xf32, #tpu.memory_space<vmem_shared>>
      %dma_start3A_284 = arith.constant 0 : i32
      %dma_start3A_285 = tpu.memref_slice %arg12[%add3A_52, %dma_start3A_284] : memref<10240x64xf32, #tpu.memory_space<vmem_shared>> -> memref<80x64xf32, #tpu.memory_space<vmem_shared>>
      %dma_start3A_286 = arith.constant 0 : i32
      %dma_start3A_287 = arith.constant 0 : i32
      %dma_start3A_288 = tpu.memref_slice %arg7[%run_scoped3A_53, %dma_start3A_286, %dma_start3A_287] : memref<10x80x64xf32, #tpu.memory_space<vmem>> -> memref<1x80x64xf32, #tpu.memory_space<vmem>>
      %dma_start3A_289 = tpu.memref_squeeze %dma_start3A_288 : memref<1x80x64xf32, #tpu.memory_space<vmem>> -> memref<80x64xf32, #tpu.memory_space<vmem>>
      tpu.enqueue_dma source(%dma_start3A_289 : memref<80x64xf32, #tpu.memory_space<vmem>>) target(%dma_start3A_285 : memref<80x64xf32, #tpu.memory_space<vmem_shared>>) target_semaphore(%run_scoped3A_278 : memref<!tpu.dma_semaphore, #tpu.memory_space<semaphore_mem>>)
      %dma_wait3A_290 = arith.constant 0 : i32
      %dma_wait3A_291 = arith.constant 0 : i32
      %dma_wait3A_292 = tpu.memref_slice %arg7[%run_scoped3A_53, %dma_wait3A_290, %dma_wait3A_291] : memref<10x80x64xf32, #tpu.memory_space<vmem>> -> memref<1x80x64xf32, #tpu.memory_space<vmem>>
      %dma_wait3A_293 = tpu.memref_squeeze %dma_wait3A_292 : memref<1x80x64xf32, #tpu.memory_space<vmem>> -> memref<80x64xf32, #tpu.memory_space<vmem>>
      %dma_wait3A_294 = arith.constant 0 : i32
      %dma_wait3A_295 = tpu.memref_slice %arg12[%add3A_52, %dma_wait3A_294] : memref<10240x64xf32, #tpu.memory_space<vmem_shared>> -> memref<80x64xf32, #tpu.memory_space<vmem_shared>>
      %dma_wait3A_296 = arith.constant 0 : i32
      %dma_wait3A_297 = tpu.memref_slice %arg12[%add3A_52, %dma_wait3A_296] : memref<10240x64xf32, #tpu.memory_space<vmem_shared>> -> memref<80x64xf32, #tpu.memory_space<vmem_shared>>
      %dma_wait3A_298 = arith.constant 0 : i32
      %dma_wait3A_299 = arith.constant 0 : i32
      %dma_wait3A_300 = tpu.memref_slice %arg7[%run_scoped3A_53, %dma_wait3A_298, %dma_wait3A_299] : memref<10x80x64xf32, #tpu.memory_space<vmem>> -> memref<1x80x64xf32, #tpu.memory_space<vmem>>
      %dma_wait3A_301 = tpu.memref_squeeze %dma_wait3A_300 : memref<1x80x64xf32, #tpu.memory_space<vmem>> -> memref<80x64xf32, #tpu.memory_space<vmem>>
      tpu.wait_dma2 semaphore(%run_scoped3A_278 : memref<!tpu.dma_semaphore, #tpu.memory_space<semaphore_mem>>) src(%dma_wait3A_301 : memref<80x64xf32, #tpu.memory_space<vmem>>) dst(%dma_wait3A_297 : memref<80x64xf32, #tpu.memory_space<vmem_shared>>)
      tpu.yield
    }) : () -> ()
    %add3A_54 = arith.constant 480 : i32
    %add3A_55 = arith.addi %mul3A_22, %add3A_54 : i32
    "tpu.region"() ({
      %run_scoped3A_278 = tpu.sem_alloc : memref<!tpu.dma_semaphore, #tpu.memory_space<semaphore_mem>>
      %dma_start3A = arith.constant 0 : i32
      %dma_start3A_279 = tpu.memref_slice %arg13[%add3A_55, %dma_start3A] : memref<10240x16xf32, #tpu.memory_space<vmem_shared>> -> memref<80x16xf32, #tpu.memory_space<vmem_shared>>
      %dma_start3A_280 = arith.constant 0 : i32
      %dma_start3A_281 = tpu.memref_slice %arg13[%add3A_55, %dma_start3A_280] : memref<10240x16xf32, #tpu.memory_space<vmem_shared>> -> memref<80x16xf32, #tpu.memory_space<vmem_shared>>
      tpu.enqueue_dma source(%arg11 : memref<80x16xf32, #tpu.memory_space<vmem>>) target(%dma_start3A_281 : memref<80x16xf32, #tpu.memory_space<vmem_shared>>) target_semaphore(%run_scoped3A_278 : memref<!tpu.dma_semaphore, #tpu.memory_space<semaphore_mem>>)
      %dma_wait3A_282 = arith.constant 0 : i32
      %dma_wait3A_283 = tpu.memref_slice %arg13[%add3A_55, %dma_wait3A_282] : memref<10240x16xf32, #tpu.memory_space<vmem_shared>> -> memref<80x16xf32, #tpu.memory_space<vmem_shared>>
      %dma_wait3A_284 = arith.constant 0 : i32
      %dma_wait3A_285 = tpu.memref_slice %arg13[%add3A_55, %dma_wait3A_284] : memref<10240x16xf32, #tpu.memory_space<vmem_shared>> -> memref<80x16xf32, #tpu.memory_space<vmem_shared>>
      tpu.wait_dma2 semaphore(%run_scoped3A_278 : memref<!tpu.dma_semaphore, #tpu.memory_space<semaphore_mem>>) src(%arg11 : memref<80x16xf32, #tpu.memory_space<vmem>>) dst(%dma_wait3A_285 : memref<80x16xf32, #tpu.memory_space<vmem_shared>>)
      tpu.yield
    }) : () -> ()
    %add3A_56 = arith.constant 560 : i32
    %add3A_57 = arith.addi %mul3A_22, %add3A_56 : i32
    %run_scoped3A_58 = arith.constant 0 : i32
    "tpu.region"() ({
      %run_scoped3A_278 = tpu.sem_alloc : memref<!tpu.dma_semaphore, #tpu.memory_space<semaphore_mem>>
      %dma_start3A = arith.constant 0 : i32
      %dma_start3A_279 = arith.constant 0 : i32
      %dma_start3A_280 = tpu.memref_slice %arg7[%run_scoped3A_58, %dma_start3A, %dma_start3A_279] : memref<10x80x64xf32, #tpu.memory_space<vmem>> -> memref<1x80x64xf32, #tpu.memory_space<vmem>>
      %dma_start3A_281 = tpu.memref_squeeze %dma_start3A_280 : memref<1x80x64xf32, #tpu.memory_space<vmem>> -> memref<80x64xf32, #tpu.memory_space<vmem>>
      %dma_start3A_282 = arith.constant 0 : i32
      %dma_start3A_283 = tpu.memref_slice %arg12[%add3A_57, %dma_start3A_282] : memref<10240x64xf32, #tpu.memory_space<vmem_shared>> -> memref<80x64xf32, #tpu.memory_space<vmem_shared>>
      %dma_start3A_284 = arith.constant 0 : i32
      %dma_start3A_285 = tpu.memref_slice %arg12[%add3A_57, %dma_start3A_284] : memref<10240x64xf32, #tpu.memory_space<vmem_shared>> -> memref<80x64xf32, #tpu.memory_space<vmem_shared>>
      %dma_start3A_286 = arith.constant 0 : i32
      %dma_start3A_287 = arith.constant 0 : i32
      %dma_start3A_288 = tpu.memref_slice %arg7[%run_scoped3A_58, %dma_start3A_286, %dma_start3A_287] : memref<10x80x64xf32, #tpu.memory_space<vmem>> -> memref<1x80x64xf32, #tpu.memory_space<vmem>>
      %dma_start3A_289 = tpu.memref_squeeze %dma_start3A_288 : memref<1x80x64xf32, #tpu.memory_space<vmem>> -> memref<80x64xf32, #tpu.memory_space<vmem>>
      tpu.enqueue_dma source(%dma_start3A_289 : memref<80x64xf32, #tpu.memory_space<vmem>>) target(%dma_start3A_285 : memref<80x64xf32, #tpu.memory_space<vmem_shared>>) target_semaphore(%run_scoped3A_278 : memref<!tpu.dma_semaphore, #tpu.memory_space<semaphore_mem>>)
      %dma_wait3A_290 = arith.constant 0 : i32
      %dma_wait3A_291 = arith.constant 0 : i32
      %dma_wait3A_292 = tpu.memref_slice %arg7[%run_scoped3A_58, %dma_wait3A_290, %dma_wait3A_291] : memref<10x80x64xf32, #tpu.memory_space<vmem>> -> memref<1x80x64xf32, #tpu.memory_space<vmem>>
      %dma_wait3A_293 = tpu.memref_squeeze %dma_wait3A_292 : memref<1x80x64xf32, #tpu.memory_space<vmem>> -> memref<80x64xf32, #tpu.memory_space<vmem>>
      %dma_wait3A_294 = arith.constant 0 : i32
      %dma_wait3A_295 = tpu.memref_slice %arg12[%add3A_57, %dma_wait3A_294] : memref<10240x64xf32, #tpu.memory_space<vmem_shared>> -> memref<80x64xf32, #tpu.memory_space<vmem_shared>>
      %dma_wait3A_296 = arith.constant 0 : i32
      %dma_wait3A_297 = tpu.memref_slice %arg12[%add3A_57, %dma_wait3A_296] : memref<10240x64xf32, #tpu.memory_space<vmem_shared>> -> memref<80x64xf32, #tpu.memory_space<vmem_shared>>
      %dma_wait3A_298 = arith.constant 0 : i32
      %dma_wait3A_299 = arith.constant 0 : i32
      %dma_wait3A_300 = tpu.memref_slice %arg7[%run_scoped3A_58, %dma_wait3A_298, %dma_wait3A_299] : memref<10x80x64xf32, #tpu.memory_space<vmem>> -> memref<1x80x64xf32, #tpu.memory_space<vmem>>
      %dma_wait3A_301 = tpu.memref_squeeze %dma_wait3A_300 : memref<1x80x64xf32, #tpu.memory_space<vmem>> -> memref<80x64xf32, #tpu.memory_space<vmem>>
      tpu.wait_dma2 semaphore(%run_scoped3A_278 : memref<!tpu.dma_semaphore, #tpu.memory_space<semaphore_mem>>) src(%dma_wait3A_301 : memref<80x64xf32, #tpu.memory_space<vmem>>) dst(%dma_wait3A_297 : memref<80x64xf32, #tpu.memory_space<vmem_shared>>)
      tpu.yield
    }) : () -> ()
    %add3A_59 = arith.constant 560 : i32
    %add3A_60 = arith.addi %mul3A_22, %add3A_59 : i32
    "tpu.region"() ({
      %run_scoped3A_278 = tpu.sem_alloc : memref<!tpu.dma_semaphore, #tpu.memory_space<semaphore_mem>>
      %dma_start3A = arith.constant 0 : i32
      %dma_start3A_279 = tpu.memref_slice %arg13[%add3A_60, %dma_start3A] : memref<10240x16xf32, #tpu.memory_space<vmem_shared>> -> memref<80x16xf32, #tpu.memory_space<vmem_shared>>
      %dma_start3A_280 = arith.constant 0 : i32
      %dma_start3A_281 = tpu.memref_slice %arg13[%add3A_60, %dma_start3A_280] : memref<10240x16xf32, #tpu.memory_space<vmem_shared>> -> memref<80x16xf32, #tpu.memory_space<vmem_shared>>
      tpu.enqueue_dma source(%arg11 : memref<80x16xf32, #tpu.memory_space<vmem>>) target(%dma_start3A_281 : memref<80x16xf32, #tpu.memory_space<vmem_shared>>) target_semaphore(%run_scoped3A_278 : memref<!tpu.dma_semaphore, #tpu.memory_space<semaphore_mem>>)
      %dma_wait3A_282 = arith.constant 0 : i32
      %dma_wait3A_283 = tpu.memref_slice %arg13[%add3A_60, %dma_wait3A_282] : memref<10240x16xf32, #tpu.memory_space<vmem_shared>> -> memref<80x16xf32, #tpu.memory_space<vmem_shared>>
      %dma_wait3A_284 = arith.constant 0 : i32
      %dma_wait3A_285 = tpu.memref_slice %arg13[%add3A_60, %dma_wait3A_284] : memref<10240x16xf32, #tpu.memory_space<vmem_shared>> -> memref<80x16xf32, #tpu.memory_space<vmem_shared>>
      tpu.wait_dma2 semaphore(%run_scoped3A_278 : memref<!tpu.dma_semaphore, #tpu.memory_space<semaphore_mem>>) src(%arg11 : memref<80x16xf32, #tpu.memory_space<vmem>>) dst(%dma_wait3A_285 : memref<80x16xf32, #tpu.memory_space<vmem_shared>>)
      tpu.yield
    }) : () -> ()
    %mul3A_61 = arith.constant 20000 : i32
    %mul3A_62 = arith.muli %arg1, %mul3A_61 : i32
    %run_scoped3A_63 = arith.constant 0 : i32
    %run_scoped3A_64 = arith.constant 0 : i32
    "tpu.region"() ({
      %run_scoped3A_278 = tpu.sem_alloc : memref<!tpu.dma_semaphore, #tpu.memory_space<semaphore_mem>>
      %dma_start3A = arith.constant 0 : i32
      %dma_start3A_279 = tpu.memref_slice %arg8[%run_scoped3A_64, %dma_start3A] : memref<2x800xi32, #tpu.memory_space<vmem>> -> memref<1x800xi32, #tpu.memory_space<vmem>>
      %dma_start3A_280 = tpu.memref_squeeze %dma_start3A_279 : memref<1x800xi32, #tpu.memory_space<vmem>> -> memref<800xi32, #tpu.memory_space<vmem>>
      %dma_start3A_281 = tpu.memref_slice %arg3[%run_scoped3A_63, %mul3A_62] : memref<2x320000xi32, #tpu.memory_space<hbm>> -> memref<1x800xi32, #tpu.memory_space<hbm>>
      %dma_start3A_282 = tpu.memref_squeeze %dma_start3A_281 : memref<1x800xi32, #tpu.memory_space<hbm>> -> memref<800xi32, #tpu.memory_space<hbm>>
      %dma_start3A_283 = arith.constant 0 : i32
      %dma_start3A_284 = tpu.memref_slice %arg8[%run_scoped3A_64, %dma_start3A_283] : memref<2x800xi32, #tpu.memory_space<vmem>> -> memref<1x800xi32, #tpu.memory_space<vmem>>
      %dma_start3A_285 = tpu.memref_squeeze %dma_start3A_284 : memref<1x800xi32, #tpu.memory_space<vmem>> -> memref<800xi32, #tpu.memory_space<vmem>>
      %dma_start3A_286 = tpu.memref_slice %arg3[%run_scoped3A_63, %mul3A_62] : memref<2x320000xi32, #tpu.memory_space<hbm>> -> memref<1x800xi32, #tpu.memory_space<hbm>>
      %dma_start3A_287 = tpu.memref_squeeze %dma_start3A_286 : memref<1x800xi32, #tpu.memory_space<hbm>> -> memref<800xi32, #tpu.memory_space<hbm>>
      tpu.enqueue_dma source(%dma_start3A_287 : memref<800xi32, #tpu.memory_space<hbm>>) target(%dma_start3A_285 : memref<800xi32, #tpu.memory_space<vmem>>) target_semaphore(%run_scoped3A_278 : memref<!tpu.dma_semaphore, #tpu.memory_space<semaphore_mem>>)
      %dma_wait3A_288 = arith.constant 0 : i32
      %dma_wait3A_289 = tpu.memref_slice %arg8[%run_scoped3A_64, %dma_wait3A_288] : memref<2x800xi32, #tpu.memory_space<vmem>> -> memref<1x800xi32, #tpu.memory_space<vmem>>
      %dma_wait3A_290 = tpu.memref_squeeze %dma_wait3A_289 : memref<1x800xi32, #tpu.memory_space<vmem>> -> memref<800xi32, #tpu.memory_space<vmem>>
      %dma_wait3A_291 = tpu.memref_slice %arg3[%run_scoped3A_63, %mul3A_62] : memref<2x320000xi32, #tpu.memory_space<hbm>> -> memref<1x800xi32, #tpu.memory_space<hbm>>
      %dma_wait3A_292 = tpu.memref_squeeze %dma_wait3A_291 : memref<1x800xi32, #tpu.memory_space<hbm>> -> memref<800xi32, #tpu.memory_space<hbm>>
      %dma_wait3A_293 = arith.constant 0 : i32
      %dma_wait3A_294 = tpu.memref_slice %arg8[%run_scoped3A_64, %dma_wait3A_293] : memref<2x800xi32, #tpu.memory_space<vmem>> -> memref<1x800xi32, #tpu.memory_space<vmem>>
      %dma_wait3A_295 = tpu.memref_squeeze %dma_wait3A_294 : memref<1x800xi32, #tpu.memory_space<vmem>> -> memref<800xi32, #tpu.memory_space<vmem>>
      %dma_wait3A_296 = tpu.memref_slice %arg3[%run_scoped3A_63, %mul3A_62] : memref<2x320000xi32, #tpu.memory_space<hbm>> -> memref<1x800xi32, #tpu.memory_space<hbm>>
      %dma_wait3A_297 = tpu.memref_squeeze %dma_wait3A_296 : memref<1x800xi32, #tpu.memory_space<hbm>> -> memref<800xi32, #tpu.memory_space<hbm>>
      tpu.wait_dma2 semaphore(%run_scoped3A_278 : memref<!tpu.dma_semaphore, #tpu.memory_space<semaphore_mem>>) src(%dma_wait3A_297 : memref<800xi32, #tpu.memory_space<hbm>>) dst(%dma_wait3A_295 : memref<800xi32, #tpu.memory_space<vmem>>)
      tpu.yield
    }) : () -> ()
    %mul3A_65 = arith.constant 20000 : i32
    %mul3A_66 = arith.muli %arg1, %mul3A_65 : i32
    %run_scoped3A_67 = arith.constant 1 : i32
    %run_scoped3A_68 = arith.constant 0 : i32
    "tpu.region"() ({
      %run_scoped3A_278 = tpu.sem_alloc : memref<!tpu.dma_semaphore, #tpu.memory_space<semaphore_mem>>
      %dma_start3A = arith.constant 0 : i32
      %dma_start3A_279 = tpu.memref_slice %arg9[%run_scoped3A_68, %dma_start3A] : memref<2x800xi32, #tpu.memory_space<vmem>> -> memref<1x800xi32, #tpu.memory_space<vmem>>
      %dma_start3A_280 = tpu.memref_squeeze %dma_start3A_279 : memref<1x800xi32, #tpu.memory_space<vmem>> -> memref<800xi32, #tpu.memory_space<vmem>>
      %dma_start3A_281 = tpu.memref_slice %arg4[%run_scoped3A_67, %mul3A_66] : memref<2x320000xi32, #tpu.memory_space<hbm>> -> memref<1x800xi32, #tpu.memory_space<hbm>>
      %dma_start3A_282 = tpu.memref_squeeze %dma_start3A_281 : memref<1x800xi32, #tpu.memory_space<hbm>> -> memref<800xi32, #tpu.memory_space<hbm>>
      %dma_start3A_283 = arith.constant 0 : i32
      %dma_start3A_284 = tpu.memref_slice %arg9[%run_scoped3A_68, %dma_start3A_283] : memref<2x800xi32, #tpu.memory_space<vmem>> -> memref<1x800xi32, #tpu.memory_space<vmem>>
      %dma_start3A_285 = tpu.memref_squeeze %dma_start3A_284 : memref<1x800xi32, #tpu.memory_space<vmem>> -> memref<800xi32, #tpu.memory_space<vmem>>
      %dma_start3A_286 = tpu.memref_slice %arg4[%run_scoped3A_67, %mul3A_66] : memref<2x320000xi32, #tpu.memory_space<hbm>> -> memref<1x800xi32, #tpu.memory_space<hbm>>
      %dma_start3A_287 = tpu.memref_squeeze %dma_start3A_286 : memref<1x800xi32, #tpu.memory_space<hbm>> -> memref<800xi32, #tpu.memory_space<hbm>>
      tpu.enqueue_dma source(%dma_start3A_287 : memref<800xi32, #tpu.memory_space<hbm>>) target(%dma_start3A_285 : memref<800xi32, #tpu.memory_space<vmem>>) target_semaphore(%run_scoped3A_278 : memref<!tpu.dma_semaphore, #tpu.memory_space<semaphore_mem>>)
      %dma_wait3A_288 = arith.constant 0 : i32
      %dma_wait3A_289 = tpu.memref_slice %arg9[%run_scoped3A_68, %dma_wait3A_288] : memref<2x800xi32, #tpu.memory_space<vmem>> -> memref<1x800xi32, #tpu.memory_space<vmem>>
      %dma_wait3A_290 = tpu.memref_squeeze %dma_wait3A_289 : memref<1x800xi32, #tpu.memory_space<vmem>> -> memref<800xi32, #tpu.memory_space<vmem>>
      %dma_wait3A_291 = tpu.memref_slice %arg4[%run_scoped3A_67, %mul3A_66] : memref<2x320000xi32, #tpu.memory_space<hbm>> -> memref<1x800xi32, #tpu.memory_space<hbm>>
      %dma_wait3A_292 = tpu.memref_squeeze %dma_wait3A_291 : memref<1x800xi32, #tpu.memory_space<hbm>> -> memref<800xi32, #tpu.memory_space<hbm>>
      %dma_wait3A_293 = arith.constant 0 : i32
      %dma_wait3A_294 = tpu.memref_slice %arg9[%run_scoped3A_68, %dma_wait3A_293] : memref<2x800xi32, #tpu.memory_space<vmem>> -> memref<1x800xi32, #tpu.memory_space<vmem>>
      %dma_wait3A_295 = tpu.memref_squeeze %dma_wait3A_294 : memref<1x800xi32, #tpu.memory_space<vmem>> -> memref<800xi32, #tpu.memory_space<vmem>>
      %dma_wait3A_296 = tpu.memref_slice %arg4[%run_scoped3A_67, %mul3A_66] : memref<2x320000xi32, #tpu.memory_space<hbm>> -> memref<1x800xi32, #tpu.memory_space<hbm>>
      %dma_wait3A_297 = tpu.memref_squeeze %dma_wait3A_296 : memref<1x800xi32, #tpu.memory_space<hbm>> -> memref<800xi32, #tpu.memory_space<hbm>>
      tpu.wait_dma2 semaphore(%run_scoped3A_278 : memref<!tpu.dma_semaphore, #tpu.memory_space<semaphore_mem>>) src(%dma_wait3A_297 : memref<800xi32, #tpu.memory_space<hbm>>) dst(%dma_wait3A_295 : memref<800xi32, #tpu.memory_space<vmem>>)
      tpu.yield
    }) : () -> ()
    %scan3A_69 = arith.constant 0 : i32
    %scan3A_70 = arith.constant 0 : i32
    %scan3A_71 = arith.constant 50 : i32
    %scan3A_72 = arith.addi %scan3A_70, %scan3A_71 : i32
    %scan3A_73 = arith.constant 1 : i32
    %scan3A_74 = scf.for %scan3A_278 = %scan3A_70 to %scan3A_72 step %scan3A_73 iter_args(%scan3A_279 = %scan3A_69) -> (i32)  : i32 {
      %mul3A_280 = arith.constant 16 : i32
      %mul3A_281 = arith.muli %scan3A_278, %mul3A_280 : i32
      %get3A = arith.constant 0 : i32
      %get3A_282 = arith.index_cast %get3A : i32 to index
      %get3A_283 = arith.index_cast %mul3A_281 : i32 to index
      %get3A_284 = tpu.vector_load %arg8[%get3A_282, %get3A_283] {strides = array<i32>} : memref<2x800xi32, #tpu.memory_space<vmem>>, vector<1x16xi32>,
      %get3A_285 = vector.shape_cast %get3A_284 : vector<1x16xi32> to vector<16xi32>
      %mul3A_286 = arith.constant 2 : i32
      %mul3A_287 = vector.broadcast %mul3A_286 : i32 to vector<16xi32>
      %mul3A_288 = arith.muli %get3A_285, %mul3A_287 : vector<16xi32>
      %add3A_289 = vector.broadcast %arg0 : i32 to vector<16xi32>
      %add3A_290 = arith.addi %mul3A_288, %add3A_289 : vector<16xi32>
      %mul3A_291 = arith.constant 16 : i32
      %mul3A_292 = arith.muli %scan3A_278, %mul3A_291 : i32
      %swap3A = arith.constant 0 : i32
      %swap3A_293 = arith.index_cast %swap3A : i32 to index
      %swap3A_294 = arith.index_cast %mul3A_292 : i32 to index
      %swap3A_295 = tpu.vector_load %arg8[%swap3A_293, %swap3A_294] {strides = array<i32>} : memref<2x800xi32, #tpu.memory_space<vmem>>, vector<1x16xi32>,
      %swap3A_296 = vector.shape_cast %swap3A_295 : vector<1x16xi32> to vector<16xi32>
      %swap3A_297 = vector.shape_cast %add3A_290 : vector<16xi32> to vector<1x16xi32>
      tpu.vector_store %arg8[%swap3A_293, %swap3A_294], %swap3A_297 {strides = array<i32>} : memref<2x800xi32, #tpu.memory_space<vmem>>, vector<1x16xi32>,
      %scan3A_298 = arith.constant 0 : i32
      scf.yield %scan3A_298 : i32
    }
    %scan3A_75 = arith.constant 50 : i32
    %barrier3A = arith.constant 0 : index
    tpu.barrier barrier_id(%barrier3A)
    %scan3A_76 = arith.constant 0 : i32
    %scan3A_77 = arith.constant 0 : i32
    %scan3A_78 = arith.constant 25 : i32
    %scan3A_79 = arith.addi %scan3A_77, %scan3A_78 : i32
    %scan3A_80 = arith.constant 1 : i32
    %scan3A_81 = scf.for %scan3A_278 = %scan3A_77 to %scan3A_79 step %scan3A_80 iter_args(%scan3A_279 = %scan3A_76) -> (i32)  : i32 {
      %jit3A = arith.constant 2 : i32
      %eq3A = arith.constant 0 : i32
      %eq3A_280 = arith.cmpi eq, %jit3A, %eq3A : i32
      %jit3A_281 = arith.constant 1 : i32
      %select_n3A = arith.select %eq3A_280, %jit3A_281, %jit3A : i32
      %rem3A = arith.remsi %scan3A_278, %select_n3A : i32
      %ne3A = arith.constant 0 : i32
      %ne3A_282 = arith.cmpi ne, %rem3A, %ne3A : i32
      %lt3A = arith.constant 0 : i32
      %lt3A_283 = arith.cmpi slt, %rem3A, %lt3A : i32
      %lt3A_284 = arith.constant 0 : i32
      %lt3A_285 = arith.cmpi slt, %select_n3A, %lt3A_284 : i32
      %ne3A_286 = arith.xori %lt3A_283, %lt3A_285 : i1
      %and3A = arith.andi %ne3A_286, %ne3A_282 : i1
      %add3A_287 = arith.addi %rem3A, %select_n3A : i32
      %select_n3A_288 = arith.select %and3A, %add3A_287, %rem3A : i32
      %gt3A = arith.constant 0 : i32
      %gt3A_289 = arith.cmpi sgt, %scan3A_278, %gt3A : i32
      %convert_element_type3A = arith.extui %gt3A_289 : i1 to i32
      %cond3A = arith.constant 0 : i32
      %cond3A_290 = arith.cmpi ne, %convert_element_type3A, %cond3A : i32
      scf.if %cond3A_290 {
        %dma_wait3A_670 = arith.constant 0 : i32
        %dma_wait3A_671 = arith.constant 0 : i32
        %dma_wait3A_672 = arith.constant 0 : i32
        %dma_wait3A_673 = tpu.memref_slice %arg7[%dma_wait3A_670, %dma_wait3A_671, %dma_wait3A_672] : memref<10x80x64xf32, #tpu.memory_space<vmem>> -> memref<1x80x64xf32, #tpu.memory_space<vmem>>
        %dma_wait3A_674 = tpu.memref_squeeze %dma_wait3A_673 : memref<1x80x64xf32, #tpu.memory_space<vmem>> -> memref<80x64xf32, #tpu.memory_space<vmem>>
        %dma_wait3A_675 = arith.constant 0 : i32
        %dma_wait3A_676 = arith.constant 0 : i32
        %dma_wait3A_677 = tpu.memref_slice %arg2[%dma_wait3A_675, %dma_wait3A_676] : memref<20000x64xf32, #tpu.memory_space<hbm>> -> memref<80x64xf32, #tpu.memory_space<hbm>>
        %dma_wait3A_678 = arith.constant 0 : i32
        %dma_wait3A_679 = arith.constant 0 : i32
        %dma_wait3A_680 = tpu.memref_slice %arg7[%dma_wait3A_670, %dma_wait3A_678, %dma_wait3A_679] : memref<10x80x64xf32, #tpu.memory_space<vmem>> -> memref<1x80x64xf32, #tpu.memory_space<vmem>>
        %dma_wait3A_681 = tpu.memref_squeeze %dma_wait3A_680 : memref<1x80x64xf32, #tpu.memory_space<vmem>> -> memref<80x64xf32, #tpu.memory_space<vmem>>
        %dma_wait3A_682 = arith.constant 0 : i32
        %dma_wait3A_683 = arith.constant 0 : i32
        %dma_wait3A_684 = tpu.memref_slice %arg2[%dma_wait3A_682, %dma_wait3A_683] : memref<20000x64xf32, #tpu.memory_space<hbm>> -> memref<80x64xf32, #tpu.memory_space<hbm>>
        tpu.wait_dma2 semaphore(%arg15 : memref<!tpu.dma_semaphore, #tpu.memory_space<semaphore_mem>>) src(%dma_wait3A_684 : memref<80x64xf32, #tpu.memory_space<hbm>>) dst(%dma_wait3A_681 : memref<80x64xf32, #tpu.memory_space<vmem>>)
        %dma_wait3A_685 = arith.constant 1 : i32
        %dma_wait3A_686 = arith.constant 0 : i32
        %dma_wait3A_687 = arith.constant 0 : i32
        %dma_wait3A_688 = tpu.memref_slice %arg7[%dma_wait3A_685, %dma_wait3A_686, %dma_wait3A_687] : memref<10x80x64xf32, #tpu.memory_space<vmem>> -> memref<1x80x64xf32, #tpu.memory_space<vmem>>
        %dma_wait3A_689 = tpu.memref_squeeze %dma_wait3A_688 : memref<1x80x64xf32, #tpu.memory_space<vmem>> -> memref<80x64xf32, #tpu.memory_space<vmem>>
        %dma_wait3A_690 = arith.constant 0 : i32
        %dma_wait3A_691 = arith.constant 0 : i32
        %dma_wait3A_692 = tpu.memref_slice %arg2[%dma_wait3A_690, %dma_wait3A_691] : memref<20000x64xf32, #tpu.memory_space<hbm>> -> memref<80x64xf32, #tpu.memory_space<hbm>>
        %dma_wait3A_693 = arith.constant 0 : i32
        %dma_wait3A_694 = arith.constant 0 : i32
        %dma_wait3A_695 = tpu.memref_slice %arg7[%dma_wait3A_685, %dma_wait3A_693, %dma_wait3A_694] : memref<10x80x64xf32, #tpu.memory_space<vmem>> -> memref<1x80x64xf32, #tpu.memory_space<vmem>>
        %dma_wait3A_696 = tpu.memref_squeeze %dma_wait3A_695 : memref<1x80x64xf32, #tpu.memory_space<vmem>> -> memref<80x64xf32, #tpu.memory_space<vmem>>
        %dma_wait3A_697 = arith.constant 0 : i32
        %dma_wait3A_698 = arith.constant 0 : i32
        %dma_wait3A_699 = tpu.memref_slice %arg2[%dma_wait3A_697, %dma_wait3A_698] : memref<20000x64xf32, #tpu.memory_space<hbm>> -> memref<80x64xf32, #tpu.memory_space<hbm>>
        tpu.wait_dma2 semaphore(%arg15 : memref<!tpu.dma_semaphore, #tpu.memory_space<semaphore_mem>>) src(%dma_wait3A_699 : memref<80x64xf32, #tpu.memory_space<hbm>>) dst(%dma_wait3A_696 : memref<80x64xf32, #tpu.memory_space<vmem>>)
        %dma_wait3A_700 = arith.constant 2 : i32
        %dma_wait3A_701 = arith.constant 0 : i32
        %dma_wait3A_702 = arith.constant 0 : i32
        %dma_wait3A_703 = tpu.memref_slice %arg7[%dma_wait3A_700, %dma_wait3A_701, %dma_wait3A_702] : memref<10x80x64xf32, #tpu.memory_space<vmem>> -> memref<1x80x64xf32, #tpu.memory_space<vmem>>
        %dma_wait3A_704 = tpu.memref_squeeze %dma_wait3A_703 : memref<1x80x64xf32, #tpu.memory_space<vmem>> -> memref<80x64xf32, #tpu.memory_space<vmem>>
        %dma_wait3A_705 = arith.constant 0 : i32
        %dma_wait3A_706 = arith.constant 0 : i32
        %dma_wait3A_707 = tpu.memref_slice %arg2[%dma_wait3A_705, %dma_wait3A_706] : memref<20000x64xf32, #tpu.memory_space<hbm>> -> memref<80x64xf32, #tpu.memory_space<hbm>>
        %dma_wait3A_708 = arith.constant 0 : i32
        %dma_wait3A_709 = arith.constant 0 : i32
        %dma_wait3A_710 = tpu.memref_slice %arg7[%dma_wait3A_700, %dma_wait3A_708, %dma_wait3A_709] : memref<10x80x64xf32, #tpu.memory_space<vmem>> -> memref<1x80x64xf32, #tpu.memory_space<vmem>>
        %dma_wait3A_711 = tpu.memref_squeeze %dma_wait3A_710 : memref<1x80x64xf32, #tpu.memory_space<vmem>> -> memref<80x64xf32, #tpu.memory_space<vmem>>
        %dma_wait3A_712 = arith.constant 0 : i32
        %dma_wait3A_713 = arith.constant 0 : i32
        %dma_wait3A_714 = tpu.memref_slice %arg2[%dma_wait3A_712, %dma_wait3A_713] : memref<20000x64xf32, #tpu.memory_space<hbm>> -> memref<80x64xf32, #tpu.memory_space<hbm>>
        tpu.wait_dma2 semaphore(%arg15 : memref<!tpu.dma_semaphore, #tpu.memory_space<semaphore_mem>>) src(%dma_wait3A_714 : memref<80x64xf32, #tpu.memory_space<hbm>>) dst(%dma_wait3A_711 : memref<80x64xf32, #tpu.memory_space<vmem>>)
        %dma_wait3A_715 = arith.constant 3 : i32
        %dma_wait3A_716 = arith.constant 0 : i32
        %dma_wait3A_717 = arith.constant 0 : i32
        %dma_wait3A_718 = tpu.memref_slice %arg7[%dma_wait3A_715, %dma_wait3A_716, %dma_wait3A_717] : memref<10x80x64xf32, #tpu.memory_space<vmem>> -> memref<1x80x64xf32, #tpu.memory_space<vmem>>
        %dma_wait3A_719 = tpu.memref_squeeze %dma_wait3A_718 : memref<1x80x64xf32, #tpu.memory_space<vmem>> -> memref<80x64xf32, #tpu.memory_space<vmem>>
        %dma_wait3A_720 = arith.constant 0 : i32
        %dma_wait3A_721 = arith.constant 0 : i32
        %dma_wait3A_722 = tpu.memref_slice %arg2[%dma_wait3A_720, %dma_wait3A_721] : memref<20000x64xf32, #tpu.memory_space<hbm>> -> memref<80x64xf32, #tpu.memory_space<hbm>>
        %dma_wait3A_723 = arith.constant 0 : i32
        %dma_wait3A_724 = arith.constant 0 : i32
        %dma_wait3A_725 = tpu.memref_slice %arg7[%dma_wait3A_715, %dma_wait3A_723, %dma_wait3A_724] : memref<10x80x64xf32, #tpu.memory_space<vmem>> -> memref<1x80x64xf32, #tpu.memory_space<vmem>>
        %dma_wait3A_726 = tpu.memref_squeeze %dma_wait3A_725 : memref<1x80x64xf32, #tpu.memory_space<vmem>> -> memref<80x64xf32, #tpu.memory_space<vmem>>
        %dma_wait3A_727 = arith.constant 0 : i32
        %dma_wait3A_728 = arith.constant 0 : i32
        %dma_wait3A_729 = tpu.memref_slice %arg2[%dma_wait3A_727, %dma_wait3A_728] : memref<20000x64xf32, #tpu.memory_space<hbm>> -> memref<80x64xf32, #tpu.memory_space<hbm>>
        tpu.wait_dma2 semaphore(%arg15 : memref<!tpu.dma_semaphore, #tpu.memory_space<semaphore_mem>>) src(%dma_wait3A_729 : memref<80x64xf32, #tpu.memory_space<hbm>>) dst(%dma_wait3A_726 : memref<80x64xf32, #tpu.memory_space<vmem>>)
        %dma_wait3A_730 = arith.constant 4 : i32
        %dma_wait3A_731 = arith.constant 0 : i32
        %dma_wait3A_732 = arith.constant 0 : i32
        %dma_wait3A_733 = tpu.memref_slice %arg7[%dma_wait3A_730, %dma_wait3A_731, %dma_wait3A_732] : memref<10x80x64xf32, #tpu.memory_space<vmem>> -> memref<1x80x64xf32, #tpu.memory_space<vmem>>
        %dma_wait3A_734 = tpu.memref_squeeze %dma_wait3A_733 : memref<1x80x64xf32, #tpu.memory_space<vmem>> -> memref<80x64xf32, #tpu.memory_space<vmem>>
        %dma_wait3A_735 = arith.constant 0 : i32
        %dma_wait3A_736 = arith.constant 0 : i32
        %dma_wait3A_737 = tpu.memref_slice %arg2[%dma_wait3A_735, %dma_wait3A_736] : memref<20000x64xf32, #tpu.memory_space<hbm>> -> memref<80x64xf32, #tpu.memory_space<hbm>>
        %dma_wait3A_738 = arith.constant 0 : i32
        %dma_wait3A_739 = arith.constant 0 : i32
        %dma_wait3A_740 = tpu.memref_slice %arg7[%dma_wait3A_730, %dma_wait3A_738, %dma_wait3A_739] : memref<10x80x64xf32, #tpu.memory_space<vmem>> -> memref<1x80x64xf32, #tpu.memory_space<vmem>>
        %dma_wait3A_741 = tpu.memref_squeeze %dma_wait3A_740 : memref<1x80x64xf32, #tpu.memory_space<vmem>> -> memref<80x64xf32, #tpu.memory_space<vmem>>
        %dma_wait3A_742 = arith.constant 0 : i32
        %dma_wait3A_743 = arith.constant 0 : i32
        %dma_wait3A_744 = tpu.memref_slice %arg2[%dma_wait3A_742, %dma_wait3A_743] : memref<20000x64xf32, #tpu.memory_space<hbm>> -> memref<80x64xf32, #tpu.memory_space<hbm>>
        tpu.wait_dma2 semaphore(%arg15 : memref<!tpu.dma_semaphore, #tpu.memory_space<semaphore_mem>>) src(%dma_wait3A_744 : memref<80x64xf32, #tpu.memory_space<hbm>>) dst(%dma_wait3A_741 : memref<80x64xf32, #tpu.memory_space<vmem>>)
        %dma_wait3A_745 = arith.constant 5 : i32
        %dma_wait3A_746 = arith.constant 0 : i32
        %dma_wait3A_747 = arith.constant 0 : i32
        %dma_wait3A_748 = tpu.memref_slice %arg7[%dma_wait3A_745, %dma_wait3A_746, %dma_wait3A_747] : memref<10x80x64xf32, #tpu.memory_space<vmem>> -> memref<1x80x64xf32, #tpu.memory_space<vmem>>
        %dma_wait3A_749 = tpu.memref_squeeze %dma_wait3A_748 : memref<1x80x64xf32, #tpu.memory_space<vmem>> -> memref<80x64xf32, #tpu.memory_space<vmem>>
        %dma_wait3A_750 = arith.constant 0 : i32
        %dma_wait3A_751 = arith.constant 0 : i32
        %dma_wait3A_752 = tpu.memref_slice %arg2[%dma_wait3A_750, %dma_wait3A_751] : memref<20000x64xf32, #tpu.memory_space<hbm>> -> memref<80x64xf32, #tpu.memory_space<hbm>>
        %dma_wait3A_753 = arith.constant 0 : i32
        %dma_wait3A_754 = arith.constant 0 : i32
        %dma_wait3A_755 = tpu.memref_slice %arg7[%dma_wait3A_745, %dma_wait3A_753, %dma_wait3A_754] : memref<10x80x64xf32, #tpu.memory_space<vmem>> -> memref<1x80x64xf32, #tpu.memory_space<vmem>>
        %dma_wait3A_756 = tpu.memref_squeeze %dma_wait3A_755 : memref<1x80x64xf32, #tpu.memory_space<vmem>> -> memref<80x64xf32, #tpu.memory_space<vmem>>
        %dma_wait3A_757 = arith.constant 0 : i32
        %dma_wait3A_758 = arith.constant 0 : i32
        %dma_wait3A_759 = tpu.memref_slice %arg2[%dma_wait3A_757, %dma_wait3A_758] : memref<20000x64xf32, #tpu.memory_space<hbm>> -> memref<80x64xf32, #tpu.memory_space<hbm>>
        tpu.wait_dma2 semaphore(%arg15 : memref<!tpu.dma_semaphore, #tpu.memory_space<semaphore_mem>>) src(%dma_wait3A_759 : memref<80x64xf32, #tpu.memory_space<hbm>>) dst(%dma_wait3A_756 : memref<80x64xf32, #tpu.memory_space<vmem>>)
        %dma_wait3A_760 = arith.constant 6 : i32
        %dma_wait3A_761 = arith.constant 0 : i32
        %dma_wait3A_762 = arith.constant 0 : i32
        %dma_wait3A_763 = tpu.memref_slice %arg7[%dma_wait3A_760, %dma_wait3A_761, %dma_wait3A_762] : memref<10x80x64xf32, #tpu.memory_space<vmem>> -> memref<1x80x64xf32, #tpu.memory_space<vmem>>
        %dma_wait3A_764 = tpu.memref_squeeze %dma_wait3A_763 : memref<1x80x64xf32, #tpu.memory_space<vmem>> -> memref<80x64xf32, #tpu.memory_space<vmem>>
        %dma_wait3A_765 = arith.constant 0 : i32
        %dma_wait3A_766 = arith.constant 0 : i32
        %dma_wait3A_767 = tpu.memref_slice %arg2[%dma_wait3A_765, %dma_wait3A_766] : memref<20000x64xf32, #tpu.memory_space<hbm>> -> memref<80x64xf32, #tpu.memory_space<hbm>>
        %dma_wait3A_768 = arith.constant 0 : i32
        %dma_wait3A_769 = arith.constant 0 : i32
        %dma_wait3A_770 = tpu.memref_slice %arg7[%dma_wait3A_760, %dma_wait3A_768, %dma_wait3A_769] : memref<10x80x64xf32, #tpu.memory_space<vmem>> -> memref<1x80x64xf32, #tpu.memory_space<vmem>>
        %dma_wait3A_771 = tpu.memref_squeeze %dma_wait3A_770 : memref<1x80x64xf32, #tpu.memory_space<vmem>> -> memref<80x64xf32, #tpu.memory_space<vmem>>
        %dma_wait3A_772 = arith.constant 0 : i32
        %dma_wait3A_773 = arith.constant 0 : i32
        %dma_wait3A_774 = tpu.memref_slice %arg2[%dma_wait3A_772, %dma_wait3A_773] : memref<20000x64xf32, #tpu.memory_space<hbm>> -> memref<80x64xf32, #tpu.memory_space<hbm>>
        tpu.wait_dma2 semaphore(%arg15 : memref<!tpu.dma_semaphore, #tpu.memory_space<semaphore_mem>>) src(%dma_wait3A_774 : memref<80x64xf32, #tpu.memory_space<hbm>>) dst(%dma_wait3A_771 : memref<80x64xf32, #tpu.memory_space<vmem>>)
        %dma_wait3A_775 = arith.constant 7 : i32
        %dma_wait3A_776 = arith.constant 0 : i32
        %dma_wait3A_777 = arith.constant 0 : i32
        %dma_wait3A_778 = tpu.memref_slice %arg7[%dma_wait3A_775, %dma_wait3A_776, %dma_wait3A_777] : memref<10x80x64xf32, #tpu.memory_space<vmem>> -> memref<1x80x64xf32, #tpu.memory_space<vmem>>
        %dma_wait3A_779 = tpu.memref_squeeze %dma_wait3A_778 : memref<1x80x64xf32, #tpu.memory_space<vmem>> -> memref<80x64xf32, #tpu.memory_space<vmem>>
        %dma_wait3A_780 = arith.constant 0 : i32
        %dma_wait3A_781 = arith.constant 0 : i32
        %dma_wait3A_782 = tpu.memref_slice %arg2[%dma_wait3A_780, %dma_wait3A_781] : memref<20000x64xf32, #tpu.memory_space<hbm>> -> memref<80x64xf32, #tpu.memory_space<hbm>>
        %dma_wait3A_783 = arith.constant 0 : i32
        %dma_wait3A_784 = arith.constant 0 : i32
        %dma_wait3A_785 = tpu.memref_slice %arg7[%dma_wait3A_775, %dma_wait3A_783, %dma_wait3A_784] : memref<10x80x64xf32, #tpu.memory_space<vmem>> -> memref<1x80x64xf32, #tpu.memory_space<vmem>>
        %dma_wait3A_786 = tpu.memref_squeeze %dma_wait3A_785 : memref<1x80x64xf32, #tpu.memory_space<vmem>> -> memref<80x64xf32, #tpu.memory_space<vmem>>
        %dma_wait3A_787 = arith.constant 0 : i32
        %dma_wait3A_788 = arith.constant 0 : i32
        %dma_wait3A_789 = tpu.memref_slice %arg2[%dma_wait3A_787, %dma_wait3A_788] : memref<20000x64xf32, #tpu.memory_space<hbm>> -> memref<80x64xf32, #tpu.memory_space<hbm>>
        tpu.wait_dma2 semaphore(%arg15 : memref<!tpu.dma_semaphore, #tpu.memory_space<semaphore_mem>>) src(%dma_wait3A_789 : memref<80x64xf32, #tpu.memory_space<hbm>>) dst(%dma_wait3A_786 : memref<80x64xf32, #tpu.memory_space<vmem>>)
        %dma_wait3A_790 = arith.constant 8 : i32
        %dma_wait3A_791 = arith.constant 0 : i32
        %dma_wait3A_792 = arith.constant 0 : i32
        %dma_wait3A_793 = tpu.memref_slice %arg7[%dma_wait3A_790, %dma_wait3A_791, %dma_wait3A_792] : memref<10x80x64xf32, #tpu.memory_space<vmem>> -> memref<1x80x64xf32, #tpu.memory_space<vmem>>
        %dma_wait3A_794 = tpu.memref_squeeze %dma_wait3A_793 : memref<1x80x64xf32, #tpu.memory_space<vmem>> -> memref<80x64xf32, #tpu.memory_space<vmem>>
        %dma_wait3A_795 = arith.constant 0 : i32
        %dma_wait3A_796 = arith.constant 0 : i32
        %dma_wait3A_797 = tpu.memref_slice %arg2[%dma_wait3A_795, %dma_wait3A_796] : memref<20000x64xf32, #tpu.memory_space<hbm>> -> memref<80x64xf32, #tpu.memory_space<hbm>>
        %dma_wait3A_798 = arith.constant 0 : i32
        %dma_wait3A_799 = arith.constant 0 : i32
        %dma_wait3A_800 = tpu.memref_slice %arg7[%dma_wait3A_790, %dma_wait3A_798, %dma_wait3A_799] : memref<10x80x64xf32, #tpu.memory_space<vmem>> -> memref<1x80x64xf32, #tpu.memory_space<vmem>>
        %dma_wait3A_801 = tpu.memref_squeeze %dma_wait3A_800 : memref<1x80x64xf32, #tpu.memory_space<vmem>> -> memref<80x64xf32, #tpu.memory_space<vmem>>
        %dma_wait3A_802 = arith.constant 0 : i32
        %dma_wait3A_803 = arith.constant 0 : i32
        %dma_wait3A_804 = tpu.memref_slice %arg2[%dma_wait3A_802, %dma_wait3A_803] : memref<20000x64xf32, #tpu.memory_space<hbm>> -> memref<80x64xf32, #tpu.memory_space<hbm>>
        tpu.wait_dma2 semaphore(%arg15 : memref<!tpu.dma_semaphore, #tpu.memory_space<semaphore_mem>>) src(%dma_wait3A_804 : memref<80x64xf32, #tpu.memory_space<hbm>>) dst(%dma_wait3A_801 : memref<80x64xf32, #tpu.memory_space<vmem>>)
        %dma_wait3A_805 = arith.constant 9 : i32
        %dma_wait3A_806 = arith.constant 0 : i32
        %dma_wait3A_807 = arith.constant 0 : i32
        %dma_wait3A_808 = tpu.memref_slice %arg7[%dma_wait3A_805, %dma_wait3A_806, %dma_wait3A_807] : memref<10x80x64xf32, #tpu.memory_space<vmem>> -> memref<1x80x64xf32, #tpu.memory_space<vmem>>
        %dma_wait3A_809 = tpu.memref_squeeze %dma_wait3A_808 : memref<1x80x64xf32, #tpu.memory_space<vmem>> -> memref<80x64xf32, #tpu.memory_space<vmem>>
        %dma_wait3A_810 = arith.constant 0 : i32
        %dma_wait3A_811 = arith.constant 0 : i32
        %dma_wait3A_812 = tpu.memref_slice %arg2[%dma_wait3A_810, %dma_wait3A_811] : memref<20000x64xf32, #tpu.memory_space<hbm>> -> memref<80x64xf32, #tpu.memory_space<hbm>>
        %dma_wait3A_813 = arith.constant 0 : i32
        %dma_wait3A_814 = arith.constant 0 : i32
        %dma_wait3A_815 = tpu.memref_slice %arg7[%dma_wait3A_805, %dma_wait3A_813, %dma_wait3A_814] : memref<10x80x64xf32, #tpu.memory_space<vmem>> -> memref<1x80x64xf32, #tpu.memory_space<vmem>>
        %dma_wait3A_816 = tpu.memref_squeeze %dma_wait3A_815 : memref<1x80x64xf32, #tpu.memory_space<vmem>> -> memref<80x64xf32, #tpu.memory_space<vmem>>
        %dma_wait3A_817 = arith.constant 0 : i32
        %dma_wait3A_818 = arith.constant 0 : i32
        %dma_wait3A_819 = tpu.memref_slice %arg2[%dma_wait3A_817, %dma_wait3A_818] : memref<20000x64xf32, #tpu.memory_space<hbm>> -> memref<80x64xf32, #tpu.memory_space<hbm>>
        tpu.wait_dma2 semaphore(%arg15 : memref<!tpu.dma_semaphore, #tpu.memory_space<semaphore_mem>>) src(%dma_wait3A_819 : memref<80x64xf32, #tpu.memory_space<hbm>>) dst(%dma_wait3A_816 : memref<80x64xf32, #tpu.memory_space<vmem>>)
        %dma_wait3A_820 = arith.constant 0 : i32
        %dma_wait3A_821 = arith.constant 0 : i32
        %dma_wait3A_822 = arith.constant 0 : i32
        %dma_wait3A_823 = tpu.memref_slice %arg6[%dma_wait3A_820, %dma_wait3A_821, %dma_wait3A_822] : memref<2x10240x16xf32, #tpu.memory_space<hbm>> -> memref<1x80x16xf32, #tpu.memory_space<hbm>>
        %dma_wait3A_824 = tpu.memref_squeeze %dma_wait3A_823 : memref<1x80x16xf32, #tpu.memory_space<hbm>> -> memref<80x16xf32, #tpu.memory_space<hbm>>
        %dma_wait3A_825 = arith.constant 0 : i32
        %dma_wait3A_826 = arith.constant 0 : i32
        %dma_wait3A_827 = tpu.memref_slice %arg6[%dma_wait3A_820, %dma_wait3A_825, %dma_wait3A_826] : memref<2x10240x16xf32, #tpu.memory_space<hbm>> -> memref<1x80x16xf32, #tpu.memory_space<hbm>>
        %dma_wait3A_828 = tpu.memref_squeeze %dma_wait3A_827 : memref<1x80x16xf32, #tpu.memory_space<hbm>> -> memref<80x16xf32, #tpu.memory_space<hbm>>
        tpu.wait_dma2 semaphore(%arg15 : memref<!tpu.dma_semaphore, #tpu.memory_space<semaphore_mem>>) src(%dma_wait3A_828 : memref<80x16xf32, #tpu.memory_space<hbm>>) dst(%arg10 : memref<80x16xf32, #tpu.memory_space<vmem>>)
        %dma_wait3A_829 = arith.constant 0 : i32
        %dma_wait3A_830 = arith.constant 0 : i32
        %dma_wait3A_831 = arith.constant 0 : i32
        %dma_wait3A_832 = tpu.memref_slice %arg6[%dma_wait3A_829, %dma_wait3A_830, %dma_wait3A_831] : memref<2x10240x16xf32, #tpu.memory_space<hbm>> -> memref<1x80x16xf32, #tpu.memory_space<hbm>>
        %dma_wait3A_833 = tpu.memref_squeeze %dma_wait3A_832 : memref<1x80x16xf32, #tpu.memory_space<hbm>> -> memref<80x16xf32, #tpu.memory_space<hbm>>
        %dma_wait3A_834 = arith.constant 0 : i32
        %dma_wait3A_835 = arith.constant 0 : i32
        %dma_wait3A_836 = tpu.memref_slice %arg6[%dma_wait3A_829, %dma_wait3A_834, %dma_wait3A_835] : memref<2x10240x16xf32, #tpu.memory_space<hbm>> -> memref<1x80x16xf32, #tpu.memory_space<hbm>>
        %dma_wait3A_837 = tpu.memref_squeeze %dma_wait3A_836 : memref<1x80x16xf32, #tpu.memory_space<hbm>> -> memref<80x16xf32, #tpu.memory_space<hbm>>
        tpu.wait_dma2 semaphore(%arg15 : memref<!tpu.dma_semaphore, #tpu.memory_space<semaphore_mem>>) src(%dma_wait3A_837 : memref<80x16xf32, #tpu.memory_space<hbm>>) dst(%arg10 : memref<80x16xf32, #tpu.memory_space<vmem>>)
        %dma_wait3A_838 = arith.constant 0 : i32
        %dma_wait3A_839 = arith.constant 0 : i32
        %dma_wait3A_840 = arith.constant 0 : i32
        %dma_wait3A_841 = tpu.memref_slice %arg6[%dma_wait3A_838, %dma_wait3A_839, %dma_wait3A_840] : memref<2x10240x16xf32, #tpu.memory_space<hbm>> -> memref<1x80x16xf32, #tpu.memory_space<hbm>>
        %dma_wait3A_842 = tpu.memref_squeeze %dma_wait3A_841 : memref<1x80x16xf32, #tpu.memory_space<hbm>> -> memref<80x16xf32, #tpu.memory_space<hbm>>
        %dma_wait3A_843 = arith.constant 0 : i32
        %dma_wait3A_844 = arith.constant 0 : i32
        %dma_wait3A_845 = tpu.memref_slice %arg6[%dma_wait3A_838, %dma_wait3A_843, %dma_wait3A_844] : memref<2x10240x16xf32, #tpu.memory_space<hbm>> -> memref<1x80x16xf32, #tpu.memory_space<hbm>>
        %dma_wait3A_846 = tpu.memref_squeeze %dma_wait3A_845 : memref<1x80x16xf32, #tpu.memory_space<hbm>> -> memref<80x16xf32, #tpu.memory_space<hbm>>
        tpu.wait_dma2 semaphore(%arg15 : memref<!tpu.dma_semaphore, #tpu.memory_space<semaphore_mem>>) src(%dma_wait3A_846 : memref<80x16xf32, #tpu.memory_space<hbm>>) dst(%arg10 : memref<80x16xf32, #tpu.memory_space<vmem>>)
        %dma_wait3A_847 = arith.constant 0 : i32
        %dma_wait3A_848 = arith.constant 0 : i32
        %dma_wait3A_849 = arith.constant 0 : i32
        %dma_wait3A_850 = tpu.memref_slice %arg6[%dma_wait3A_847, %dma_wait3A_848, %dma_wait3A_849] : memref<2x10240x16xf32, #tpu.memory_space<hbm>> -> memref<1x80x16xf32, #tpu.memory_space<hbm>>
        %dma_wait3A_851 = tpu.memref_squeeze %dma_wait3A_850 : memref<1x80x16xf32, #tpu.memory_space<hbm>> -> memref<80x16xf32, #tpu.memory_space<hbm>>
        %dma_wait3A_852 = arith.constant 0 : i32
        %dma_wait3A_853 = arith.constant 0 : i32
        %dma_wait3A_854 = tpu.memref_slice %arg6[%dma_wait3A_847, %dma_wait3A_852, %dma_wait3A_853] : memref<2x10240x16xf32, #tpu.memory_space<hbm>> -> memref<1x80x16xf32, #tpu.memory_space<hbm>>
        %dma_wait3A_855 = tpu.memref_squeeze %dma_wait3A_854 : memref<1x80x16xf32, #tpu.memory_space<hbm>> -> memref<80x16xf32, #tpu.memory_space<hbm>>
        tpu.wait_dma2 semaphore(%arg15 : memref<!tpu.dma_semaphore, #tpu.memory_space<semaphore_mem>>) src(%dma_wait3A_855 : memref<80x16xf32, #tpu.memory_space<hbm>>) dst(%arg10 : memref<80x16xf32, #tpu.memory_space<vmem>>)
        %dma_wait3A_856 = arith.constant 0 : i32
        %dma_wait3A_857 = arith.constant 0 : i32
        %dma_wait3A_858 = arith.constant 0 : i32
        %dma_wait3A_859 = tpu.memref_slice %arg6[%dma_wait3A_856, %dma_wait3A_857, %dma_wait3A_858] : memref<2x10240x16xf32, #tpu.memory_space<hbm>> -> memref<1x80x16xf32, #tpu.memory_space<hbm>>
        %dma_wait3A_860 = tpu.memref_squeeze %dma_wait3A_859 : memref<1x80x16xf32, #tpu.memory_space<hbm>> -> memref<80x16xf32, #tpu.memory_space<hbm>>
        %dma_wait3A_861 = arith.constant 0 : i32
        %dma_wait3A_862 = arith.constant 0 : i32
        %dma_wait3A_863 = tpu.memref_slice %arg6[%dma_wait3A_856, %dma_wait3A_861, %dma_wait3A_862] : memref<2x10240x16xf32, #tpu.memory_space<hbm>> -> memref<1x80x16xf32, #tpu.memory_space<hbm>>
        %dma_wait3A_864 = tpu.memref_squeeze %dma_wait3A_863 : memref<1x80x16xf32, #tpu.memory_space<hbm>> -> memref<80x16xf32, #tpu.memory_space<hbm>>
        tpu.wait_dma2 semaphore(%arg15 : memref<!tpu.dma_semaphore, #tpu.memory_space<semaphore_mem>>) src(%dma_wait3A_864 : memref<80x16xf32, #tpu.memory_space<hbm>>) dst(%arg10 : memref<80x16xf32, #tpu.memory_space<vmem>>)
      } else {
      }
      %add3A_291 = arith.constant 1 : i32
      %add3A_292 = arith.addi %scan3A_278, %add3A_291 : i32
      %lt3A_293 = arith.constant 25 : i32
      %lt3A_294 = arith.cmpi slt, %add3A_292, %lt3A_293 : i32
      %convert_element_type3A_295 = arith.extui %lt3A_294 : i1 to i32
      %cond3A_296 = arith.constant 0 : i32
      %cond3A_297 = arith.cmpi ne, %convert_element_type3A_295, %cond3A_296 : i32
      scf.if %cond3A_297 {
        %mul3A_670 = arith.constant 20000 : i32
        %mul3A_671 = arith.muli %arg1, %mul3A_670 : i32
        %add3A_672 = arith.constant 1 : i32
        %add3A_673 = arith.addi %scan3A_278, %add3A_672 : i32
        %mul3A_674 = arith.constant 10 : i32
        %mul3A_675 = arith.muli %add3A_673, %mul3A_674 : i32
        %mul3A_676 = arith.constant 80 : i32
        %mul3A_677 = arith.muli %mul3A_675, %mul3A_676 : i32
        %add3A_678 = arith.addi %mul3A_671, %mul3A_677 : i32
        %sub3A = arith.constant 1 : i32
        %sub3A_679 = arith.subi %sub3A, %select_n3A_288 : i32
        %dma_start3A_680 = arith.constant 0 : i32
        %dma_start3A_681 = arith.constant 0 : i32
        %dma_start3A_682 = tpu.memref_slice %arg8[%sub3A_679, %dma_start3A_681] : memref<2x800xi32, #tpu.memory_space<vmem>> -> memref<1x800xi32, #tpu.memory_space<vmem>>
        %dma_start3A_683 = tpu.memref_squeeze %dma_start3A_682 : memref<1x800xi32, #tpu.memory_space<vmem>> -> memref<800xi32, #tpu.memory_space<vmem>>
        %dma_start3A_684 = tpu.memref_slice %arg3[%dma_start3A_680, %add3A_678] : memref<2x320000xi32, #tpu.memory_space<hbm>> -> memref<1x800xi32, #tpu.memory_space<hbm>>
        %dma_start3A_685 = tpu.memref_squeeze %dma_start3A_684 : memref<1x800xi32, #tpu.memory_space<hbm>> -> memref<800xi32, #tpu.memory_space<hbm>>
        %dma_start3A_686 = arith.constant 0 : i32
        %dma_start3A_687 = tpu.memref_slice %arg8[%sub3A_679, %dma_start3A_686] : memref<2x800xi32, #tpu.memory_space<vmem>> -> memref<1x800xi32, #tpu.memory_space<vmem>>
        %dma_start3A_688 = tpu.memref_squeeze %dma_start3A_687 : memref<1x800xi32, #tpu.memory_space<vmem>> -> memref<800xi32, #tpu.memory_space<vmem>>
        %dma_start3A_689 = tpu.memref_slice %arg3[%dma_start3A_680, %add3A_678] : memref<2x320000xi32, #tpu.memory_space<hbm>> -> memref<1x800xi32, #tpu.memory_space<hbm>>
        %dma_start3A_690 = tpu.memref_squeeze %dma_start3A_689 : memref<1x800xi32, #tpu.memory_space<hbm>> -> memref<800xi32, #tpu.memory_space<hbm>>
        tpu.enqueue_dma source(%dma_start3A_690 : memref<800xi32, #tpu.memory_space<hbm>>) target(%dma_start3A_688 : memref<800xi32, #tpu.memory_space<vmem>>) target_semaphore(%arg16 : memref<!tpu.dma_semaphore, #tpu.memory_space<semaphore_mem>>)
        %mul3A_691 = arith.constant 20000 : i32
        %mul3A_692 = arith.muli %arg1, %mul3A_691 : i32
        %add3A_693 = arith.constant 1 : i32
        %add3A_694 = arith.addi %scan3A_278, %add3A_693 : i32
        %mul3A_695 = arith.constant 10 : i32
        %mul3A_696 = arith.muli %add3A_694, %mul3A_695 : i32
        %mul3A_697 = arith.constant 80 : i32
        %mul3A_698 = arith.muli %mul3A_696, %mul3A_697 : i32
        %add3A_699 = arith.addi %mul3A_692, %mul3A_698 : i32
        %sub3A_700 = arith.constant 1 : i32
        %sub3A_701 = arith.subi %sub3A_700, %select_n3A_288 : i32
        %dma_start3A_702 = arith.constant 1 : i32
        %dma_start3A_703 = arith.constant 0 : i32
        %dma_start3A_704 = tpu.memref_slice %arg9[%sub3A_701, %dma_start3A_703] : memref<2x800xi32, #tpu.memory_space<vmem>> -> memref<1x800xi32, #tpu.memory_space<vmem>>
        %dma_start3A_705 = tpu.memref_squeeze %dma_start3A_704 : memref<1x800xi32, #tpu.memory_space<vmem>> -> memref<800xi32, #tpu.memory_space<vmem>>
        %dma_start3A_706 = tpu.memref_slice %arg4[%dma_start3A_702, %add3A_699] : memref<2x320000xi32, #tpu.memory_space<hbm>> -> memref<1x800xi32, #tpu.memory_space<hbm>>
        %dma_start3A_707 = tpu.memref_squeeze %dma_start3A_706 : memref<1x800xi32, #tpu.memory_space<hbm>> -> memref<800xi32, #tpu.memory_space<hbm>>
        %dma_start3A_708 = arith.constant 0 : i32
        %dma_start3A_709 = tpu.memref_slice %arg9[%sub3A_701, %dma_start3A_708] : memref<2x800xi32, #tpu.memory_space<vmem>> -> memref<1x800xi32, #tpu.memory_space<vmem>>
        %dma_start3A_710 = tpu.memref_squeeze %dma_start3A_709 : memref<1x800xi32, #tpu.memory_space<vmem>> -> memref<800xi32, #tpu.memory_space<vmem>>
        %dma_start3A_711 = tpu.memref_slice %arg4[%dma_start3A_702, %add3A_699] : memref<2x320000xi32, #tpu.memory_space<hbm>> -> memref<1x800xi32, #tpu.memory_space<hbm>>
        %dma_start3A_712 = tpu.memref_squeeze %dma_start3A_711 : memref<1x800xi32, #tpu.memory_space<hbm>> -> memref<800xi32, #tpu.memory_space<hbm>>
        tpu.enqueue_dma source(%dma_start3A_712 : memref<800xi32, #tpu.memory_space<hbm>>) target(%dma_start3A_710 : memref<800xi32, #tpu.memory_space<vmem>>) target_semaphore(%arg16 : memref<!tpu.dma_semaphore, #tpu.memory_space<semaphore_mem>>)
      } else {
      }
      %dma_start3A = arith.constant 0 : i32
      %dma_start3A_298 = arith.constant 0 : i32
      %dma_start3A_299 = arith.constant 0 : i32
      %dma_start3A_300 = tpu.memref_slice %arg7[%dma_start3A, %dma_start3A_298, %dma_start3A_299] : memref<10x80x64xf32, #tpu.memory_space<vmem>> -> memref<1x80x64xf32, #tpu.memory_space<vmem>>
      %dma_start3A_301 = tpu.memref_squeeze %dma_start3A_300 : memref<1x80x64xf32, #tpu.memory_space<vmem>> -> memref<80x64xf32, #tpu.memory_space<vmem>>
      %dma_start3A_302 = arith.constant 0 : i32
      %dma_start3A_303 = tpu.memref_slice %arg8[%select_n3A_288, %dma_start3A_302] : memref<2x800xi32, #tpu.memory_space<vmem>> -> memref<1x80xi32, #tpu.memory_space<vmem>>
      %dma_start3A_304 = tpu.memref_squeeze %dma_start3A_303 : memref<1x80xi32, #tpu.memory_space<vmem>> -> memref<80xi32, #tpu.memory_space<vmem>>
      %dma_start3A_305 = arith.constant 0 : i32
      %dma_start3A_306 = arith.constant 0 : i32
      %dma_start3A_307 = tpu.memref_slice %arg2[%dma_start3A_305, %dma_start3A_306] : memref<20000x64xf32, #tpu.memory_space<hbm>> -> memref<20000x64xf32, #tpu.memory_space<hbm>>
      tpu.enqueue_indirect_dma source(%dma_start3A_307 : memref<20000x64xf32, #tpu.memory_space<hbm>>) target(%dma_start3A_301 : memref<80x64xf32, #tpu.memory_space<vmem>>) offsets(%dma_start3A_304 : memref<80xi32, #tpu.memory_space<vmem>>) semaphore(%arg14 : memref<!tpu.dma_semaphore, #tpu.memory_space<semaphore_mem>>)
      %dma_start3A_308 = arith.constant 1 : i32
      %dma_start3A_309 = arith.constant 0 : i32
      %dma_start3A_310 = arith.constant 0 : i32
      %dma_start3A_311 = tpu.memref_slice %arg7[%dma_start3A_308, %dma_start3A_309, %dma_start3A_310] : memref<10x80x64xf32, #tpu.memory_space<vmem>> -> memref<1x80x64xf32, #tpu.memory_space<vmem>>
      %dma_start3A_312 = tpu.memref_squeeze %dma_start3A_311 : memref<1x80x64xf32, #tpu.memory_space<vmem>> -> memref<80x64xf32, #tpu.memory_space<vmem>>
      %dma_start3A_313 = arith.constant 80 : i32
      %dma_start3A_314 = tpu.memref_slice %arg8[%select_n3A_288, %dma_start3A_313] : memref<2x800xi32, #tpu.memory_space<vmem>> -> memref<1x80xi32, #tpu.memory_space<vmem>>
      %dma_start3A_315 = tpu.memref_squeeze %dma_start3A_314 : memref<1x80xi32, #tpu.memory_space<vmem>> -> memref<80xi32, #tpu.memory_space<vmem>>
      %dma_start3A_316 = arith.constant 0 : i32
      %dma_start3A_317 = arith.constant 0 : i32
      %dma_start3A_318 = tpu.memref_slice %arg2[%dma_start3A_316, %dma_start3A_317] : memref<20000x64xf32, #tpu.memory_space<hbm>> -> memref<20000x64xf32, #tpu.memory_space<hbm>>
      tpu.enqueue_indirect_dma source(%dma_start3A_318 : memref<20000x64xf32, #tpu.memory_space<hbm>>) target(%dma_start3A_312 : memref<80x64xf32, #tpu.memory_space<vmem>>) offsets(%dma_start3A_315 : memref<80xi32, #tpu.memory_space<vmem>>) semaphore(%arg14 : memref<!tpu.dma_semaphore, #tpu.memory_space<semaphore_mem>>)
      %dma_start3A_319 = arith.constant 2 : i32
      %dma_start3A_320 = arith.constant 0 : i32
      %dma_start3A_321 = arith.constant 0 : i32
      %dma_start3A_322 = tpu.memref_slice %arg7[%dma_start3A_319, %dma_start3A_320, %dma_start3A_321] : memref<10x80x64xf32, #tpu.memory_space<vmem>> -> memref<1x80x64xf32, #tpu.memory_space<vmem>>
      %dma_start3A_323 = tpu.memref_squeeze %dma_start3A_322 : memref<1x80x64xf32, #tpu.memory_space<vmem>> -> memref<80x64xf32, #tpu.memory_space<vmem>>
      %dma_start3A_324 = arith.constant 160 : i32
      %dma_start3A_325 = tpu.memref_slice %arg8[%select_n3A_288, %dma_start3A_324] : memref<2x800xi32, #tpu.memory_space<vmem>> -> memref<1x80xi32, #tpu.memory_space<vmem>>
      %dma_start3A_326 = tpu.memref_squeeze %dma_start3A_325 : memref<1x80xi32, #tpu.memory_space<vmem>> -> memref<80xi32, #tpu.memory_space<vmem>>
      %dma_start3A_327 = arith.constant 0 : i32
      %dma_start3A_328 = arith.constant 0 : i32
      %dma_start3A_329 = tpu.memref_slice %arg2[%dma_start3A_327, %dma_start3A_328] : memref<20000x64xf32, #tpu.memory_space<hbm>> -> memref<20000x64xf32, #tpu.memory_space<hbm>>
      tpu.enqueue_indirect_dma source(%dma_start3A_329 : memref<20000x64xf32, #tpu.memory_space<hbm>>) target(%dma_start3A_323 : memref<80x64xf32, #tpu.memory_space<vmem>>) offsets(%dma_start3A_326 : memref<80xi32, #tpu.memory_space<vmem>>) semaphore(%arg14 : memref<!tpu.dma_semaphore, #tpu.memory_space<semaphore_mem>>)
      %dma_start3A_330 = arith.constant 3 : i32
      %dma_start3A_331 = arith.constant 0 : i32
      %dma_start3A_332 = arith.constant 0 : i32
      %dma_start3A_333 = tpu.memref_slice %arg7[%dma_start3A_330, %dma_start3A_331, %dma_start3A_332] : memref<10x80x64xf32, #tpu.memory_space<vmem>> -> memref<1x80x64xf32, #tpu.memory_space<vmem>>
      %dma_start3A_334 = tpu.memref_squeeze %dma_start3A_333 : memref<1x80x64xf32, #tpu.memory_space<vmem>> -> memref<80x64xf32, #tpu.memory_space<vmem>>
      %dma_start3A_335 = arith.constant 240 : i32
      %dma_start3A_336 = tpu.memref_slice %arg8[%select_n3A_288, %dma_start3A_335] : memref<2x800xi32, #tpu.memory_space<vmem>> -> memref<1x80xi32, #tpu.memory_space<vmem>>
      %dma_start3A_337 = tpu.memref_squeeze %dma_start3A_336 : memref<1x80xi32, #tpu.memory_space<vmem>> -> memref<80xi32, #tpu.memory_space<vmem>>
      %dma_start3A_338 = arith.constant 0 : i32
      %dma_start3A_339 = arith.constant 0 : i32
      %dma_start3A_340 = tpu.memref_slice %arg2[%dma_start3A_338, %dma_start3A_339] : memref<20000x64xf32, #tpu.memory_space<hbm>> -> memref<20000x64xf32, #tpu.memory_space<hbm>>
      tpu.enqueue_indirect_dma source(%dma_start3A_340 : memref<20000x64xf32, #tpu.memory_space<hbm>>) target(%dma_start3A_334 : memref<80x64xf32, #tpu.memory_space<vmem>>) offsets(%dma_start3A_337 : memref<80xi32, #tpu.memory_space<vmem>>) semaphore(%arg14 : memref<!tpu.dma_semaphore, #tpu.memory_space<semaphore_mem>>)
      %dma_start3A_341 = arith.constant 4 : i32
      %dma_start3A_342 = arith.constant 0 : i32
      %dma_start3A_343 = arith.constant 0 : i32
      %dma_start3A_344 = tpu.memref_slice %arg7[%dma_start3A_341, %dma_start3A_342, %dma_start3A_343] : memref<10x80x64xf32, #tpu.memory_space<vmem>> -> memref<1x80x64xf32, #tpu.memory_space<vmem>>
      %dma_start3A_345 = tpu.memref_squeeze %dma_start3A_344 : memref<1x80x64xf32, #tpu.memory_space<vmem>> -> memref<80x64xf32, #tpu.memory_space<vmem>>
      %dma_start3A_346 = arith.constant 320 : i32
      %dma_start3A_347 = tpu.memref_slice %arg8[%select_n3A_288, %dma_start3A_346] : memref<2x800xi32, #tpu.memory_space<vmem>> -> memref<1x80xi32, #tpu.memory_space<vmem>>
      %dma_start3A_348 = tpu.memref_squeeze %dma_start3A_347 : memref<1x80xi32, #tpu.memory_space<vmem>> -> memref<80xi32, #tpu.memory_space<vmem>>
      %dma_start3A_349 = arith.constant 0 : i32
      %dma_start3A_350 = arith.constant 0 : i32
      %dma_start3A_351 = tpu.memref_slice %arg2[%dma_start3A_349, %dma_start3A_350] : memref<20000x64xf32, #tpu.memory_space<hbm>> -> memref<20000x64xf32, #tpu.memory_space<hbm>>
      tpu.enqueue_indirect_dma source(%dma_start3A_351 : memref<20000x64xf32, #tpu.memory_space<hbm>>) target(%dma_start3A_345 : memref<80x64xf32, #tpu.memory_space<vmem>>) offsets(%dma_start3A_348 : memref<80xi32, #tpu.memory_space<vmem>>) semaphore(%arg14 : memref<!tpu.dma_semaphore, #tpu.memory_space<semaphore_mem>>)
      %dma_start3A_352 = arith.constant 5 : i32
      %dma_start3A_353 = arith.constant 0 : i32
      %dma_start3A_354 = arith.constant 0 : i32
      %dma_start3A_355 = tpu.memref_slice %arg7[%dma_start3A_352, %dma_start3A_353, %dma_start3A_354] : memref<10x80x64xf32, #tpu.memory_space<vmem>> -> memref<1x80x64xf32, #tpu.memory_space<vmem>>
      %dma_start3A_356 = tpu.memref_squeeze %dma_start3A_355 : memref<1x80x64xf32, #tpu.memory_space<vmem>> -> memref<80x64xf32, #tpu.memory_space<vmem>>
      %dma_start3A_357 = arith.constant 400 : i32
      %dma_start3A_358 = tpu.memref_slice %arg8[%select_n3A_288, %dma_start3A_357] : memref<2x800xi32, #tpu.memory_space<vmem>> -> memref<1x80xi32, #tpu.memory_space<vmem>>
      %dma_start3A_359 = tpu.memref_squeeze %dma_start3A_358 : memref<1x80xi32, #tpu.memory_space<vmem>> -> memref<80xi32, #tpu.memory_space<vmem>>
      %dma_start3A_360 = arith.constant 0 : i32
      %dma_start3A_361 = arith.constant 0 : i32
      %dma_start3A_362 = tpu.memref_slice %arg2[%dma_start3A_360, %dma_start3A_361] : memref<20000x64xf32, #tpu.memory_space<hbm>> -> memref<20000x64xf32, #tpu.memory_space<hbm>>
      tpu.enqueue_indirect_dma source(%dma_start3A_362 : memref<20000x64xf32, #tpu.memory_space<hbm>>) target(%dma_start3A_356 : memref<80x64xf32, #tpu.memory_space<vmem>>) offsets(%dma_start3A_359 : memref<80xi32, #tpu.memory_space<vmem>>) semaphore(%arg14 : memref<!tpu.dma_semaphore, #tpu.memory_space<semaphore_mem>>)
      %dma_start3A_363 = arith.constant 6 : i32
      %dma_start3A_364 = arith.constant 0 : i32
      %dma_start3A_365 = arith.constant 0 : i32
      %dma_start3A_366 = tpu.memref_slice %arg7[%dma_start3A_363, %dma_start3A_364, %dma_start3A_365] : memref<10x80x64xf32, #tpu.memory_space<vmem>> -> memref<1x80x64xf32, #tpu.memory_space<vmem>>
      %dma_start3A_367 = tpu.memref_squeeze %dma_start3A_366 : memref<1x80x64xf32, #tpu.memory_space<vmem>> -> memref<80x64xf32, #tpu.memory_space<vmem>>
      %dma_start3A_368 = arith.constant 480 : i32
      %dma_start3A_369 = tpu.memref_slice %arg8[%select_n3A_288, %dma_start3A_368] : memref<2x800xi32, #tpu.memory_space<vmem>> -> memref<1x80xi32, #tpu.memory_space<vmem>>
      %dma_start3A_370 = tpu.memref_squeeze %dma_start3A_369 : memref<1x80xi32, #tpu.memory_space<vmem>> -> memref<80xi32, #tpu.memory_space<vmem>>
      %dma_start3A_371 = arith.constant 0 : i32
      %dma_start3A_372 = arith.constant 0 : i32
      %dma_start3A_373 = tpu.memref_slice %arg2[%dma_start3A_371, %dma_start3A_372] : memref<20000x64xf32, #tpu.memory_space<hbm>> -> memref<20000x64xf32, #tpu.memory_space<hbm>>
      tpu.enqueue_indirect_dma source(%dma_start3A_373 : memref<20000x64xf32, #tpu.memory_space<hbm>>) target(%dma_start3A_367 : memref<80x64xf32, #tpu.memory_space<vmem>>) offsets(%dma_start3A_370 : memref<80xi32, #tpu.memory_space<vmem>>) semaphore(%arg14 : memref<!tpu.dma_semaphore, #tpu.memory_space<semaphore_mem>>)
      %dma_start3A_374 = arith.constant 7 : i32
      %dma_start3A_375 = arith.constant 0 : i32
      %dma_start3A_376 = arith.constant 0 : i32
      %dma_start3A_377 = tpu.memref_slice %arg7[%dma_start3A_374, %dma_start3A_375, %dma_start3A_376] : memref<10x80x64xf32, #tpu.memory_space<vmem>> -> memref<1x80x64xf32, #tpu.memory_space<vmem>>
      %dma_start3A_378 = tpu.memref_squeeze %dma_start3A_377 : memref<1x80x64xf32, #tpu.memory_space<vmem>> -> memref<80x64xf32, #tpu.memory_space<vmem>>
      %dma_start3A_379 = arith.constant 560 : i32
      %dma_start3A_380 = tpu.memref_slice %arg8[%select_n3A_288, %dma_start3A_379] : memref<2x800xi32, #tpu.memory_space<vmem>> -> memref<1x80xi32, #tpu.memory_space<vmem>>
      %dma_start3A_381 = tpu.memref_squeeze %dma_start3A_380 : memref<1x80xi32, #tpu.memory_space<vmem>> -> memref<80xi32, #tpu.memory_space<vmem>>
      %dma_start3A_382 = arith.constant 0 : i32
      %dma_start3A_383 = arith.constant 0 : i32
      %dma_start3A_384 = tpu.memref_slice %arg2[%dma_start3A_382, %dma_start3A_383] : memref<20000x64xf32, #tpu.memory_space<hbm>> -> memref<20000x64xf32, #tpu.memory_space<hbm>>
      tpu.enqueue_indirect_dma source(%dma_start3A_384 : memref<20000x64xf32, #tpu.memory_space<hbm>>) target(%dma_start3A_378 : memref<80x64xf32, #tpu.memory_space<vmem>>) offsets(%dma_start3A_381 : memref<80xi32, #tpu.memory_space<vmem>>) semaphore(%arg14 : memref<!tpu.dma_semaphore, #tpu.memory_space<semaphore_mem>>)
      %dma_start3A_385 = arith.constant 8 : i32
      %dma_start3A_386 = arith.constant 0 : i32
      %dma_start3A_387 = arith.constant 0 : i32
      %dma_start3A_388 = tpu.memref_slice %arg7[%dma_start3A_385, %dma_start3A_386, %dma_start3A_387] : memref<10x80x64xf32, #tpu.memory_space<vmem>> -> memref<1x80x64xf32, #tpu.memory_space<vmem>>
      %dma_start3A_389 = tpu.memref_squeeze %dma_start3A_388 : memref<1x80x64xf32, #tpu.memory_space<vmem>> -> memref<80x64xf32, #tpu.memory_space<vmem>>
      %dma_start3A_390 = arith.constant 640 : i32
      %dma_start3A_391 = tpu.memref_slice %arg8[%select_n3A_288, %dma_start3A_390] : memref<2x800xi32, #tpu.memory_space<vmem>> -> memref<1x80xi32, #tpu.memory_space<vmem>>
      %dma_start3A_392 = tpu.memref_squeeze %dma_start3A_391 : memref<1x80xi32, #tpu.memory_space<vmem>> -> memref<80xi32, #tpu.memory_space<vmem>>
      %dma_start3A_393 = arith.constant 0 : i32
      %dma_start3A_394 = arith.constant 0 : i32
      %dma_start3A_395 = tpu.memref_slice %arg2[%dma_start3A_393, %dma_start3A_394] : memref<20000x64xf32, #tpu.memory_space<hbm>> -> memref<20000x64xf32, #tpu.memory_space<hbm>>
      tpu.enqueue_indirect_dma source(%dma_start3A_395 : memref<20000x64xf32, #tpu.memory_space<hbm>>) target(%dma_start3A_389 : memref<80x64xf32, #tpu.memory_space<vmem>>) offsets(%dma_start3A_392 : memref<80xi32, #tpu.memory_space<vmem>>) semaphore(%arg14 : memref<!tpu.dma_semaphore, #tpu.memory_space<semaphore_mem>>)
      %dma_start3A_396 = arith.constant 9 : i32
      %dma_start3A_397 = arith.constant 0 : i32
      %dma_start3A_398 = arith.constant 0 : i32
      %dma_start3A_399 = tpu.memref_slice %arg7[%dma_start3A_396, %dma_start3A_397, %dma_start3A_398] : memref<10x80x64xf32, #tpu.memory_space<vmem>> -> memref<1x80x64xf32, #tpu.memory_space<vmem>>
      %dma_start3A_400 = tpu.memref_squeeze %dma_start3A_399 : memref<1x80x64xf32, #tpu.memory_space<vmem>> -> memref<80x64xf32, #tpu.memory_space<vmem>>
      %dma_start3A_401 = arith.constant 720 : i32
      %dma_start3A_402 = tpu.memref_slice %arg8[%select_n3A_288, %dma_start3A_401] : memref<2x800xi32, #tpu.memory_space<vmem>> -> memref<1x80xi32, #tpu.memory_space<vmem>>
      %dma_start3A_403 = tpu.memref_squeeze %dma_start3A_402 : memref<1x80xi32, #tpu.memory_space<vmem>> -> memref<80xi32, #tpu.memory_space<vmem>>
      %dma_start3A_404 = arith.constant 0 : i32
      %dma_start3A_405 = arith.constant 0 : i32
      %dma_start3A_406 = tpu.memref_slice %arg2[%dma_start3A_404, %dma_start3A_405] : memref<20000x64xf32, #tpu.memory_space<hbm>> -> memref<20000x64xf32, #tpu.memory_space<hbm>>
      tpu.enqueue_indirect_dma source(%dma_start3A_406 : memref<20000x64xf32, #tpu.memory_space<hbm>>) target(%dma_start3A_400 : memref<80x64xf32, #tpu.memory_space<vmem>>) offsets(%dma_start3A_403 : memref<80xi32, #tpu.memory_space<vmem>>) semaphore(%arg14 : memref<!tpu.dma_semaphore, #tpu.memory_space<semaphore_mem>>)
      %add3A_407 = arith.constant 0 : i32
      %add3A_408 = arith.addi %add3A_407, %mul3A_0 : i32
      %dma_start3A_409 = tpu.memref_slice %arg9[%select_n3A_288, %add3A_408] : memref<2x800xi32, #tpu.memory_space<vmem>> -> memref<1x80xi32, #tpu.memory_space<vmem>>
      %dma_start3A_410 = tpu.memref_squeeze %dma_start3A_409 : memref<1x80xi32, #tpu.memory_space<vmem>> -> memref<80xi32, #tpu.memory_space<vmem>>
      %dma_start3A_411 = arith.constant 0 : i32
      %dma_start3A_412 = arith.constant 0 : i32
      %dma_start3A_413 = tpu.memref_slice %arg13[%dma_start3A_411, %dma_start3A_412] : memref<10240x16xf32, #tpu.memory_space<vmem_shared>> -> memref<10240x16xf32, #tpu.memory_space<vmem_shared>>
      tpu.enqueue_indirect_dma source(%arg10 : memref<80x16xf32, #tpu.memory_space<vmem>>) target(%dma_start3A_413 : memref<10240x16xf32, #tpu.memory_space<vmem_shared>>) offsets(%dma_start3A_410 : memref<80xi32, #tpu.memory_space<vmem>>) semaphore(%arg15 : memref<!tpu.dma_semaphore, #tpu.memory_space<semaphore_mem>>) {add = true}
      %add3A_414 = arith.constant 160 : i32
      %add3A_415 = arith.addi %add3A_414, %mul3A_0 : i32
      %dma_start3A_416 = tpu.memref_slice %arg9[%select_n3A_288, %add3A_415] : memref<2x800xi32, #tpu.memory_space<vmem>> -> memref<1x80xi32, #tpu.memory_space<vmem>>
      %dma_start3A_417 = tpu.memref_squeeze %dma_start3A_416 : memref<1x80xi32, #tpu.memory_space<vmem>> -> memref<80xi32, #tpu.memory_space<vmem>>
      %dma_start3A_418 = arith.constant 0 : i32
      %dma_start3A_419 = arith.constant 0 : i32
      %dma_start3A_420 = tpu.memref_slice %arg13[%dma_start3A_418, %dma_start3A_419] : memref<10240x16xf32, #tpu.memory_space<vmem_shared>> -> memref<10240x16xf32, #tpu.memory_space<vmem_shared>>
      tpu.enqueue_indirect_dma source(%arg10 : memref<80x16xf32, #tpu.memory_space<vmem>>) target(%dma_start3A_420 : memref<10240x16xf32, #tpu.memory_space<vmem_shared>>) offsets(%dma_start3A_417 : memref<80xi32, #tpu.memory_space<vmem>>) semaphore(%arg15 : memref<!tpu.dma_semaphore, #tpu.memory_space<semaphore_mem>>) {add = true}
      %add3A_421 = arith.constant 320 : i32
      %add3A_422 = arith.addi %add3A_421, %mul3A_0 : i32
      %dma_start3A_423 = tpu.memref_slice %arg9[%select_n3A_288, %add3A_422] : memref<2x800xi32, #tpu.memory_space<vmem>> -> memref<1x80xi32, #tpu.memory_space<vmem>>
      %dma_start3A_424 = tpu.memref_squeeze %dma_start3A_423 : memref<1x80xi32, #tpu.memory_space<vmem>> -> memref<80xi32, #tpu.memory_space<vmem>>
      %dma_start3A_425 = arith.constant 0 : i32
      %dma_start3A_426 = arith.constant 0 : i32
      %dma_start3A_427 = tpu.memref_slice %arg13[%dma_start3A_425, %dma_start3A_426] : memref<10240x16xf32, #tpu.memory_space<vmem_shared>> -> memref<10240x16xf32, #tpu.memory_space<vmem_shared>>
      tpu.enqueue_indirect_dma source(%arg10 : memref<80x16xf32, #tpu.memory_space<vmem>>) target(%dma_start3A_427 : memref<10240x16xf32, #tpu.memory_space<vmem_shared>>) offsets(%dma_start3A_424 : memref<80xi32, #tpu.memory_space<vmem>>) semaphore(%arg15 : memref<!tpu.dma_semaphore, #tpu.memory_space<semaphore_mem>>) {add = true}
      %add3A_428 = arith.constant 480 : i32
      %add3A_429 = arith.addi %add3A_428, %mul3A_0 : i32
      %dma_start3A_430 = tpu.memref_slice %arg9[%select_n3A_288, %add3A_429] : memref<2x800xi32, #tpu.memory_space<vmem>> -> memref<1x80xi32, #tpu.memory_space<vmem>>
      %dma_start3A_431 = tpu.memref_squeeze %dma_start3A_430 : memref<1x80xi32, #tpu.memory_space<vmem>> -> memref<80xi32, #tpu.memory_space<vmem>>
      %dma_start3A_432 = arith.constant 0 : i32
      %dma_start3A_433 = arith.constant 0 : i32
      %dma_start3A_434 = tpu.memref_slice %arg13[%dma_start3A_432, %dma_start3A_433] : memref<10240x16xf32, #tpu.memory_space<vmem_shared>> -> memref<10240x16xf32, #tpu.memory_space<vmem_shared>>
      tpu.enqueue_indirect_dma source(%arg10 : memref<80x16xf32, #tpu.memory_space<vmem>>) target(%dma_start3A_434 : memref<10240x16xf32, #tpu.memory_space<vmem_shared>>) offsets(%dma_start3A_431 : memref<80xi32, #tpu.memory_space<vmem>>) semaphore(%arg15 : memref<!tpu.dma_semaphore, #tpu.memory_space<semaphore_mem>>) {add = true}
      %add3A_435 = arith.constant 640 : i32
      %add3A_436 = arith.addi %add3A_435, %mul3A_0 : i32
      %dma_start3A_437 = tpu.memref_slice %arg9[%select_n3A_288, %add3A_436] : memref<2x800xi32, #tpu.memory_space<vmem>> -> memref<1x80xi32, #tpu.memory_space<vmem>>
      %dma_start3A_438 = tpu.memref_squeeze %dma_start3A_437 : memref<1x80xi32, #tpu.memory_space<vmem>> -> memref<80xi32, #tpu.memory_space<vmem>>
      %dma_start3A_439 = arith.constant 0 : i32
      %dma_start3A_440 = arith.constant 0 : i32
      %dma_start3A_441 = tpu.memref_slice %arg13[%dma_start3A_439, %dma_start3A_440] : memref<10240x16xf32, #tpu.memory_space<vmem_shared>> -> memref<10240x16xf32, #tpu.memory_space<vmem_shared>>
      tpu.enqueue_indirect_dma source(%arg10 : memref<80x16xf32, #tpu.memory_space<vmem>>) target(%dma_start3A_441 : memref<10240x16xf32, #tpu.memory_space<vmem_shared>>) offsets(%dma_start3A_438 : memref<80xi32, #tpu.memory_space<vmem>>) semaphore(%arg15 : memref<!tpu.dma_semaphore, #tpu.memory_space<semaphore_mem>>) {add = true}
      %dma_wait3A_442 = arith.constant 0 : i32
      %dma_wait3A_443 = arith.constant 0 : i32
      %dma_wait3A_444 = arith.constant 0 : i32
      %dma_wait3A_445 = tpu.memref_slice %arg7[%dma_wait3A_442, %dma_wait3A_443, %dma_wait3A_444] : memref<10x80x64xf32, #tpu.memory_space<vmem>> -> memref<1x80x64xf32, #tpu.memory_space<vmem>>
      %dma_wait3A_446 = tpu.memref_squeeze %dma_wait3A_445 : memref<1x80x64xf32, #tpu.memory_space<vmem>> -> memref<80x64xf32, #tpu.memory_space<vmem>>
      %dma_wait3A_447 = arith.constant 0 : i32
      %dma_wait3A_448 = tpu.memref_slice %arg8[%select_n3A_288, %dma_wait3A_447] : memref<2x800xi32, #tpu.memory_space<vmem>> -> memref<1x80xi32, #tpu.memory_space<vmem>>
      %dma_wait3A_449 = tpu.memref_squeeze %dma_wait3A_448 : memref<1x80xi32, #tpu.memory_space<vmem>> -> memref<80xi32, #tpu.memory_space<vmem>>
      %dma_wait3A_450 = arith.constant 0 : i32
      %dma_wait3A_451 = arith.constant 0 : i32
      %dma_wait3A_452 = tpu.memref_slice %arg2[%dma_wait3A_450, %dma_wait3A_451] : memref<20000x64xf32, #tpu.memory_space<hbm>> -> memref<20000x64xf32, #tpu.memory_space<hbm>>
      tpu.wait_indirect_dma semaphore(%arg14 : memref<!tpu.dma_semaphore, #tpu.memory_space<semaphore_mem>>) src(%dma_wait3A_452 : memref<20000x64xf32, #tpu.memory_space<hbm>>) dst(%dma_wait3A_446 : memref<80x64xf32, #tpu.memory_space<vmem>>)
      %dma_start3A_453 = arith.constant 0 : i32
      %dma_start3A_454 = arith.constant 0 : i32
      %dma_start3A_455 = arith.constant 0 : i32
      %dma_start3A_456 = tpu.memref_slice %arg7[%dma_start3A_453, %dma_start3A_454, %dma_start3A_455] : memref<10x80x64xf32, #tpu.memory_space<vmem>> -> memref<1x80x64xf32, #tpu.memory_space<vmem>>
      %dma_start3A_457 = tpu.memref_squeeze %dma_start3A_456 : memref<1x80x64xf32, #tpu.memory_space<vmem>> -> memref<80x64xf32, #tpu.memory_space<vmem>>
      %dma_start3A_458 = arith.constant 0 : i32
      %dma_start3A_459 = tpu.memref_slice %arg9[%select_n3A_288, %dma_start3A_458] : memref<2x800xi32, #tpu.memory_space<vmem>> -> memref<1x80xi32, #tpu.memory_space<vmem>>
      %dma_start3A_460 = tpu.memref_squeeze %dma_start3A_459 : memref<1x80xi32, #tpu.memory_space<vmem>> -> memref<80xi32, #tpu.memory_space<vmem>>
      %dma_start3A_461 = arith.constant 0 : i32
      %dma_start3A_462 = arith.constant 0 : i32
      %dma_start3A_463 = tpu.memref_slice %arg12[%dma_start3A_461, %dma_start3A_462] : memref<10240x64xf32, #tpu.memory_space<vmem_shared>> -> memref<10240x64xf32, #tpu.memory_space<vmem_shared>>
      tpu.enqueue_indirect_dma source(%dma_start3A_457 : memref<80x64xf32, #tpu.memory_space<vmem>>) target(%dma_start3A_463 : memref<10240x64xf32, #tpu.memory_space<vmem_shared>>) offsets(%dma_start3A_460 : memref<80xi32, #tpu.memory_space<vmem>>) semaphore(%arg15 : memref<!tpu.dma_semaphore, #tpu.memory_space<semaphore_mem>>) {add = true}
      %dma_wait3A_464 = arith.constant 1 : i32
      %dma_wait3A_465 = arith.constant 0 : i32
      %dma_wait3A_466 = arith.constant 0 : i32
      %dma_wait3A_467 = tpu.memref_slice %arg7[%dma_wait3A_464, %dma_wait3A_465, %dma_wait3A_466] : memref<10x80x64xf32, #tpu.memory_space<vmem>> -> memref<1x80x64xf32, #tpu.memory_space<vmem>>
      %dma_wait3A_468 = tpu.memref_squeeze %dma_wait3A_467 : memref<1x80x64xf32, #tpu.memory_space<vmem>> -> memref<80x64xf32, #tpu.memory_space<vmem>>
      %dma_wait3A_469 = arith.constant 80 : i32
      %dma_wait3A_470 = tpu.memref_slice %arg8[%select_n3A_288, %dma_wait3A_469] : memref<2x800xi32, #tpu.memory_space<vmem>> -> memref<1x80xi32, #tpu.memory_space<vmem>>
      %dma_wait3A_471 = tpu.memref_squeeze %dma_wait3A_470 : memref<1x80xi32, #tpu.memory_space<vmem>> -> memref<80xi32, #tpu.memory_space<vmem>>
      %dma_wait3A_472 = arith.constant 0 : i32
      %dma_wait3A_473 = arith.constant 0 : i32
      %dma_wait3A_474 = tpu.memref_slice %arg2[%dma_wait3A_472, %dma_wait3A_473] : memref<20000x64xf32, #tpu.memory_space<hbm>> -> memref<20000x64xf32, #tpu.memory_space<hbm>>
      tpu.wait_indirect_dma semaphore(%arg14 : memref<!tpu.dma_semaphore, #tpu.memory_space<semaphore_mem>>) src(%dma_wait3A_474 : memref<20000x64xf32, #tpu.memory_space<hbm>>) dst(%dma_wait3A_468 : memref<80x64xf32, #tpu.memory_space<vmem>>)
      %dma_start3A_475 = arith.constant 1 : i32
      %dma_start3A_476 = arith.constant 0 : i32
      %dma_start3A_477 = arith.constant 0 : i32
      %dma_start3A_478 = tpu.memref_slice %arg7[%dma_start3A_475, %dma_start3A_476, %dma_start3A_477] : memref<10x80x64xf32, #tpu.memory_space<vmem>> -> memref<1x80x64xf32, #tpu.memory_space<vmem>>
      %dma_start3A_479 = tpu.memref_squeeze %dma_start3A_478 : memref<1x80x64xf32, #tpu.memory_space<vmem>> -> memref<80x64xf32, #tpu.memory_space<vmem>>
      %dma_start3A_480 = arith.constant 80 : i32
      %dma_start3A_481 = tpu.memref_slice %arg9[%select_n3A_288, %dma_start3A_480] : memref<2x800xi32, #tpu.memory_space<vmem>> -> memref<1x80xi32, #tpu.memory_space<vmem>>
      %dma_start3A_482 = tpu.memref_squeeze %dma_start3A_481 : memref<1x80xi32, #tpu.memory_space<vmem>> -> memref<80xi32, #tpu.memory_space<vmem>>
      %dma_start3A_483 = arith.constant 0 : i32
      %dma_start3A_484 = arith.constant 0 : i32
      %dma_start3A_485 = tpu.memref_slice %arg12[%dma_start3A_483, %dma_start3A_484] : memref<10240x64xf32, #tpu.memory_space<vmem_shared>> -> memref<10240x64xf32, #tpu.memory_space<vmem_shared>>
      tpu.enqueue_indirect_dma source(%dma_start3A_479 : memref<80x64xf32, #tpu.memory_space<vmem>>) target(%dma_start3A_485 : memref<10240x64xf32, #tpu.memory_space<vmem_shared>>) offsets(%dma_start3A_482 : memref<80xi32, #tpu.memory_space<vmem>>) semaphore(%arg15 : memref<!tpu.dma_semaphore, #tpu.memory_space<semaphore_mem>>) {add = true}
      %dma_wait3A_486 = arith.constant 2 : i32
      %dma_wait3A_487 = arith.constant 0 : i32
      %dma_wait3A_488 = arith.constant 0 : i32
      %dma_wait3A_489 = tpu.memref_slice %arg7[%dma_wait3A_486, %dma_wait3A_487, %dma_wait3A_488] : memref<10x80x64xf32, #tpu.memory_space<vmem>> -> memref<1x80x64xf32, #tpu.memory_space<vmem>>
      %dma_wait3A_490 = tpu.memref_squeeze %dma_wait3A_489 : memref<1x80x64xf32, #tpu.memory_space<vmem>> -> memref<80x64xf32, #tpu.memory_space<vmem>>
      %dma_wait3A_491 = arith.constant 160 : i32
      %dma_wait3A_492 = tpu.memref_slice %arg8[%select_n3A_288, %dma_wait3A_491] : memref<2x800xi32, #tpu.memory_space<vmem>> -> memref<1x80xi32, #tpu.memory_space<vmem>>
      %dma_wait3A_493 = tpu.memref_squeeze %dma_wait3A_492 : memref<1x80xi32, #tpu.memory_space<vmem>> -> memref<80xi32, #tpu.memory_space<vmem>>
      %dma_wait3A_494 = arith.constant 0 : i32
      %dma_wait3A_495 = arith.constant 0 : i32
      %dma_wait3A_496 = tpu.memref_slice %arg2[%dma_wait3A_494, %dma_wait3A_495] : memref<20000x64xf32, #tpu.memory_space<hbm>> -> memref<20000x64xf32, #tpu.memory_space<hbm>>
      tpu.wait_indirect_dma semaphore(%arg14 : memref<!tpu.dma_semaphore, #tpu.memory_space<semaphore_mem>>) src(%dma_wait3A_496 : memref<20000x64xf32, #tpu.memory_space<hbm>>) dst(%dma_wait3A_490 : memref<80x64xf32, #tpu.memory_space<vmem>>)
      %dma_start3A_497 = arith.constant 2 : i32
      %dma_start3A_498 = arith.constant 0 : i32
      %dma_start3A_499 = arith.constant 0 : i32
      %dma_start3A_500 = tpu.memref_slice %arg7[%dma_start3A_497, %dma_start3A_498, %dma_start3A_499] : memref<10x80x64xf32, #tpu.memory_space<vmem>> -> memref<1x80x64xf32, #tpu.memory_space<vmem>>
      %dma_start3A_501 = tpu.memref_squeeze %dma_start3A_500 : memref<1x80x64xf32, #tpu.memory_space<vmem>> -> memref<80x64xf32, #tpu.memory_space<vmem>>
      %dma_start3A_502 = arith.constant 160 : i32
      %dma_start3A_503 = tpu.memref_slice %arg9[%select_n3A_288, %dma_start3A_502] : memref<2x800xi32, #tpu.memory_space<vmem>> -> memref<1x80xi32, #tpu.memory_space<vmem>>
      %dma_start3A_504 = tpu.memref_squeeze %dma_start3A_503 : memref<1x80xi32, #tpu.memory_space<vmem>> -> memref<80xi32, #tpu.memory_space<vmem>>
      %dma_start3A_505 = arith.constant 0 : i32
      %dma_start3A_506 = arith.constant 0 : i32
      %dma_start3A_507 = tpu.memref_slice %arg12[%dma_start3A_505, %dma_start3A_506] : memref<10240x64xf32, #tpu.memory_space<vmem_shared>> -> memref<10240x64xf32, #tpu.memory_space<vmem_shared>>
      tpu.enqueue_indirect_dma source(%dma_start3A_501 : memref<80x64xf32, #tpu.memory_space<vmem>>) target(%dma_start3A_507 : memref<10240x64xf32, #tpu.memory_space<vmem_shared>>) offsets(%dma_start3A_504 : memref<80xi32, #tpu.memory_space<vmem>>) semaphore(%arg15 : memref<!tpu.dma_semaphore, #tpu.memory_space<semaphore_mem>>) {add = true}
      %dma_wait3A_508 = arith.constant 3 : i32
      %dma_wait3A_509 = arith.constant 0 : i32
      %dma_wait3A_510 = arith.constant 0 : i32
      %dma_wait3A_511 = tpu.memref_slice %arg7[%dma_wait3A_508, %dma_wait3A_509, %dma_wait3A_510] : memref<10x80x64xf32, #tpu.memory_space<vmem>> -> memref<1x80x64xf32, #tpu.memory_space<vmem>>
      %dma_wait3A_512 = tpu.memref_squeeze %dma_wait3A_511 : memref<1x80x64xf32, #tpu.memory_space<vmem>> -> memref<80x64xf32, #tpu.memory_space<vmem>>
      %dma_wait3A_513 = arith.constant 240 : i32
      %dma_wait3A_514 = tpu.memref_slice %arg8[%select_n3A_288, %dma_wait3A_513] : memref<2x800xi32, #tpu.memory_space<vmem>> -> memref<1x80xi32, #tpu.memory_space<vmem>>
      %dma_wait3A_515 = tpu.memref_squeeze %dma_wait3A_514 : memref<1x80xi32, #tpu.memory_space<vmem>> -> memref<80xi32, #tpu.memory_space<vmem>>
      %dma_wait3A_516 = arith.constant 0 : i32
      %dma_wait3A_517 = arith.constant 0 : i32
      %dma_wait3A_518 = tpu.memref_slice %arg2[%dma_wait3A_516, %dma_wait3A_517] : memref<20000x64xf32, #tpu.memory_space<hbm>> -> memref<20000x64xf32, #tpu.memory_space<hbm>>
      tpu.wait_indirect_dma semaphore(%arg14 : memref<!tpu.dma_semaphore, #tpu.memory_space<semaphore_mem>>) src(%dma_wait3A_518 : memref<20000x64xf32, #tpu.memory_space<hbm>>) dst(%dma_wait3A_512 : memref<80x64xf32, #tpu.memory_space<vmem>>)
      %dma_start3A_519 = arith.constant 3 : i32
      %dma_start3A_520 = arith.constant 0 : i32
      %dma_start3A_521 = arith.constant 0 : i32
      %dma_start3A_522 = tpu.memref_slice %arg7[%dma_start3A_519, %dma_start3A_520, %dma_start3A_521] : memref<10x80x64xf32, #tpu.memory_space<vmem>> -> memref<1x80x64xf32, #tpu.memory_space<vmem>>
      %dma_start3A_523 = tpu.memref_squeeze %dma_start3A_522 : memref<1x80x64xf32, #tpu.memory_space<vmem>> -> memref<80x64xf32, #tpu.memory_space<vmem>>
      %dma_start3A_524 = arith.constant 240 : i32
      %dma_start3A_525 = tpu.memref_slice %arg9[%select_n3A_288, %dma_start3A_524] : memref<2x800xi32, #tpu.memory_space<vmem>> -> memref<1x80xi32, #tpu.memory_space<vmem>>
      %dma_start3A_526 = tpu.memref_squeeze %dma_start3A_525 : memref<1x80xi32, #tpu.memory_space<vmem>> -> memref<80xi32, #tpu.memory_space<vmem>>
      %dma_start3A_527 = arith.constant 0 : i32
      %dma_start3A_528 = arith.constant 0 : i32
      %dma_start3A_529 = tpu.memref_slice %arg12[%dma_start3A_527, %dma_start3A_528] : memref<10240x64xf32, #tpu.memory_space<vmem_shared>> -> memref<10240x64xf32, #tpu.memory_space<vmem_shared>>
      tpu.enqueue_indirect_dma source(%dma_start3A_523 : memref<80x64xf32, #tpu.memory_space<vmem>>) target(%dma_start3A_529 : memref<10240x64xf32, #tpu.memory_space<vmem_shared>>) offsets(%dma_start3A_526 : memref<80xi32, #tpu.memory_space<vmem>>) semaphore(%arg15 : memref<!tpu.dma_semaphore, #tpu.memory_space<semaphore_mem>>) {add = true}
      %dma_wait3A_530 = arith.constant 4 : i32
      %dma_wait3A_531 = arith.constant 0 : i32
      %dma_wait3A_532 = arith.constant 0 : i32
      %dma_wait3A_533 = tpu.memref_slice %arg7[%dma_wait3A_530, %dma_wait3A_531, %dma_wait3A_532] : memref<10x80x64xf32, #tpu.memory_space<vmem>> -> memref<1x80x64xf32, #tpu.memory_space<vmem>>
      %dma_wait3A_534 = tpu.memref_squeeze %dma_wait3A_533 : memref<1x80x64xf32, #tpu.memory_space<vmem>> -> memref<80x64xf32, #tpu.memory_space<vmem>>
      %dma_wait3A_535 = arith.constant 320 : i32
      %dma_wait3A_536 = tpu.memref_slice %arg8[%select_n3A_288, %dma_wait3A_535] : memref<2x800xi32, #tpu.memory_space<vmem>> -> memref<1x80xi32, #tpu.memory_space<vmem>>
      %dma_wait3A_537 = tpu.memref_squeeze %dma_wait3A_536 : memref<1x80xi32, #tpu.memory_space<vmem>> -> memref<80xi32, #tpu.memory_space<vmem>>
      %dma_wait3A_538 = arith.constant 0 : i32
      %dma_wait3A_539 = arith.constant 0 : i32
      %dma_wait3A_540 = tpu.memref_slice %arg2[%dma_wait3A_538, %dma_wait3A_539] : memref<20000x64xf32, #tpu.memory_space<hbm>> -> memref<20000x64xf32, #tpu.memory_space<hbm>>
      tpu.wait_indirect_dma semaphore(%arg14 : memref<!tpu.dma_semaphore, #tpu.memory_space<semaphore_mem>>) src(%dma_wait3A_540 : memref<20000x64xf32, #tpu.memory_space<hbm>>) dst(%dma_wait3A_534 : memref<80x64xf32, #tpu.memory_space<vmem>>)
      %dma_start3A_541 = arith.constant 4 : i32
      %dma_start3A_542 = arith.constant 0 : i32
      %dma_start3A_543 = arith.constant 0 : i32
      %dma_start3A_544 = tpu.memref_slice %arg7[%dma_start3A_541, %dma_start3A_542, %dma_start3A_543] : memref<10x80x64xf32, #tpu.memory_space<vmem>> -> memref<1x80x64xf32, #tpu.memory_space<vmem>>
      %dma_start3A_545 = tpu.memref_squeeze %dma_start3A_544 : memref<1x80x64xf32, #tpu.memory_space<vmem>> -> memref<80x64xf32, #tpu.memory_space<vmem>>
      %dma_start3A_546 = arith.constant 320 : i32
      %dma_start3A_547 = tpu.memref_slice %arg9[%select_n3A_288, %dma_start3A_546] : memref<2x800xi32, #tpu.memory_space<vmem>> -> memref<1x80xi32, #tpu.memory_space<vmem>>
      %dma_start3A_548 = tpu.memref_squeeze %dma_start3A_547 : memref<1x80xi32, #tpu.memory_space<vmem>> -> memref<80xi32, #tpu.memory_space<vmem>>
      %dma_start3A_549 = arith.constant 0 : i32
      %dma_start3A_550 = arith.constant 0 : i32
      %dma_start3A_551 = tpu.memref_slice %arg12[%dma_start3A_549, %dma_start3A_550] : memref<10240x64xf32, #tpu.memory_space<vmem_shared>> -> memref<10240x64xf32, #tpu.memory_space<vmem_shared>>
      tpu.enqueue_indirect_dma source(%dma_start3A_545 : memref<80x64xf32, #tpu.memory_space<vmem>>) target(%dma_start3A_551 : memref<10240x64xf32, #tpu.memory_space<vmem_shared>>) offsets(%dma_start3A_548 : memref<80xi32, #tpu.memory_space<vmem>>) semaphore(%arg15 : memref<!tpu.dma_semaphore, #tpu.memory_space<semaphore_mem>>) {add = true}
      %dma_wait3A_552 = arith.constant 5 : i32
      %dma_wait3A_553 = arith.constant 0 : i32
      %dma_wait3A_554 = arith.constant 0 : i32
      %dma_wait3A_555 = tpu.memref_slice %arg7[%dma_wait3A_552, %dma_wait3A_553, %dma_wait3A_554] : memref<10x80x64xf32, #tpu.memory_space<vmem>> -> memref<1x80x64xf32, #tpu.memory_space<vmem>>
      %dma_wait3A_556 = tpu.memref_squeeze %dma_wait3A_555 : memref<1x80x64xf32, #tpu.memory_space<vmem>> -> memref<80x64xf32, #tpu.memory_space<vmem>>
      %dma_wait3A_557 = arith.constant 400 : i32
      %dma_wait3A_558 = tpu.memref_slice %arg8[%select_n3A_288, %dma_wait3A_557] : memref<2x800xi32, #tpu.memory_space<vmem>> -> memref<1x80xi32, #tpu.memory_space<vmem>>
      %dma_wait3A_559 = tpu.memref_squeeze %dma_wait3A_558 : memref<1x80xi32, #tpu.memory_space<vmem>> -> memref<80xi32, #tpu.memory_space<vmem>>
      %dma_wait3A_560 = arith.constant 0 : i32
      %dma_wait3A_561 = arith.constant 0 : i32
      %dma_wait3A_562 = tpu.memref_slice %arg2[%dma_wait3A_560, %dma_wait3A_561] : memref<20000x64xf32, #tpu.memory_space<hbm>> -> memref<20000x64xf32, #tpu.memory_space<hbm>>
      tpu.wait_indirect_dma semaphore(%arg14 : memref<!tpu.dma_semaphore, #tpu.memory_space<semaphore_mem>>) src(%dma_wait3A_562 : memref<20000x64xf32, #tpu.memory_space<hbm>>) dst(%dma_wait3A_556 : memref<80x64xf32, #tpu.memory_space<vmem>>)
      %dma_start3A_563 = arith.constant 5 : i32
      %dma_start3A_564 = arith.constant 0 : i32
      %dma_start3A_565 = arith.constant 0 : i32
      %dma_start3A_566 = tpu.memref_slice %arg7[%dma_start3A_563, %dma_start3A_564, %dma_start3A_565] : memref<10x80x64xf32, #tpu.memory_space<vmem>> -> memref<1x80x64xf32, #tpu.memory_space<vmem>>
      %dma_start3A_567 = tpu.memref_squeeze %dma_start3A_566 : memref<1x80x64xf32, #tpu.memory_space<vmem>> -> memref<80x64xf32, #tpu.memory_space<vmem>>
      %dma_start3A_568 = arith.constant 400 : i32
      %dma_start3A_569 = tpu.memref_slice %arg9[%select_n3A_288, %dma_start3A_568] : memref<2x800xi32, #tpu.memory_space<vmem>> -> memref<1x80xi32, #tpu.memory_space<vmem>>
      %dma_start3A_570 = tpu.memref_squeeze %dma_start3A_569 : memref<1x80xi32, #tpu.memory_space<vmem>> -> memref<80xi32, #tpu.memory_space<vmem>>
      %dma_start3A_571 = arith.constant 0 : i32
      %dma_start3A_572 = arith.constant 0 : i32
      %dma_start3A_573 = tpu.memref_slice %arg12[%dma_start3A_571, %dma_start3A_572] : memref<10240x64xf32, #tpu.memory_space<vmem_shared>> -> memref<10240x64xf32, #tpu.memory_space<vmem_shared>>
      tpu.enqueue_indirect_dma source(%dma_start3A_567 : memref<80x64xf32, #tpu.memory_space<vmem>>) target(%dma_start3A_573 : memref<10240x64xf32, #tpu.memory_space<vmem_shared>>) offsets(%dma_start3A_570 : memref<80xi32, #tpu.memory_space<vmem>>) semaphore(%arg15 : memref<!tpu.dma_semaphore, #tpu.memory_space<semaphore_mem>>) {add = true}
      %dma_wait3A_574 = arith.constant 6 : i32
      %dma_wait3A_575 = arith.constant 0 : i32
      %dma_wait3A_576 = arith.constant 0 : i32
      %dma_wait3A_577 = tpu.memref_slice %arg7[%dma_wait3A_574, %dma_wait3A_575, %dma_wait3A_576] : memref<10x80x64xf32, #tpu.memory_space<vmem>> -> memref<1x80x64xf32, #tpu.memory_space<vmem>>
      %dma_wait3A_578 = tpu.memref_squeeze %dma_wait3A_577 : memref<1x80x64xf32, #tpu.memory_space<vmem>> -> memref<80x64xf32, #tpu.memory_space<vmem>>
      %dma_wait3A_579 = arith.constant 480 : i32
      %dma_wait3A_580 = tpu.memref_slice %arg8[%select_n3A_288, %dma_wait3A_579] : memref<2x800xi32, #tpu.memory_space<vmem>> -> memref<1x80xi32, #tpu.memory_space<vmem>>
      %dma_wait3A_581 = tpu.memref_squeeze %dma_wait3A_580 : memref<1x80xi32, #tpu.memory_space<vmem>> -> memref<80xi32, #tpu.memory_space<vmem>>
      %dma_wait3A_582 = arith.constant 0 : i32
      %dma_wait3A_583 = arith.constant 0 : i32
      %dma_wait3A_584 = tpu.memref_slice %arg2[%dma_wait3A_582, %dma_wait3A_583] : memref<20000x64xf32, #tpu.memory_space<hbm>> -> memref<20000x64xf32, #tpu.memory_space<hbm>>
      tpu.wait_indirect_dma semaphore(%arg14 : memref<!tpu.dma_semaphore, #tpu.memory_space<semaphore_mem>>) src(%dma_wait3A_584 : memref<20000x64xf32, #tpu.memory_space<hbm>>) dst(%dma_wait3A_578 : memref<80x64xf32, #tpu.memory_space<vmem>>)
      %dma_start3A_585 = arith.constant 6 : i32
      %dma_start3A_586 = arith.constant 0 : i32
      %dma_start3A_587 = arith.constant 0 : i32
      %dma_start3A_588 = tpu.memref_slice %arg7[%dma_start3A_585, %dma_start3A_586, %dma_start3A_587] : memref<10x80x64xf32, #tpu.memory_space<vmem>> -> memref<1x80x64xf32, #tpu.memory_space<vmem>>
      %dma_start3A_589 = tpu.memref_squeeze %dma_start3A_588 : memref<1x80x64xf32, #tpu.memory_space<vmem>> -> memref<80x64xf32, #tpu.memory_space<vmem>>
      %dma_start3A_590 = arith.constant 480 : i32
      %dma_start3A_591 = tpu.memref_slice %arg9[%select_n3A_288, %dma_start3A_590] : memref<2x800xi32, #tpu.memory_space<vmem>> -> memref<1x80xi32, #tpu.memory_space<vmem>>
      %dma_start3A_592 = tpu.memref_squeeze %dma_start3A_591 : memref<1x80xi32, #tpu.memory_space<vmem>> -> memref<80xi32, #tpu.memory_space<vmem>>
      %dma_start3A_593 = arith.constant 0 : i32
      %dma_start3A_594 = arith.constant 0 : i32
      %dma_start3A_595 = tpu.memref_slice %arg12[%dma_start3A_593, %dma_start3A_594] : memref<10240x64xf32, #tpu.memory_space<vmem_shared>> -> memref<10240x64xf32, #tpu.memory_space<vmem_shared>>
      tpu.enqueue_indirect_dma source(%dma_start3A_589 : memref<80x64xf32, #tpu.memory_space<vmem>>) target(%dma_start3A_595 : memref<10240x64xf32, #tpu.memory_space<vmem_shared>>) offsets(%dma_start3A_592 : memref<80xi32, #tpu.memory_space<vmem>>) semaphore(%arg15 : memref<!tpu.dma_semaphore, #tpu.memory_space<semaphore_mem>>) {add = true}
      %dma_wait3A_596 = arith.constant 7 : i32
      %dma_wait3A_597 = arith.constant 0 : i32
      %dma_wait3A_598 = arith.constant 0 : i32
      %dma_wait3A_599 = tpu.memref_slice %arg7[%dma_wait3A_596, %dma_wait3A_597, %dma_wait3A_598] : memref<10x80x64xf32, #tpu.memory_space<vmem>> -> memref<1x80x64xf32, #tpu.memory_space<vmem>>
      %dma_wait3A_600 = tpu.memref_squeeze %dma_wait3A_599 : memref<1x80x64xf32, #tpu.memory_space<vmem>> -> memref<80x64xf32, #tpu.memory_space<vmem>>
      %dma_wait3A_601 = arith.constant 560 : i32
      %dma_wait3A_602 = tpu.memref_slice %arg8[%select_n3A_288, %dma_wait3A_601] : memref<2x800xi32, #tpu.memory_space<vmem>> -> memref<1x80xi32, #tpu.memory_space<vmem>>
      %dma_wait3A_603 = tpu.memref_squeeze %dma_wait3A_602 : memref<1x80xi32, #tpu.memory_space<vmem>> -> memref<80xi32, #tpu.memory_space<vmem>>
      %dma_wait3A_604 = arith.constant 0 : i32
      %dma_wait3A_605 = arith.constant 0 : i32
      %dma_wait3A_606 = tpu.memref_slice %arg2[%dma_wait3A_604, %dma_wait3A_605] : memref<20000x64xf32, #tpu.memory_space<hbm>> -> memref<20000x64xf32, #tpu.memory_space<hbm>>
      tpu.wait_indirect_dma semaphore(%arg14 : memref<!tpu.dma_semaphore, #tpu.memory_space<semaphore_mem>>) src(%dma_wait3A_606 : memref<20000x64xf32, #tpu.memory_space<hbm>>) dst(%dma_wait3A_600 : memref<80x64xf32, #tpu.memory_space<vmem>>)
      %dma_start3A_607 = arith.constant 7 : i32
      %dma_start3A_608 = arith.constant 0 : i32
      %dma_start3A_609 = arith.constant 0 : i32
      %dma_start3A_610 = tpu.memref_slice %arg7[%dma_start3A_607, %dma_start3A_608, %dma_start3A_609] : memref<10x80x64xf32, #tpu.memory_space<vmem>> -> memref<1x80x64xf32, #tpu.memory_space<vmem>>
      %dma_start3A_611 = tpu.memref_squeeze %dma_start3A_610 : memref<1x80x64xf32, #tpu.memory_space<vmem>> -> memref<80x64xf32, #tpu.memory_space<vmem>>
      %dma_start3A_612 = arith.constant 560 : i32
      %dma_start3A_613 = tpu.memref_slice %arg9[%select_n3A_288, %dma_start3A_612] : memref<2x800xi32, #tpu.memory_space<vmem>> -> memref<1x80xi32, #tpu.memory_space<vmem>>
      %dma_start3A_614 = tpu.memref_squeeze %dma_start3A_613 : memref<1x80xi32, #tpu.memory_space<vmem>> -> memref<80xi32, #tpu.memory_space<vmem>>
      %dma_start3A_615 = arith.constant 0 : i32
      %dma_start3A_616 = arith.constant 0 : i32
      %dma_start3A_617 = tpu.memref_slice %arg12[%dma_start3A_615, %dma_start3A_616] : memref<10240x64xf32, #tpu.memory_space<vmem_shared>> -> memref<10240x64xf32, #tpu.memory_space<vmem_shared>>
      tpu.enqueue_indirect_dma source(%dma_start3A_611 : memref<80x64xf32, #tpu.memory_space<vmem>>) target(%dma_start3A_617 : memref<10240x64xf32, #tpu.memory_space<vmem_shared>>) offsets(%dma_start3A_614 : memref<80xi32, #tpu.memory_space<vmem>>) semaphore(%arg15 : memref<!tpu.dma_semaphore, #tpu.memory_space<semaphore_mem>>) {add = true}
      %dma_wait3A_618 = arith.constant 8 : i32
      %dma_wait3A_619 = arith.constant 0 : i32
      %dma_wait3A_620 = arith.constant 0 : i32
      %dma_wait3A_621 = tpu.memref_slice %arg7[%dma_wait3A_618, %dma_wait3A_619, %dma_wait3A_620] : memref<10x80x64xf32, #tpu.memory_space<vmem>> -> memref<1x80x64xf32, #tpu.memory_space<vmem>>
      %dma_wait3A_622 = tpu.memref_squeeze %dma_wait3A_621 : memref<1x80x64xf32, #tpu.memory_space<vmem>> -> memref<80x64xf32, #tpu.memory_space<vmem>>
      %dma_wait3A_623 = arith.constant 640 : i32
      %dma_wait3A_624 = tpu.memref_slice %arg8[%select_n3A_288, %dma_wait3A_623] : memref<2x800xi32, #tpu.memory_space<vmem>> -> memref<1x80xi32, #tpu.memory_space<vmem>>
      %dma_wait3A_625 = tpu.memref_squeeze %dma_wait3A_624 : memref<1x80xi32, #tpu.memory_space<vmem>> -> memref<80xi32, #tpu.memory_space<vmem>>
      %dma_wait3A_626 = arith.constant 0 : i32
      %dma_wait3A_627 = arith.constant 0 : i32
      %dma_wait3A_628 = tpu.memref_slice %arg2[%dma_wait3A_626, %dma_wait3A_627] : memref<20000x64xf32, #tpu.memory_space<hbm>> -> memref<20000x64xf32, #tpu.memory_space<hbm>>
      tpu.wait_indirect_dma semaphore(%arg14 : memref<!tpu.dma_semaphore, #tpu.memory_space<semaphore_mem>>) src(%dma_wait3A_628 : memref<20000x64xf32, #tpu.memory_space<hbm>>) dst(%dma_wait3A_622 : memref<80x64xf32, #tpu.memory_space<vmem>>)
      %dma_start3A_629 = arith.constant 8 : i32
      %dma_start3A_630 = arith.constant 0 : i32
      %dma_start3A_631 = arith.constant 0 : i32
      %dma_start3A_632 = tpu.memref_slice %arg7[%dma_start3A_629, %dma_start3A_630, %dma_start3A_631] : memref<10x80x64xf32, #tpu.memory_space<vmem>> -> memref<1x80x64xf32, #tpu.memory_space<vmem>>
      %dma_start3A_633 = tpu.memref_squeeze %dma_start3A_632 : memref<1x80x64xf32, #tpu.memory_space<vmem>> -> memref<80x64xf32, #tpu.memory_space<vmem>>
      %dma_start3A_634 = arith.constant 640 : i32
      %dma_start3A_635 = tpu.memref_slice %arg9[%select_n3A_288, %dma_start3A_634] : memref<2x800xi32, #tpu.memory_space<vmem>> -> memref<1x80xi32, #tpu.memory_space<vmem>>
      %dma_start3A_636 = tpu.memref_squeeze %dma_start3A_635 : memref<1x80xi32, #tpu.memory_space<vmem>> -> memref<80xi32, #tpu.memory_space<vmem>>
      %dma_start3A_637 = arith.constant 0 : i32
      %dma_start3A_638 = arith.constant 0 : i32
      %dma_start3A_639 = tpu.memref_slice %arg12[%dma_start3A_637, %dma_start3A_638] : memref<10240x64xf32, #tpu.memory_space<vmem_shared>> -> memref<10240x64xf32, #tpu.memory_space<vmem_shared>>
      tpu.enqueue_indirect_dma source(%dma_start3A_633 : memref<80x64xf32, #tpu.memory_space<vmem>>) target(%dma_start3A_639 : memref<10240x64xf32, #tpu.memory_space<vmem_shared>>) offsets(%dma_start3A_636 : memref<80xi32, #tpu.memory_space<vmem>>) semaphore(%arg15 : memref<!tpu.dma_semaphore, #tpu.memory_space<semaphore_mem>>) {add = true}
      %dma_wait3A_640 = arith.constant 9 : i32
      %dma_wait3A_641 = arith.constant 0 : i32
      %dma_wait3A_642 = arith.constant 0 : i32
      %dma_wait3A_643 = tpu.memref_slice %arg7[%dma_wait3A_640, %dma_wait3A_641, %dma_wait3A_642] : memref<10x80x64xf32, #tpu.memory_space<vmem>> -> memref<1x80x64xf32, #tpu.memory_space<vmem>>
      %dma_wait3A_644 = tpu.memref_squeeze %dma_wait3A_643 : memref<1x80x64xf32, #tpu.memory_space<vmem>> -> memref<80x64xf32, #tpu.memory_space<vmem>>
      %dma_wait3A_645 = arith.constant 720 : i32
      %dma_wait3A_646 = tpu.memref_slice %arg8[%select_n3A_288, %dma_wait3A_645] : memref<2x800xi32, #tpu.memory_space<vmem>> -> memref<1x80xi32, #tpu.memory_space<vmem>>
      %dma_wait3A_647 = tpu.memref_squeeze %dma_wait3A_646 : memref<1x80xi32, #tpu.memory_space<vmem>> -> memref<80xi32, #tpu.memory_space<vmem>>
      %dma_wait3A_648 = arith.constant 0 : i32
      %dma_wait3A_649 = arith.constant 0 : i32
      %dma_wait3A_650 = tpu.memref_slice %arg2[%dma_wait3A_648, %dma_wait3A_649] : memref<20000x64xf32, #tpu.memory_space<hbm>> -> memref<20000x64xf32, #tpu.memory_space<hbm>>
      tpu.wait_indirect_dma semaphore(%arg14 : memref<!tpu.dma_semaphore, #tpu.memory_space<semaphore_mem>>) src(%dma_wait3A_650 : memref<20000x64xf32, #tpu.memory_space<hbm>>) dst(%dma_wait3A_644 : memref<80x64xf32, #tpu.memory_space<vmem>>)
      %dma_start3A_651 = arith.constant 9 : i32
      %dma_start3A_652 = arith.constant 0 : i32
      %dma_start3A_653 = arith.constant 0 : i32
      %dma_start3A_654 = tpu.memref_slice %arg7[%dma_start3A_651, %dma_start3A_652, %dma_start3A_653] : memref<10x80x64xf32, #tpu.memory_space<vmem>> -> memref<1x80x64xf32, #tpu.memory_space<vmem>>
      %dma_start3A_655 = tpu.memref_squeeze %dma_start3A_654 : memref<1x80x64xf32, #tpu.memory_space<vmem>> -> memref<80x64xf32, #tpu.memory_space<vmem>>
      %dma_start3A_656 = arith.constant 720 : i32
      %dma_start3A_657 = tpu.memref_slice %arg9[%select_n3A_288, %dma_start3A_656] : memref<2x800xi32, #tpu.memory_space<vmem>> -> memref<1x80xi32, #tpu.memory_space<vmem>>
      %dma_start3A_658 = tpu.memref_squeeze %dma_start3A_657 : memref<1x80xi32, #tpu.memory_space<vmem>> -> memref<80xi32, #tpu.memory_space<vmem>>
      %dma_start3A_659 = arith.constant 0 : i32
      %dma_start3A_660 = arith.constant 0 : i32
      %dma_start3A_661 = tpu.memref_slice %arg12[%dma_start3A_659, %dma_start3A_660] : memref<10240x64xf32, #tpu.memory_space<vmem_shared>> -> memref<10240x64xf32, #tpu.memory_space<vmem_shared>>
      tpu.enqueue_indirect_dma source(%dma_start3A_655 : memref<80x64xf32, #tpu.memory_space<vmem>>) target(%dma_start3A_661 : memref<10240x64xf32, #tpu.memory_space<vmem_shared>>) offsets(%dma_start3A_658 : memref<80xi32, #tpu.memory_space<vmem>>) semaphore(%arg15 : memref<!tpu.dma_semaphore, #tpu.memory_space<semaphore_mem>>) {add = true}
      %add3A_662 = arith.constant 1 : i32
      %add3A_663 = arith.addi %scan3A_278, %add3A_662 : i32
      %lt3A_664 = arith.constant 25 : i32
      %lt3A_665 = arith.cmpi slt, %add3A_663, %lt3A_664 : i32
      %convert_element_type3A_666 = arith.extui %lt3A_665 : i1 to i32
      %cond3A_667 = arith.constant 0 : i32
      %cond3A_668 = arith.cmpi ne, %convert_element_type3A_666, %cond3A_667 : i32
      scf.if %cond3A_668 {
        %mul3A_670 = arith.constant 20000 : i32
        %mul3A_671 = arith.muli %arg1, %mul3A_670 : i32
        %add3A_672 = arith.constant 1 : i32
        %add3A_673 = arith.addi %scan3A_278, %add3A_672 : i32
        %mul3A_674 = arith.constant 10 : i32
        %mul3A_675 = arith.muli %add3A_673, %mul3A_674 : i32
        %mul3A_676 = arith.constant 80 : i32
        %mul3A_677 = arith.muli %mul3A_675, %mul3A_676 : i32
        %add3A_678 = arith.addi %mul3A_671, %mul3A_677 : i32
        %sub3A = arith.constant 1 : i32
        %sub3A_679 = arith.subi %sub3A, %select_n3A_288 : i32
        %dma_wait3A_680 = arith.constant 0 : i32
        %dma_wait3A_681 = arith.constant 0 : i32
        %dma_wait3A_682 = tpu.memref_slice %arg8[%sub3A_679, %dma_wait3A_681] : memref<2x800xi32, #tpu.memory_space<vmem>> -> memref<1x800xi32, #tpu.memory_space<vmem>>
        %dma_wait3A_683 = tpu.memref_squeeze %dma_wait3A_682 : memref<1x800xi32, #tpu.memory_space<vmem>> -> memref<800xi32, #tpu.memory_space<vmem>>
        %dma_wait3A_684 = tpu.memref_slice %arg3[%dma_wait3A_680, %add3A_678] : memref<2x320000xi32, #tpu.memory_space<hbm>> -> memref<1x800xi32, #tpu.memory_space<hbm>>
        %dma_wait3A_685 = tpu.memref_squeeze %dma_wait3A_684 : memref<1x800xi32, #tpu.memory_space<hbm>> -> memref<800xi32, #tpu.memory_space<hbm>>
        %dma_wait3A_686 = arith.constant 0 : i32
        %dma_wait3A_687 = tpu.memref_slice %arg8[%sub3A_679, %dma_wait3A_686] : memref<2x800xi32, #tpu.memory_space<vmem>> -> memref<1x800xi32, #tpu.memory_space<vmem>>
        %dma_wait3A_688 = tpu.memref_squeeze %dma_wait3A_687 : memref<1x800xi32, #tpu.memory_space<vmem>> -> memref<800xi32, #tpu.memory_space<vmem>>
        %dma_wait3A_689 = tpu.memref_slice %arg3[%dma_wait3A_680, %add3A_678] : memref<2x320000xi32, #tpu.memory_space<hbm>> -> memref<1x800xi32, #tpu.memory_space<hbm>>
        %dma_wait3A_690 = tpu.memref_squeeze %dma_wait3A_689 : memref<1x800xi32, #tpu.memory_space<hbm>> -> memref<800xi32, #tpu.memory_space<hbm>>
        tpu.wait_dma2 semaphore(%arg16 : memref<!tpu.dma_semaphore, #tpu.memory_space<semaphore_mem>>) src(%dma_wait3A_690 : memref<800xi32, #tpu.memory_space<hbm>>) dst(%dma_wait3A_688 : memref<800xi32, #tpu.memory_space<vmem>>)
        %mul3A_691 = arith.constant 20000 : i32
        %mul3A_692 = arith.muli %arg1, %mul3A_691 : i32
        %add3A_693 = arith.constant 1 : i32
        %add3A_694 = arith.addi %scan3A_278, %add3A_693 : i32
        %mul3A_695 = arith.constant 10 : i32
        %mul3A_696 = arith.muli %add3A_694, %mul3A_695 : i32
        %mul3A_697 = arith.constant 80 : i32
        %mul3A_698 = arith.muli %mul3A_696, %mul3A_697 : i32
        %add3A_699 = arith.addi %mul3A_692, %mul3A_698 : i32
        %sub3A_700 = arith.constant 1 : i32
        %sub3A_701 = arith.subi %sub3A_700, %select_n3A_288 : i32
        %dma_wait3A_702 = arith.constant 1 : i32
        %dma_wait3A_703 = arith.constant 0 : i32
        %dma_wait3A_704 = tpu.memref_slice %arg9[%sub3A_701, %dma_wait3A_703] : memref<2x800xi32, #tpu.memory_space<vmem>> -> memref<1x800xi32, #tpu.memory_space<vmem>>
        %dma_wait3A_705 = tpu.memref_squeeze %dma_wait3A_704 : memref<1x800xi32, #tpu.memory_space<vmem>> -> memref<800xi32, #tpu.memory_space<vmem>>
        %dma_wait3A_706 = tpu.memref_slice %arg4[%dma_wait3A_702, %add3A_699] : memref<2x320000xi32, #tpu.memory_space<hbm>> -> memref<1x800xi32, #tpu.memory_space<hbm>>
        %dma_wait3A_707 = tpu.memref_squeeze %dma_wait3A_706 : memref<1x800xi32, #tpu.memory_space<hbm>> -> memref<800xi32, #tpu.memory_space<hbm>>
        %dma_wait3A_708 = arith.constant 0 : i32
        %dma_wait3A_709 = tpu.memref_slice %arg9[%sub3A_701, %dma_wait3A_708] : memref<2x800xi32, #tpu.memory_space<vmem>> -> memref<1x800xi32, #tpu.memory_space<vmem>>
        %dma_wait3A_710 = tpu.memref_squeeze %dma_wait3A_709 : memref<1x800xi32, #tpu.memory_space<vmem>> -> memref<800xi32, #tpu.memory_space<vmem>>
        %dma_wait3A_711 = tpu.memref_slice %arg4[%dma_wait3A_702, %add3A_699] : memref<2x320000xi32, #tpu.memory_space<hbm>> -> memref<1x800xi32, #tpu.memory_space<hbm>>
        %dma_wait3A_712 = tpu.memref_squeeze %dma_wait3A_711 : memref<1x800xi32, #tpu.memory_space<hbm>> -> memref<800xi32, #tpu.memory_space<hbm>>
        tpu.wait_dma2 semaphore(%arg16 : memref<!tpu.dma_semaphore, #tpu.memory_space<semaphore_mem>>) src(%dma_wait3A_712 : memref<800xi32, #tpu.memory_space<hbm>>) dst(%dma_wait3A_710 : memref<800xi32, #tpu.memory_space<vmem>>)
        %scan3A_713 = arith.constant 0 : i32
        %scan3A_714 = arith.constant 0 : i32
        %scan3A_715 = arith.constant 50 : i32
        %scan3A_716 = arith.addi %scan3A_714, %scan3A_715 : i32
        %scan3A_717 = arith.constant 1 : i32
        %scan3A_718 = scf.for %scan3A_720 = %scan3A_714 to %scan3A_716 step %scan3A_717 iter_args(%scan3A_721 = %scan3A_713) -> (i32)  : i32 {
          %sub3A_722 = arith.constant 1 : i32
          %sub3A_723 = arith.subi %sub3A_722, %select_n3A_288 : i32
          %mul3A_724 = arith.constant 16 : i32
          %mul3A_725 = arith.muli %scan3A_720, %mul3A_724 : i32
          %get3A = arith.index_cast %sub3A_723 : i32 to index
          %get3A_726 = arith.index_cast %mul3A_725 : i32 to index
          %get3A_727 = tpu.vector_load %arg8[%get3A, %get3A_726] {strides = array<i32>} : memref<2x800xi32, #tpu.memory_space<vmem>>, vector<1x16xi32>,
          %get3A_728 = vector.shape_cast %get3A_727 : vector<1x16xi32> to vector<16xi32>
          %mul3A_729 = arith.constant 2 : i32
          %mul3A_730 = vector.broadcast %mul3A_729 : i32 to vector<16xi32>
          %mul3A_731 = arith.muli %get3A_728, %mul3A_730 : vector<16xi32>
          %add3A_732 = vector.broadcast %arg0 : i32 to vector<16xi32>
          %add3A_733 = arith.addi %mul3A_731, %add3A_732 : vector<16xi32>
          %sub3A_734 = arith.constant 1 : i32
          %sub3A_735 = arith.subi %sub3A_734, %select_n3A_288 : i32
          %mul3A_736 = arith.constant 16 : i32
          %mul3A_737 = arith.muli %scan3A_720, %mul3A_736 : i32
          %swap3A = arith.index_cast %sub3A_735 : i32 to index
          %swap3A_738 = arith.index_cast %mul3A_737 : i32 to index
          %swap3A_739 = tpu.vector_load %arg8[%swap3A, %swap3A_738] {strides = array<i32>} : memref<2x800xi32, #tpu.memory_space<vmem>>, vector<1x16xi32>,
          %swap3A_740 = vector.shape_cast %swap3A_739 : vector<1x16xi32> to vector<16xi32>
          %swap3A_741 = vector.shape_cast %add3A_733 : vector<16xi32> to vector<1x16xi32>
          tpu.vector_store %arg8[%swap3A, %swap3A_738], %swap3A_741 {strides = array<i32>} : memref<2x800xi32, #tpu.memory_space<vmem>>, vector<1x16xi32>,
          %scan3A_742 = arith.constant 0 : i32
          scf.yield %scan3A_742 : i32
        }
        %scan3A_719 = arith.constant 50 : i32
      } else {
      }
      %scan3A_669 = arith.constant 0 : i32
      scf.yield %scan3A_669 : i32
    }
    %scan3A_82 = arith.constant 25 : i32
    %dma_wait3A = arith.constant 0 : i32
    %dma_wait3A_83 = arith.constant 0 : i32
    %dma_wait3A_84 = arith.constant 0 : i32
    %dma_wait3A_85 = tpu.memref_slice %arg7[%dma_wait3A, %dma_wait3A_83, %dma_wait3A_84] : memref<10x80x64xf32, #tpu.memory_space<vmem>> -> memref<1x80x64xf32, #tpu.memory_space<vmem>>
    %dma_wait3A_86 = tpu.memref_squeeze %dma_wait3A_85 : memref<1x80x64xf32, #tpu.memory_space<vmem>> -> memref<80x64xf32, #tpu.memory_space<vmem>>
    %dma_wait3A_87 = arith.constant 0 : i32
    %dma_wait3A_88 = arith.constant 0 : i32
    %dma_wait3A_89 = tpu.memref_slice %arg2[%dma_wait3A_87, %dma_wait3A_88] : memref<20000x64xf32, #tpu.memory_space<hbm>> -> memref<80x64xf32, #tpu.memory_space<hbm>>
    %dma_wait3A_90 = arith.constant 0 : i32
    %dma_wait3A_91 = arith.constant 0 : i32
    %dma_wait3A_92 = tpu.memref_slice %arg7[%dma_wait3A, %dma_wait3A_90, %dma_wait3A_91] : memref<10x80x64xf32, #tpu.memory_space<vmem>> -> memref<1x80x64xf32, #tpu.memory_space<vmem>>
    %dma_wait3A_93 = tpu.memref_squeeze %dma_wait3A_92 : memref<1x80x64xf32, #tpu.memory_space<vmem>> -> memref<80x64xf32, #tpu.memory_space<vmem>>
    %dma_wait3A_94 = arith.constant 0 : i32
    %dma_wait3A_95 = arith.constant 0 : i32
    %dma_wait3A_96 = tpu.memref_slice %arg2[%dma_wait3A_94, %dma_wait3A_95] : memref<20000x64xf32, #tpu.memory_space<hbm>> -> memref<80x64xf32, #tpu.memory_space<hbm>>
    tpu.wait_dma2 semaphore(%arg15 : memref<!tpu.dma_semaphore, #tpu.memory_space<semaphore_mem>>) src(%dma_wait3A_96 : memref<80x64xf32, #tpu.memory_space<hbm>>) dst(%dma_wait3A_93 : memref<80x64xf32, #tpu.memory_space<vmem>>)
    %dma_wait3A_97 = arith.constant 1 : i32
    %dma_wait3A_98 = arith.constant 0 : i32
    %dma_wait3A_99 = arith.constant 0 : i32
    %dma_wait3A_100 = tpu.memref_slice %arg7[%dma_wait3A_97, %dma_wait3A_98, %dma_wait3A_99] : memref<10x80x64xf32, #tpu.memory_space<vmem>> -> memref<1x80x64xf32, #tpu.memory_space<vmem>>
    %dma_wait3A_101 = tpu.memref_squeeze %dma_wait3A_100 : memref<1x80x64xf32, #tpu.memory_space<vmem>> -> memref<80x64xf32, #tpu.memory_space<vmem>>
    %dma_wait3A_102 = arith.constant 0 : i32
    %dma_wait3A_103 = arith.constant 0 : i32
    %dma_wait3A_104 = tpu.memref_slice %arg2[%dma_wait3A_102, %dma_wait3A_103] : memref<20000x64xf32, #tpu.memory_space<hbm>> -> memref<80x64xf32, #tpu.memory_space<hbm>>
    %dma_wait3A_105 = arith.constant 0 : i32
    %dma_wait3A_106 = arith.constant 0 : i32
    %dma_wait3A_107 = tpu.memref_slice %arg7[%dma_wait3A_97, %dma_wait3A_105, %dma_wait3A_106] : memref<10x80x64xf32, #tpu.memory_space<vmem>> -> memref<1x80x64xf32, #tpu.memory_space<vmem>>
    %dma_wait3A_108 = tpu.memref_squeeze %dma_wait3A_107 : memref<1x80x64xf32, #tpu.memory_space<vmem>> -> memref<80x64xf32, #tpu.memory_space<vmem>>
    %dma_wait3A_109 = arith.constant 0 : i32
    %dma_wait3A_110 = arith.constant 0 : i32
    %dma_wait3A_111 = tpu.memref_slice %arg2[%dma_wait3A_109, %dma_wait3A_110] : memref<20000x64xf32, #tpu.memory_space<hbm>> -> memref<80x64xf32, #tpu.memory_space<hbm>>
    tpu.wait_dma2 semaphore(%arg15 : memref<!tpu.dma_semaphore, #tpu.memory_space<semaphore_mem>>) src(%dma_wait3A_111 : memref<80x64xf32, #tpu.memory_space<hbm>>) dst(%dma_wait3A_108 : memref<80x64xf32, #tpu.memory_space<vmem>>)
    %dma_wait3A_112 = arith.constant 2 : i32
    %dma_wait3A_113 = arith.constant 0 : i32
    %dma_wait3A_114 = arith.constant 0 : i32
    %dma_wait3A_115 = tpu.memref_slice %arg7[%dma_wait3A_112, %dma_wait3A_113, %dma_wait3A_114] : memref<10x80x64xf32, #tpu.memory_space<vmem>> -> memref<1x80x64xf32, #tpu.memory_space<vmem>>
    %dma_wait3A_116 = tpu.memref_squeeze %dma_wait3A_115 : memref<1x80x64xf32, #tpu.memory_space<vmem>> -> memref<80x64xf32, #tpu.memory_space<vmem>>
    %dma_wait3A_117 = arith.constant 0 : i32
    %dma_wait3A_118 = arith.constant 0 : i32
    %dma_wait3A_119 = tpu.memref_slice %arg2[%dma_wait3A_117, %dma_wait3A_118] : memref<20000x64xf32, #tpu.memory_space<hbm>> -> memref<80x64xf32, #tpu.memory_space<hbm>>
    %dma_wait3A_120 = arith.constant 0 : i32
    %dma_wait3A_121 = arith.constant 0 : i32
    %dma_wait3A_122 = tpu.memref_slice %arg7[%dma_wait3A_112, %dma_wait3A_120, %dma_wait3A_121] : memref<10x80x64xf32, #tpu.memory_space<vmem>> -> memref<1x80x64xf32, #tpu.memory_space<vmem>>
    %dma_wait3A_123 = tpu.memref_squeeze %dma_wait3A_122 : memref<1x80x64xf32, #tpu.memory_space<vmem>> -> memref<80x64xf32, #tpu.memory_space<vmem>>
    %dma_wait3A_124 = arith.constant 0 : i32
    %dma_wait3A_125 = arith.constant 0 : i32
    %dma_wait3A_126 = tpu.memref_slice %arg2[%dma_wait3A_124, %dma_wait3A_125] : memref<20000x64xf32, #tpu.memory_space<hbm>> -> memref<80x64xf32, #tpu.memory_space<hbm>>
    tpu.wait_dma2 semaphore(%arg15 : memref<!tpu.dma_semaphore, #tpu.memory_space<semaphore_mem>>) src(%dma_wait3A_126 : memref<80x64xf32, #tpu.memory_space<hbm>>) dst(%dma_wait3A_123 : memref<80x64xf32, #tpu.memory_space<vmem>>)
    %dma_wait3A_127 = arith.constant 3 : i32
    %dma_wait3A_128 = arith.constant 0 : i32
    %dma_wait3A_129 = arith.constant 0 : i32
    %dma_wait3A_130 = tpu.memref_slice %arg7[%dma_wait3A_127, %dma_wait3A_128, %dma_wait3A_129] : memref<10x80x64xf32, #tpu.memory_space<vmem>> -> memref<1x80x64xf32, #tpu.memory_space<vmem>>
    %dma_wait3A_131 = tpu.memref_squeeze %dma_wait3A_130 : memref<1x80x64xf32, #tpu.memory_space<vmem>> -> memref<80x64xf32, #tpu.memory_space<vmem>>
    %dma_wait3A_132 = arith.constant 0 : i32
    %dma_wait3A_133 = arith.constant 0 : i32
    %dma_wait3A_134 = tpu.memref_slice %arg2[%dma_wait3A_132, %dma_wait3A_133] : memref<20000x64xf32, #tpu.memory_space<hbm>> -> memref<80x64xf32, #tpu.memory_space<hbm>>
    %dma_wait3A_135 = arith.constant 0 : i32
    %dma_wait3A_136 = arith.constant 0 : i32
    %dma_wait3A_137 = tpu.memref_slice %arg7[%dma_wait3A_127, %dma_wait3A_135, %dma_wait3A_136] : memref<10x80x64xf32, #tpu.memory_space<vmem>> -> memref<1x80x64xf32, #tpu.memory_space<vmem>>
    %dma_wait3A_138 = tpu.memref_squeeze %dma_wait3A_137 : memref<1x80x64xf32, #tpu.memory_space<vmem>> -> memref<80x64xf32, #tpu.memory_space<vmem>>
    %dma_wait3A_139 = arith.constant 0 : i32
    %dma_wait3A_140 = arith.constant 0 : i32
    %dma_wait3A_141 = tpu.memref_slice %arg2[%dma_wait3A_139, %dma_wait3A_140] : memref<20000x64xf32, #tpu.memory_space<hbm>> -> memref<80x64xf32, #tpu.memory_space<hbm>>
    tpu.wait_dma2 semaphore(%arg15 : memref<!tpu.dma_semaphore, #tpu.memory_space<semaphore_mem>>) src(%dma_wait3A_141 : memref<80x64xf32, #tpu.memory_space<hbm>>) dst(%dma_wait3A_138 : memref<80x64xf32, #tpu.memory_space<vmem>>)
    %dma_wait3A_142 = arith.constant 4 : i32
    %dma_wait3A_143 = arith.constant 0 : i32
    %dma_wait3A_144 = arith.constant 0 : i32
    %dma_wait3A_145 = tpu.memref_slice %arg7[%dma_wait3A_142, %dma_wait3A_143, %dma_wait3A_144] : memref<10x80x64xf32, #tpu.memory_space<vmem>> -> memref<1x80x64xf32, #tpu.memory_space<vmem>>
    %dma_wait3A_146 = tpu.memref_squeeze %dma_wait3A_145 : memref<1x80x64xf32, #tpu.memory_space<vmem>> -> memref<80x64xf32, #tpu.memory_space<vmem>>
    %dma_wait3A_147 = arith.constant 0 : i32
    %dma_wait3A_148 = arith.constant 0 : i32
    %dma_wait3A_149 = tpu.memref_slice %arg2[%dma_wait3A_147, %dma_wait3A_148] : memref<20000x64xf32, #tpu.memory_space<hbm>> -> memref<80x64xf32, #tpu.memory_space<hbm>>
    %dma_wait3A_150 = arith.constant 0 : i32
    %dma_wait3A_151 = arith.constant 0 : i32
    %dma_wait3A_152 = tpu.memref_slice %arg7[%dma_wait3A_142, %dma_wait3A_150, %dma_wait3A_151] : memref<10x80x64xf32, #tpu.memory_space<vmem>> -> memref<1x80x64xf32, #tpu.memory_space<vmem>>
    %dma_wait3A_153 = tpu.memref_squeeze %dma_wait3A_152 : memref<1x80x64xf32, #tpu.memory_space<vmem>> -> memref<80x64xf32, #tpu.memory_space<vmem>>
    %dma_wait3A_154 = arith.constant 0 : i32
    %dma_wait3A_155 = arith.constant 0 : i32
    %dma_wait3A_156 = tpu.memref_slice %arg2[%dma_wait3A_154, %dma_wait3A_155] : memref<20000x64xf32, #tpu.memory_space<hbm>> -> memref<80x64xf32, #tpu.memory_space<hbm>>
    tpu.wait_dma2 semaphore(%arg15 : memref<!tpu.dma_semaphore, #tpu.memory_space<semaphore_mem>>) src(%dma_wait3A_156 : memref<80x64xf32, #tpu.memory_space<hbm>>) dst(%dma_wait3A_153 : memref<80x64xf32, #tpu.memory_space<vmem>>)
    %dma_wait3A_157 = arith.constant 5 : i32
    %dma_wait3A_158 = arith.constant 0 : i32
    %dma_wait3A_159 = arith.constant 0 : i32
    %dma_wait3A_160 = tpu.memref_slice %arg7[%dma_wait3A_157, %dma_wait3A_158, %dma_wait3A_159] : memref<10x80x64xf32, #tpu.memory_space<vmem>> -> memref<1x80x64xf32, #tpu.memory_space<vmem>>
    %dma_wait3A_161 = tpu.memref_squeeze %dma_wait3A_160 : memref<1x80x64xf32, #tpu.memory_space<vmem>> -> memref<80x64xf32, #tpu.memory_space<vmem>>
    %dma_wait3A_162 = arith.constant 0 : i32
    %dma_wait3A_163 = arith.constant 0 : i32
    %dma_wait3A_164 = tpu.memref_slice %arg2[%dma_wait3A_162, %dma_wait3A_163] : memref<20000x64xf32, #tpu.memory_space<hbm>> -> memref<80x64xf32, #tpu.memory_space<hbm>>
    %dma_wait3A_165 = arith.constant 0 : i32
    %dma_wait3A_166 = arith.constant 0 : i32
    %dma_wait3A_167 = tpu.memref_slice %arg7[%dma_wait3A_157, %dma_wait3A_165, %dma_wait3A_166] : memref<10x80x64xf32, #tpu.memory_space<vmem>> -> memref<1x80x64xf32, #tpu.memory_space<vmem>>
    %dma_wait3A_168 = tpu.memref_squeeze %dma_wait3A_167 : memref<1x80x64xf32, #tpu.memory_space<vmem>> -> memref<80x64xf32, #tpu.memory_space<vmem>>
    %dma_wait3A_169 = arith.constant 0 : i32
    %dma_wait3A_170 = arith.constant 0 : i32
    %dma_wait3A_171 = tpu.memref_slice %arg2[%dma_wait3A_169, %dma_wait3A_170] : memref<20000x64xf32, #tpu.memory_space<hbm>> -> memref<80x64xf32, #tpu.memory_space<hbm>>
    tpu.wait_dma2 semaphore(%arg15 : memref<!tpu.dma_semaphore, #tpu.memory_space<semaphore_mem>>) src(%dma_wait3A_171 : memref<80x64xf32, #tpu.memory_space<hbm>>) dst(%dma_wait3A_168 : memref<80x64xf32, #tpu.memory_space<vmem>>)
    %dma_wait3A_172 = arith.constant 6 : i32
    %dma_wait3A_173 = arith.constant 0 : i32
    %dma_wait3A_174 = arith.constant 0 : i32
    %dma_wait3A_175 = tpu.memref_slice %arg7[%dma_wait3A_172, %dma_wait3A_173, %dma_wait3A_174] : memref<10x80x64xf32, #tpu.memory_space<vmem>> -> memref<1x80x64xf32, #tpu.memory_space<vmem>>
    %dma_wait3A_176 = tpu.memref_squeeze %dma_wait3A_175 : memref<1x80x64xf32, #tpu.memory_space<vmem>> -> memref<80x64xf32, #tpu.memory_space<vmem>>
    %dma_wait3A_177 = arith.constant 0 : i32
    %dma_wait3A_178 = arith.constant 0 : i32
    %dma_wait3A_179 = tpu.memref_slice %arg2[%dma_wait3A_177, %dma_wait3A_178] : memref<20000x64xf32, #tpu.memory_space<hbm>> -> memref<80x64xf32, #tpu.memory_space<hbm>>
    %dma_wait3A_180 = arith.constant 0 : i32
    %dma_wait3A_181 = arith.constant 0 : i32
    %dma_wait3A_182 = tpu.memref_slice %arg7[%dma_wait3A_172, %dma_wait3A_180, %dma_wait3A_181] : memref<10x80x64xf32, #tpu.memory_space<vmem>> -> memref<1x80x64xf32, #tpu.memory_space<vmem>>
    %dma_wait3A_183 = tpu.memref_squeeze %dma_wait3A_182 : memref<1x80x64xf32, #tpu.memory_space<vmem>> -> memref<80x64xf32, #tpu.memory_space<vmem>>
    %dma_wait3A_184 = arith.constant 0 : i32
    %dma_wait3A_185 = arith.constant 0 : i32
    %dma_wait3A_186 = tpu.memref_slice %arg2[%dma_wait3A_184, %dma_wait3A_185] : memref<20000x64xf32, #tpu.memory_space<hbm>> -> memref<80x64xf32, #tpu.memory_space<hbm>>
    tpu.wait_dma2 semaphore(%arg15 : memref<!tpu.dma_semaphore, #tpu.memory_space<semaphore_mem>>) src(%dma_wait3A_186 : memref<80x64xf32, #tpu.memory_space<hbm>>) dst(%dma_wait3A_183 : memref<80x64xf32, #tpu.memory_space<vmem>>)
    %dma_wait3A_187 = arith.constant 7 : i32
    %dma_wait3A_188 = arith.constant 0 : i32
    %dma_wait3A_189 = arith.constant 0 : i32
    %dma_wait3A_190 = tpu.memref_slice %arg7[%dma_wait3A_187, %dma_wait3A_188, %dma_wait3A_189] : memref<10x80x64xf32, #tpu.memory_space<vmem>> -> memref<1x80x64xf32, #tpu.memory_space<vmem>>
    %dma_wait3A_191 = tpu.memref_squeeze %dma_wait3A_190 : memref<1x80x64xf32, #tpu.memory_space<vmem>> -> memref<80x64xf32, #tpu.memory_space<vmem>>
    %dma_wait3A_192 = arith.constant 0 : i32
    %dma_wait3A_193 = arith.constant 0 : i32
    %dma_wait3A_194 = tpu.memref_slice %arg2[%dma_wait3A_192, %dma_wait3A_193] : memref<20000x64xf32, #tpu.memory_space<hbm>> -> memref<80x64xf32, #tpu.memory_space<hbm>>
    %dma_wait3A_195 = arith.constant 0 : i32
    %dma_wait3A_196 = arith.constant 0 : i32
    %dma_wait3A_197 = tpu.memref_slice %arg7[%dma_wait3A_187, %dma_wait3A_195, %dma_wait3A_196] : memref<10x80x64xf32, #tpu.memory_space<vmem>> -> memref<1x80x64xf32, #tpu.memory_space<vmem>>
    %dma_wait3A_198 = tpu.memref_squeeze %dma_wait3A_197 : memref<1x80x64xf32, #tpu.memory_space<vmem>> -> memref<80x64xf32, #tpu.memory_space<vmem>>
    %dma_wait3A_199 = arith.constant 0 : i32
    %dma_wait3A_200 = arith.constant 0 : i32
    %dma_wait3A_201 = tpu.memref_slice %arg2[%dma_wait3A_199, %dma_wait3A_200] : memref<20000x64xf32, #tpu.memory_space<hbm>> -> memref<80x64xf32, #tpu.memory_space<hbm>>
    tpu.wait_dma2 semaphore(%arg15 : memref<!tpu.dma_semaphore, #tpu.memory_space<semaphore_mem>>) src(%dma_wait3A_201 : memref<80x64xf32, #tpu.memory_space<hbm>>) dst(%dma_wait3A_198 : memref<80x64xf32, #tpu.memory_space<vmem>>)
    %dma_wait3A_202 = arith.constant 8 : i32
    %dma_wait3A_203 = arith.constant 0 : i32
    %dma_wait3A_204 = arith.constant 0 : i32
    %dma_wait3A_205 = tpu.memref_slice %arg7[%dma_wait3A_202, %dma_wait3A_203, %dma_wait3A_204] : memref<10x80x64xf32, #tpu.memory_space<vmem>> -> memref<1x80x64xf32, #tpu.memory_space<vmem>>
    %dma_wait3A_206 = tpu.memref_squeeze %dma_wait3A_205 : memref<1x80x64xf32, #tpu.memory_space<vmem>> -> memref<80x64xf32, #tpu.memory_space<vmem>>
    %dma_wait3A_207 = arith.constant 0 : i32
    %dma_wait3A_208 = arith.constant 0 : i32
    %dma_wait3A_209 = tpu.memref_slice %arg2[%dma_wait3A_207, %dma_wait3A_208] : memref<20000x64xf32, #tpu.memory_space<hbm>> -> memref<80x64xf32, #tpu.memory_space<hbm>>
    %dma_wait3A_210 = arith.constant 0 : i32
    %dma_wait3A_211 = arith.constant 0 : i32
    %dma_wait3A_212 = tpu.memref_slice %arg7[%dma_wait3A_202, %dma_wait3A_210, %dma_wait3A_211] : memref<10x80x64xf32, #tpu.memory_space<vmem>> -> memref<1x80x64xf32, #tpu.memory_space<vmem>>
    %dma_wait3A_213 = tpu.memref_squeeze %dma_wait3A_212 : memref<1x80x64xf32, #tpu.memory_space<vmem>> -> memref<80x64xf32, #tpu.memory_space<vmem>>
    %dma_wait3A_214 = arith.constant 0 : i32
    %dma_wait3A_215 = arith.constant 0 : i32
    %dma_wait3A_216 = tpu.memref_slice %arg2[%dma_wait3A_214, %dma_wait3A_215] : memref<20000x64xf32, #tpu.memory_space<hbm>> -> memref<80x64xf32, #tpu.memory_space<hbm>>
    tpu.wait_dma2 semaphore(%arg15 : memref<!tpu.dma_semaphore, #tpu.memory_space<semaphore_mem>>) src(%dma_wait3A_216 : memref<80x64xf32, #tpu.memory_space<hbm>>) dst(%dma_wait3A_213 : memref<80x64xf32, #tpu.memory_space<vmem>>)
    %dma_wait3A_217 = arith.constant 9 : i32
    %dma_wait3A_218 = arith.constant 0 : i32
    %dma_wait3A_219 = arith.constant 0 : i32
    %dma_wait3A_220 = tpu.memref_slice %arg7[%dma_wait3A_217, %dma_wait3A_218, %dma_wait3A_219] : memref<10x80x64xf32, #tpu.memory_space<vmem>> -> memref<1x80x64xf32, #tpu.memory_space<vmem>>
    %dma_wait3A_221 = tpu.memref_squeeze %dma_wait3A_220 : memref<1x80x64xf32, #tpu.memory_space<vmem>> -> memref<80x64xf32, #tpu.memory_space<vmem>>
    %dma_wait3A_222 = arith.constant 0 : i32
    %dma_wait3A_223 = arith.constant 0 : i32
    %dma_wait3A_224 = tpu.memref_slice %arg2[%dma_wait3A_222, %dma_wait3A_223] : memref<20000x64xf32, #tpu.memory_space<hbm>> -> memref<80x64xf32, #tpu.memory_space<hbm>>
    %dma_wait3A_225 = arith.constant 0 : i32
    %dma_wait3A_226 = arith.constant 0 : i32
    %dma_wait3A_227 = tpu.memref_slice %arg7[%dma_wait3A_217, %dma_wait3A_225, %dma_wait3A_226] : memref<10x80x64xf32, #tpu.memory_space<vmem>> -> memref<1x80x64xf32, #tpu.memory_space<vmem>>
    %dma_wait3A_228 = tpu.memref_squeeze %dma_wait3A_227 : memref<1x80x64xf32, #tpu.memory_space<vmem>> -> memref<80x64xf32, #tpu.memory_space<vmem>>
    %dma_wait3A_229 = arith.constant 0 : i32
    %dma_wait3A_230 = arith.constant 0 : i32
    %dma_wait3A_231 = tpu.memref_slice %arg2[%dma_wait3A_229, %dma_wait3A_230] : memref<20000x64xf32, #tpu.memory_space<hbm>> -> memref<80x64xf32, #tpu.memory_space<hbm>>
    tpu.wait_dma2 semaphore(%arg15 : memref<!tpu.dma_semaphore, #tpu.memory_space<semaphore_mem>>) src(%dma_wait3A_231 : memref<80x64xf32, #tpu.memory_space<hbm>>) dst(%dma_wait3A_228 : memref<80x64xf32, #tpu.memory_space<vmem>>)
    %dma_wait3A_232 = arith.constant 0 : i32
    %dma_wait3A_233 = arith.constant 0 : i32
    %dma_wait3A_234 = arith.constant 0 : i32
    %dma_wait3A_235 = tpu.memref_slice %arg6[%dma_wait3A_232, %dma_wait3A_233, %dma_wait3A_234] : memref<2x10240x16xf32, #tpu.memory_space<hbm>> -> memref<1x80x16xf32, #tpu.memory_space<hbm>>
    %dma_wait3A_236 = tpu.memref_squeeze %dma_wait3A_235 : memref<1x80x16xf32, #tpu.memory_space<hbm>> -> memref<80x16xf32, #tpu.memory_space<hbm>>
    %dma_wait3A_237 = arith.constant 0 : i32
    %dma_wait3A_238 = arith.constant 0 : i32
    %dma_wait3A_239 = tpu.memref_slice %arg6[%dma_wait3A_232, %dma_wait3A_237, %dma_wait3A_238] : memref<2x10240x16xf32, #tpu.memory_space<hbm>> -> memref<1x80x16xf32, #tpu.memory_space<hbm>>
    %dma_wait3A_240 = tpu.memref_squeeze %dma_wait3A_239 : memref<1x80x16xf32, #tpu.memory_space<hbm>> -> memref<80x16xf32, #tpu.memory_space<hbm>>
    tpu.wait_dma2 semaphore(%arg15 : memref<!tpu.dma_semaphore, #tpu.memory_space<semaphore_mem>>) src(%dma_wait3A_240 : memref<80x16xf32, #tpu.memory_space<hbm>>) dst(%arg10 : memref<80x16xf32, #tpu.memory_space<vmem>>)
    %dma_wait3A_241 = arith.constant 0 : i32
    %dma_wait3A_242 = arith.constant 0 : i32
    %dma_wait3A_243 = arith.constant 0 : i32
    %dma_wait3A_244 = tpu.memref_slice %arg6[%dma_wait3A_241, %dma_wait3A_242, %dma_wait3A_243] : memref<2x10240x16xf32, #tpu.memory_space<hbm>> -> memref<1x80x16xf32, #tpu.memory_space<hbm>>
    %dma_wait3A_245 = tpu.memref_squeeze %dma_wait3A_244 : memref<1x80x16xf32, #tpu.memory_space<hbm>> -> memref<80x16xf32, #tpu.memory_space<hbm>>
    %dma_wait3A_246 = arith.constant 0 : i32
    %dma_wait3A_247 = arith.constant 0 : i32
    %dma_wait3A_248 = tpu.memref_slice %arg6[%dma_wait3A_241, %dma_wait3A_246, %dma_wait3A_247] : memref<2x10240x16xf32, #tpu.memory_space<hbm>> -> memref<1x80x16xf32, #tpu.memory_space<hbm>>
    %dma_wait3A_249 = tpu.memref_squeeze %dma_wait3A_248 : memref<1x80x16xf32, #tpu.memory_space<hbm>> -> memref<80x16xf32, #tpu.memory_space<hbm>>
    tpu.wait_dma2 semaphore(%arg15 : memref<!tpu.dma_semaphore, #tpu.memory_space<semaphore_mem>>) src(%dma_wait3A_249 : memref<80x16xf32, #tpu.memory_space<hbm>>) dst(%arg10 : memref<80x16xf32, #tpu.memory_space<vmem>>)
    %dma_wait3A_250 = arith.constant 0 : i32
    %dma_wait3A_251 = arith.constant 0 : i32
    %dma_wait3A_252 = arith.constant 0 : i32
    %dma_wait3A_253 = tpu.memref_slice %arg6[%dma_wait3A_250, %dma_wait3A_251, %dma_wait3A_252] : memref<2x10240x16xf32, #tpu.memory_space<hbm>> -> memref<1x80x16xf32, #tpu.memory_space<hbm>>
    %dma_wait3A_254 = tpu.memref_squeeze %dma_wait3A_253 : memref<1x80x16xf32, #tpu.memory_space<hbm>> -> memref<80x16xf32, #tpu.memory_space<hbm>>
    %dma_wait3A_255 = arith.constant 0 : i32
    %dma_wait3A_256 = arith.constant 0 : i32
    %dma_wait3A_257 = tpu.memref_slice %arg6[%dma_wait3A_250, %dma_wait3A_255, %dma_wait3A_256] : memref<2x10240x16xf32, #tpu.memory_space<hbm>> -> memref<1x80x16xf32, #tpu.memory_space<hbm>>
    %dma_wait3A_258 = tpu.memref_squeeze %dma_wait3A_257 : memref<1x80x16xf32, #tpu.memory_space<hbm>> -> memref<80x16xf32, #tpu.memory_space<hbm>>
    tpu.wait_dma2 semaphore(%arg15 : memref<!tpu.dma_semaphore, #tpu.memory_space<semaphore_mem>>) src(%dma_wait3A_258 : memref<80x16xf32, #tpu.memory_space<hbm>>) dst(%arg10 : memref<80x16xf32, #tpu.memory_space<vmem>>)
    %dma_wait3A_259 = arith.constant 0 : i32
    %dma_wait3A_260 = arith.constant 0 : i32
    %dma_wait3A_261 = arith.constant 0 : i32
    %dma_wait3A_262 = tpu.memref_slice %arg6[%dma_wait3A_259, %dma_wait3A_260, %dma_wait3A_261] : memref<2x10240x16xf32, #tpu.memory_space<hbm>> -> memref<1x80x16xf32, #tpu.memory_space<hbm>>
    %dma_wait3A_263 = tpu.memref_squeeze %dma_wait3A_262 : memref<1x80x16xf32, #tpu.memory_space<hbm>> -> memref<80x16xf32, #tpu.memory_space<hbm>>
    %dma_wait3A_264 = arith.constant 0 : i32
    %dma_wait3A_265 = arith.constant 0 : i32
    %dma_wait3A_266 = tpu.memref_slice %arg6[%dma_wait3A_259, %dma_wait3A_264, %dma_wait3A_265] : memref<2x10240x16xf32, #tpu.memory_space<hbm>> -> memref<1x80x16xf32, #tpu.memory_space<hbm>>
    %dma_wait3A_267 = tpu.memref_squeeze %dma_wait3A_266 : memref<1x80x16xf32, #tpu.memory_space<hbm>> -> memref<80x16xf32, #tpu.memory_space<hbm>>
    tpu.wait_dma2 semaphore(%arg15 : memref<!tpu.dma_semaphore, #tpu.memory_space<semaphore_mem>>) src(%dma_wait3A_267 : memref<80x16xf32, #tpu.memory_space<hbm>>) dst(%arg10 : memref<80x16xf32, #tpu.memory_space<vmem>>)
    %dma_wait3A_268 = arith.constant 0 : i32
    %dma_wait3A_269 = arith.constant 0 : i32
    %dma_wait3A_270 = arith.constant 0 : i32
    %dma_wait3A_271 = tpu.memref_slice %arg6[%dma_wait3A_268, %dma_wait3A_269, %dma_wait3A_270] : memref<2x10240x16xf32, #tpu.memory_space<hbm>> -> memref<1x80x16xf32, #tpu.memory_space<hbm>>
    %dma_wait3A_272 = tpu.memref_squeeze %dma_wait3A_271 : memref<1x80x16xf32, #tpu.memory_space<hbm>> -> memref<80x16xf32, #tpu.memory_space<hbm>>
    %dma_wait3A_273 = arith.constant 0 : i32
    %dma_wait3A_274 = arith.constant 0 : i32
    %dma_wait3A_275 = tpu.memref_slice %arg6[%dma_wait3A_268, %dma_wait3A_273, %dma_wait3A_274] : memref<2x10240x16xf32, #tpu.memory_space<hbm>> -> memref<1x80x16xf32, #tpu.memory_space<hbm>>
    %dma_wait3A_276 = tpu.memref_squeeze %dma_wait3A_275 : memref<1x80x16xf32, #tpu.memory_space<hbm>> -> memref<80x16xf32, #tpu.memory_space<hbm>>
    tpu.wait_dma2 semaphore(%arg15 : memref<!tpu.dma_semaphore, #tpu.memory_space<semaphore_mem>>) src(%dma_wait3A_276 : memref<80x16xf32, #tpu.memory_space<hbm>>) dst(%arg10 : memref<80x16xf32, #tpu.memory_space<vmem>>)
    %barrier3A_277 = arith.constant 0 : index
    tpu.barrier barrier_id(%barrier3A_277)
    "tpu.region"() ({
      %run_scoped3A_278 = tpu.sem_alloc : memref<!tpu.dma_semaphore, #tpu.memory_space<semaphore_mem>>
      %dma_start3A = arith.constant 0 : i32
      %dma_start3A_279 = tpu.memref_slice %arg5[%arg0, %mul3A_22, %dma_start3A] : memref<2x10240x64xf32, #tpu.memory_space<hbm>> -> memref<1x640x64xf32, #tpu.memory_space<hbm>>
      %dma_start3A_280 = tpu.memref_squeeze %dma_start3A_279 : memref<1x640x64xf32, #tpu.memory_space<hbm>> -> memref<640x64xf32, #tpu.memory_space<hbm>>
      %dma_start3A_281 = arith.constant 0 : i32
      %dma_start3A_282 = tpu.memref_slice %arg12[%mul3A_22, %dma_start3A_281] : memref<10240x64xf32, #tpu.memory_space<vmem_shared>> -> memref<640x64xf32, #tpu.memory_space<vmem_shared>>
      tpu.enqueue_dma source(%dma_start3A_282 : memref<640x64xf32, #tpu.memory_space<vmem_shared>>) target(%dma_start3A_280 : memref<640x64xf32, #tpu.memory_space<hbm>>) target_semaphore(%run_scoped3A_278 : memref<!tpu.dma_semaphore, #tpu.memory_space<semaphore_mem>>)
      %dma_wait3A_283 = arith.constant 0 : i32
      %dma_wait3A_284 = tpu.memref_slice %arg5[%arg0, %mul3A_22, %dma_wait3A_283] : memref<2x10240x64xf32, #tpu.memory_space<hbm>> -> memref<1x640x64xf32, #tpu.memory_space<hbm>>
      %dma_wait3A_285 = tpu.memref_squeeze %dma_wait3A_284 : memref<1x640x64xf32, #tpu.memory_space<hbm>> -> memref<640x64xf32, #tpu.memory_space<hbm>>
      %dma_wait3A_286 = arith.constant 0 : i32
      %dma_wait3A_287 = tpu.memref_slice %arg12[%mul3A_22, %dma_wait3A_286] : memref<10240x64xf32, #tpu.memory_space<vmem_shared>> -> memref<640x64xf32, #tpu.memory_space<vmem_shared>>
      tpu.wait_dma2 semaphore(%run_scoped3A_278 : memref<!tpu.dma_semaphore, #tpu.memory_space<semaphore_mem>>) src(%dma_wait3A_287 : memref<640x64xf32, #tpu.memory_space<vmem_shared>>) dst(%dma_wait3A_285 : memref<640x64xf32, #tpu.memory_space<hbm>>)
      tpu.yield
    }) : () -> ()
    "tpu.region"() ({
      %run_scoped3A_278 = tpu.sem_alloc : memref<!tpu.dma_semaphore, #tpu.memory_space<semaphore_mem>>
      %dma_start3A = arith.constant 0 : i32
      %dma_start3A_279 = tpu.memref_slice %arg6[%arg0, %mul3A_22, %dma_start3A] : memref<2x10240x16xf32, #tpu.memory_space<hbm>> -> memref<1x640x16xf32, #tpu.memory_space<hbm>>
      %dma_start3A_280 = tpu.memref_squeeze %dma_start3A_279 : memref<1x640x16xf32, #tpu.memory_space<hbm>> -> memref<640x16xf32, #tpu.memory_space<hbm>>
      %dma_start3A_281 = arith.constant 0 : i32
      %dma_start3A_282 = tpu.memref_slice %arg13[%mul3A_22, %dma_start3A_281] : memref<10240x16xf32, #tpu.memory_space<vmem_shared>> -> memref<640x16xf32, #tpu.memory_space<vmem_shared>>
      tpu.enqueue_dma source(%dma_start3A_282 : memref<640x16xf32, #tpu.memory_space<vmem_shared>>) target(%dma_start3A_280 : memref<640x16xf32, #tpu.memory_space<hbm>>) target_semaphore(%run_scoped3A_278 : memref<!tpu.dma_semaphore, #tpu.memory_space<semaphore_mem>>)
      %dma_wait3A_283 = arith.constant 0 : i32
      %dma_wait3A_284 = tpu.memref_slice %arg6[%arg0, %mul3A_22, %dma_wait3A_283] : memref<2x10240x16xf32, #tpu.memory_space<hbm>> -> memref<1x640x16xf32, #tpu.memory_space<hbm>>
      %dma_wait3A_285 = tpu.memref_squeeze %dma_wait3A_284 : memref<1x640x16xf32, #tpu.memory_space<hbm>> -> memref<640x16xf32, #tpu.memory_space<hbm>>
      %dma_wait3A_286 = arith.constant 0 : i32
      %dma_wait3A_287 = tpu.memref_slice %arg13[%mul3A_22, %dma_wait3A_286] : memref<10240x16xf32, #tpu.memory_space<vmem_shared>> -> memref<640x16xf32, #tpu.memory_space<vmem_shared>>
      tpu.wait_dma2 semaphore(%run_scoped3A_278 : memref<!tpu.dma_semaphore, #tpu.memory_space<semaphore_mem>>) src(%dma_wait3A_287 : memref<640x16xf32, #tpu.memory_space<vmem_shared>>) dst(%dma_wait3A_285 : memref<640x16xf32, #tpu.memory_space<hbm>>)
      tpu.yield
    }) : () -> ()
    return
  }
}

module attributes {stable_mosaic.version = 14 : i64} {
  func.func @_tc_body(%arg0: i32, %arg1: memref<2x2000x64xf32, #tpu.memory_space<vmem>>, %arg2: memref<2x2000x16xf32, #tpu.memory_space<vmem>>, %arg3: memref<128x128xf32, #tpu.memory_space<vmem>>, %arg4: memref<1x128xf32, #tpu.memory_space<vmem>>, %arg5: memref<128x128xf32, #tpu.memory_space<vmem>>, %arg6: memref<1x128xf32, #tpu.memory_space<vmem>>, %arg7: memref<128x128xf32, #tpu.memory_space<vmem>>, %arg8: memref<1x128xf32, #tpu.memory_space<vmem>>, %arg9: memref<2000x128xf32, #tpu.memory_space<vmem>>) attributes {dimension_semantics = [#tpu.dimension_semantics<arbitrary>], iteration_bounds = array<i64: 5>, scalar_prefetch = 0 : i64, scratch_operands = 0 : i64, tpu.core_type = #tpu.core_type<tc>, window_params = [{transform_indices = @transform_0, window_bounds = array<i64: 2, 2000, 64>}, {transform_indices = @transform_1, window_bounds = array<i64: 2, 2000, 16>}, {pipeline_mode = #tpu.pipeline_mode<synchronous>, transform_indices = @transform_2, window_bounds = array<i64: 128, 128>}, {pipeline_mode = #tpu.pipeline_mode<synchronous>, transform_indices = @transform_3, window_bounds = array<i64: 1, 128>}, {pipeline_mode = #tpu.pipeline_mode<synchronous>, transform_indices = @transform_4, window_bounds = array<i64: 128, 128>}, {pipeline_mode = #tpu.pipeline_mode<synchronous>, transform_indices = @transform_5, window_bounds = array<i64: 1, 128>}, {pipeline_mode = #tpu.pipeline_mode<synchronous>, transform_indices = @transform_6, window_bounds = array<i64: 128, 128>}, {pipeline_mode = #tpu.pipeline_mode<synchronous>, transform_indices = @transform_7, window_bounds = array<i64: 1, 128>}, {transform_indices = @transform_8, window_bounds = array<i64: 2000, 128>}]} {
    %get3A = arith.constant 0 : index
    %get3A_0 = arith.constant 0 : index
    %get3A_1 = arith.constant 0 : index
    %get3A_2 = vector.load %arg2[%get3A, %get3A_0, %get3A_1] : memref<2x2000x16xf32, #tpu.memory_space<vmem>>, vector<1x2000x1xf32>
    %get3A_3 = vector.shape_cast %get3A_2 : vector<1x2000x1xf32> to vector<2000x1xf32>
    %get3A_4 = arith.constant 1 : index
    %get3A_5 = arith.constant 0 : index
    %get3A_6 = arith.constant 0 : index
    %get3A_7 = vector.load %arg2[%get3A_4, %get3A_5, %get3A_6] : memref<2x2000x16xf32, #tpu.memory_space<vmem>>, vector<1x2000x1xf32>
    %get3A_8 = vector.shape_cast %get3A_7 : vector<1x2000x1xf32> to vector<2000x1xf32>
    %add3A = arith.addf %get3A_3, %get3A_8 : vector<2000x1xf32>
    %max3A = arith.constant 1.000000e+00 : f32
    %max3A_9 = vector.broadcast %max3A : f32 to vector<2000x1xf32>
    %max3A_10 = arith.maximumf %add3A, %max3A_9 : vector<2000x1xf32>
    %div3A = arith.constant 1.000000e+00 : f32
    %div3A_11 = vector.broadcast %div3A : f32 to vector<2000x1xf32>
    %div3A_12 = arith.divf %div3A_11, %max3A_10 : vector<2000x1xf32>
    %get3A_13 = arith.constant 0 : index
    %get3A_14 = arith.constant 0 : index
    %get3A_15 = arith.constant 0 : index
    %get3A_16 = vector.load %arg1[%get3A_13, %get3A_14, %get3A_15] : memref<2x2000x64xf32, #tpu.memory_space<vmem>>, vector<1x2000x64xf32>
    %get3A_17 = vector.shape_cast %get3A_16 : vector<1x2000x64xf32> to vector<2000x64xf32>
    %mul3A = vector.broadcast %div3A_12 : vector<2000x1xf32> to vector<2000x64xf32>
    %mul3A_18 = arith.mulf %get3A_17, %mul3A : vector<2000x64xf32>
    %get3A_19 = arith.constant 1 : index
    %get3A_20 = arith.constant 0 : index
    %get3A_21 = arith.constant 0 : index
    %get3A_22 = vector.load %arg1[%get3A_19, %get3A_20, %get3A_21] : memref<2x2000x64xf32, #tpu.memory_space<vmem>>, vector<1x2000x64xf32>
    %get3A_23 = vector.shape_cast %get3A_22 : vector<1x2000x64xf32> to vector<2000x64xf32>
    %mul3A_24 = vector.broadcast %div3A_12 : vector<2000x1xf32> to vector<2000x64xf32>
    %mul3A_25 = arith.mulf %get3A_23, %mul3A_24 : vector<2000x64xf32>
    %get3A_26 = arith.constant 0 : index
    %get3A_27 = arith.constant 0 : index
    %get3A_28 = vector.load %arg3[%get3A_26, %get3A_27] : memref<128x128xf32, #tpu.memory_space<vmem>>, vector<128x64xf32>
    %dot_general3A = arith.constant dense<0.000000e+00> : vector<2000x128xf32>
    %dot_general3A_29 = tpu.matmul %mul3A_18, %get3A_28, %dot_general3A {dimension_numbers = #tpu.dot_dimension_numbers<[1], [1], [0], [0], [0, 0, 1, 0], [], []>, transpose_lhs_hint = false} : vector<2000x64xf32>, vector<128x64xf32>, vector<2000x128xf32> -> vector<2000x128xf32>
    %get3A_30 = arith.constant 0 : index
    %get3A_31 = arith.constant 64 : index
    %get3A_32 = vector.load %arg3[%get3A_30, %get3A_31] : memref<128x128xf32, #tpu.memory_space<vmem>>, vector<128x64xf32>
    %dot_general3A_33 = arith.constant dense<0.000000e+00> : vector<2000x128xf32>
    %dot_general3A_34 = tpu.matmul %mul3A_25, %get3A_32, %dot_general3A_33 {dimension_numbers = #tpu.dot_dimension_numbers<[1], [1], [0], [0], [0, 0, 1, 0], [], []>, transpose_lhs_hint = false} : vector<2000x64xf32>, vector<128x64xf32>, vector<2000x128xf32> -> vector<2000x128xf32>
    %add3A_35 = arith.addf %dot_general3A_29, %dot_general3A_34 : vector<2000x128xf32>
    %get3A_36 = arith.constant 0 : index
    %get3A_37 = arith.constant 0 : index
    %get3A_38 = vector.load %arg4[%get3A_36, %get3A_37] : memref<1x128xf32, #tpu.memory_space<vmem>>, vector<1x128xf32>
    %add3A_39 = vector.broadcast %get3A_38 : vector<1x128xf32> to vector<2000x128xf32>
    %add3A_40 = arith.addf %add3A_35, %add3A_39 : vector<2000x128xf32>
    %get3A_41 = arith.constant 0 : index
    %get3A_42 = arith.constant 0 : index
    %get3A_43 = vector.load %arg5[%get3A_41, %get3A_42] : memref<128x128xf32, #tpu.memory_space<vmem>>, vector<128x64xf32>
    %dot_general3A_44 = arith.constant dense<0.000000e+00> : vector<2000x128xf32>
    %dot_general3A_45 = tpu.matmul %mul3A_18, %get3A_43, %dot_general3A_44 {dimension_numbers = #tpu.dot_dimension_numbers<[1], [1], [0], [0], [0, 0, 1, 0], [], []>, transpose_lhs_hint = false} : vector<2000x64xf32>, vector<128x64xf32>, vector<2000x128xf32> -> vector<2000x128xf32>
    %get3A_46 = arith.constant 0 : index
    %get3A_47 = arith.constant 64 : index
    %get3A_48 = vector.load %arg5[%get3A_46, %get3A_47] : memref<128x128xf32, #tpu.memory_space<vmem>>, vector<128x64xf32>
    %dot_general3A_49 = arith.constant dense<0.000000e+00> : vector<2000x128xf32>
    %dot_general3A_50 = tpu.matmul %mul3A_25, %get3A_48, %dot_general3A_49 {dimension_numbers = #tpu.dot_dimension_numbers<[1], [1], [0], [0], [0, 0, 1, 0], [], []>, transpose_lhs_hint = false} : vector<2000x64xf32>, vector<128x64xf32>, vector<2000x128xf32> -> vector<2000x128xf32>
    %add3A_51 = arith.addf %dot_general3A_45, %dot_general3A_50 : vector<2000x128xf32>
    %get3A_52 = arith.constant 0 : index
    %get3A_53 = arith.constant 0 : index
    %get3A_54 = vector.load %arg6[%get3A_52, %get3A_53] : memref<1x128xf32, #tpu.memory_space<vmem>>, vector<1x128xf32>
    %add3A_55 = vector.broadcast %get3A_54 : vector<1x128xf32> to vector<2000x128xf32>
    %add3A_56 = arith.addf %add3A_51, %add3A_55 : vector<2000x128xf32>
    %logistic3A = arith.negf %add3A_56 : vector<2000x128xf32>
    %logistic3A_57 = math.exp %logistic3A : vector<2000x128xf32>
    %logistic3A_58 = arith.constant 1.000000e+00 : f32
    %logistic3A_59 = vector.broadcast %logistic3A_58 : f32 to vector<2000x128xf32>
    %logistic3A_60 = arith.addf %logistic3A_59, %logistic3A_57 : vector<2000x128xf32>
    %logistic3A_61 = arith.divf %logistic3A_59, %logistic3A_60 : vector<2000x128xf32>
    %max3A_62 = arith.constant 0.000000e+00 : f32
    %max3A_63 = vector.broadcast %max3A_62 : f32 to vector<2000x128xf32>
    %max3A_64 = arith.maximumf %add3A_40, %max3A_63 : vector<2000x128xf32>
    %mul3A_65 = arith.mulf %max3A_64, %logistic3A_61 : vector<2000x128xf32>
    %get3A_66 = arith.constant 0 : index
    %get3A_67 = arith.constant 0 : index
    %get3A_68 = vector.load %arg7[%get3A_66, %get3A_67] : memref<128x128xf32, #tpu.memory_space<vmem>>, vector<128x128xf32>
    %dot_general3A_69 = arith.constant dense<0.000000e+00> : vector<2000x128xf32>
    %dot_general3A_70 = tpu.matmul %mul3A_65, %get3A_68, %dot_general3A_69 {dimension_numbers = #tpu.dot_dimension_numbers<[1], [1], [0], [0], [0, 0, 1, 0], [], []>, transpose_lhs_hint = false} : vector<2000x128xf32>, vector<128x128xf32>, vector<2000x128xf32> -> vector<2000x128xf32>
    %get3A_71 = arith.constant 0 : index
    %get3A_72 = arith.constant 0 : index
    %get3A_73 = vector.load %arg8[%get3A_71, %get3A_72] : memref<1x128xf32, #tpu.memory_space<vmem>>, vector<1x128xf32>
    %add3A_74 = vector.broadcast %get3A_73 : vector<1x128xf32> to vector<2000x128xf32>
    %add3A_75 = arith.addf %dot_general3A_70, %add3A_74 : vector<2000x128xf32>
    %swap3A = arith.constant 0 : index
    %swap3A_76 = arith.constant 0 : index
    %swap3A_77 = vector.load %arg9[%swap3A, %swap3A_76] : memref<2000x128xf32, #tpu.memory_space<vmem>>, vector<2000x128xf32>
    tpu.vector_store %arg9[%swap3A, %swap3A_76], %add3A_75 {strides = array<i32>} : memref<2000x128xf32, #tpu.memory_space<vmem>>, vector<2000x128xf32>,
    return
  }
  func.func @transform_0(%arg0: i32) -> (i32, i32, i32) {
    %c0_i32 = arith.constant 0 : i32
    %c0_i32_0 = arith.constant 0 : i32
    %c0_i32_1 = arith.constant 0 : i32
    return %c0_i32, %arg0, %c0_i32_0 : i32, i32, i32
  }
  func.func @transform_1(%arg0: i32) -> (i32, i32, i32) {
    %c0_i32 = arith.constant 0 : i32
    %c0_i32_0 = arith.constant 0 : i32
    %c0_i32_1 = arith.constant 0 : i32
    return %c0_i32, %arg0, %c0_i32_0 : i32, i32, i32
  }
  func.func @transform_2(%arg0: i32) -> (i32, i32) {
    %c0_i32 = arith.constant 0 : i32
    %c0_i32_0 = arith.constant 0 : i32
    %c0_i32_1 = arith.constant 0 : i32
    return %c0_i32, %c0_i32_0 : i32, i32
  }
  func.func @transform_3(%arg0: i32) -> (i32, i32) {
    %c0_i32 = arith.constant 0 : i32
    %c0_i32_0 = arith.constant 0 : i32
    %c0_i32_1 = arith.constant 0 : i32
    return %c0_i32, %c0_i32_0 : i32, i32
  }
  func.func @transform_4(%arg0: i32) -> (i32, i32) {
    %c0_i32 = arith.constant 0 : i32
    %c0_i32_0 = arith.constant 0 : i32
    %c0_i32_1 = arith.constant 0 : i32
    return %c0_i32, %c0_i32_0 : i32, i32
  }
  func.func @transform_5(%arg0: i32) -> (i32, i32) {
    %c0_i32 = arith.constant 0 : i32
    %c0_i32_0 = arith.constant 0 : i32
    %c0_i32_1 = arith.constant 0 : i32
    return %c0_i32, %c0_i32_0 : i32, i32
  }
  func.func @transform_6(%arg0: i32) -> (i32, i32) {
    %c0_i32 = arith.constant 0 : i32
    %c0_i32_0 = arith.constant 0 : i32
    %c0_i32_1 = arith.constant 0 : i32
    return %c0_i32, %c0_i32_0 : i32, i32
  }
  func.func @transform_7(%arg0: i32) -> (i32, i32) {
    %c0_i32 = arith.constant 0 : i32
    %c0_i32_0 = arith.constant 0 : i32
    %c0_i32_1 = arith.constant 0 : i32
    return %c0_i32, %c0_i32_0 : i32, i32
  }
  func.func @transform_8(%arg0: i32) -> (i32, i32) {
    %c0_i32 = arith.constant 0 : i32
    %c0_i32_0 = arith.constant 0 : i32
    return %arg0, %c0_i32 : i32, i32
  }
}

</mosaic_0001>

<sc_bundles>
// kernel: kernel.4.cloned.1.call-start
scs
__scs_entry_jumppad:
0x0: {  	(pc) =	sbr.rel $0x88, $3  }
0x1: {  	(tag) =	ssettag $0x0;
	lr =	simm.s32 $0x1  }
0x2: {  	[smem:$0x3F99] =	sst lr;
	_ =	strace $0xD0000000  }
0x3: {  	_ = 	snop  }
0x4: {  	_ = 	snop  }
0x5: {  	_ = 	snop  }
0x6: {  	_ = 	snop  }
0x7: {  	_ = 	snop  }
__scs_overlays_trampoline_lowered:
0x8: {  	[smem:$0x3FA8] =	sst s0  }
0x9: {  	[smem:$0x3FA9] =	sst s1  }
0xa: {  	[smem:$0x3FAA] =	sst s2  }
0xb: {  	[smem:$0x3FAB] =	sst s3  }
0xc: {  	[smem:$0x3FAC] =	sst s4  }
0xd: {  	[smem:$0x3FAD] =	sst s5  }
0xe: {  	[smem:$0x3FAE] =	sst s6  }
0xf: {  	[smem:$0x3FAF] =	sst s7  }
0x10: {  	[smem:$0x3FB0] =	sst s8  }
0x11: {  	[smem:$0x3FB1] =	sst s9;
	s0 =	simm.s32 @!p0 $0x0  }
0x12: {  	s1 =	sld [smem:$0x3F97];
	s0 =	simm.s32 @p0 $0x1  }
0x13: {  	[smem:$0x3FB2] =	sst s0;
	s0 =	simm.s32 @!p1 $0x0  }
0x14: {  	s2 =	sld [smem:$0x3F96];
	s0 =	simm.s32 @p1 $0x1  }
0x15: {  	[smem:$0x3FB3] =	sst s0;
	s0 =	simm.s32 @!p2 $0x0  }
0x16: {  	s3 =	sld [smem:$0x3FDB];
	s0 =	simm.s32 @p2 $0x1  }
0x17: {  	s4 =	simm.s32 $0x1BF5;
	[smem:$0x3FB5] =	sst s0  }
0x18: {  	s0 =	sld [smem:$0x3F98];
	_ =	swait.ge [sflag:s4], $0x0  }
0x19: {  	s7 =	sld [smem:$0x3F99]  }
0x1a: {  	s8 =	sadd.s32 $0xFFFFE003, lr  }
0x1b: {  	s9 =	sadd.s32 $0xFFFFFEF7, lr;
	s5 =	simm.s32 $0xFFFFFFFF;
	p2 =	slt.u32 s8, $0xFFFFF086  }
0x1c: {  	p1 =	slt.u32 s9, $0xF7A;
	s5 =	simm.s32 @!p2 $0x0  }
0x1d: {  	s5 =	simm.s32 @p1 $0x1;
	p0 =	seq.s32 s7, s2  }
0x1e: {  	s7 =	smul.u32 @!p0 $0xF7A, s2;
	p2 =	seq.s32 @!p0 s5, $0x0  }
0x1f: {  	s9 =	smul.u32 $0xF7A, s1;
	s8 =	simm.s32 @!p0 $0x1BF5;
	p2 =	por !p2, p0  }
0x20: {  	[sflag:s8] =	ssyncset.s32 @!p0 $0xFFFFF086;
	s6 =	sadd.s32 @!p0 s3, s7;
	s7 =	simm.s32 @!p0 $0x108  }
0x21: {  	s3 =	sadd.s32 s3, s9;
	s6 =	sadd.s32 @!p0 $0x88, s6;
	s7 =	simm.s32 @p2 $0x1082  }
0x22: {  	[simem:s7], [sflag:s8] =	dma.local @!p0 [hbm:s6], $0xF7A  }
0x23: {  	s9 =	sor.u32 $0xD0000000, s2;
	s6 =	simm.s32 $0x108;
	_ =	swait.ge @!p0 [sflag:s8], $0x0  }
0x24: {  	s3 =	sadd.s32 $0x88, s3;
	s6 =	simm.s32 @!p1 $0x1082;
	[sflag:s4] =	ssyncset.s32 $0xFFFFF086  }
0x25: {  	[simem:s6], [sflag:s4] =	dma.local [hbm:s3], $0xF7A  }
0x26: {  	[smem:$0x3F99] =	sst s1;
	(tag) =	ssettag s2;
	_ =	strace s9  }
0x27: {  	s1 =	sld [smem:$0x3FA9]  }
0x28: {  	s2 =	sld [smem:$0x3FAA]  }
0x29: {  	s4 =	sld [smem:$0x3FAC]  }
0x2a: {  	p0 =	seq.s32 s5, $0x0;
	s5 =	sld [smem:$0x3FAD]  }
0x2b: {  	s6 =	sld [smem:$0x3FAE]  }
0x2c: {  	s7 =	sld [smem:$0x3FAF]  }
0x2d: {  	s3 =	simm.s32 $0x108;
	s8 =	sld [smem:$0x3FB0]  }
0x2e: {  	s3 =	simm.s32 @!p0 $0x1082;
	s9 =	sld [smem:$0x3FB1]  }
0x2f: {  	lr =	sadd.s32 s0, s3;
	s0 =	sld [smem:$0x3FA8]  }
0x30: {  	s3 =	sld [smem:$0x3FAB]  }
0x31: {  	[smem:$0x3FB4] =	sst s10  }
0x32: {  	s10 =	sld [smem:$0x3FB2];
	_ =	sdelay $0x3  }
0x33: {  	p0 =	seq.s32 s10, $0x1;
	s10 =	sld [smem:$0x3FB4];
	_ =	sdelay $0x3  }
0x34: {  	[smem:$0x3FB4] =	sst s10  }
0x35: {  	s10 =	sld [smem:$0x3FB3];
	_ =	sdelay $0x3  }
0x36: {  	p1 =	seq.s32 s10, $0x1;
	s10 =	sld [smem:$0x3FB4];
	_ =	sdelay $0x3  }
0x37: {  	[smem:$0x3FB4] =	sst s10  }
0x38: {  	s10 =	sld [smem:$0x3FB5]  }
0x39: {  	_ = 	snop;
	(pc) =	sbr.ind lr, $3  }
0x3a: {  	_ = 	snop  }
0x3b: {  	_ = 	snop  }
0x3c: {  	p2 =	seq.s32 s10, $0x1;
	s10 =	sld [smem:$0x3FB4]  }
0x3d: {  	_ =	shalt  }
0x3e: {  	_ =	shalt  }
0x3f: {  	_ =	shalt  }
0x40: {  	_ =	shalt  }
0x41: {  	_ =	shalt  }
0x42: {  	_ =	shalt  }
0x43: {  	_ =	shalt  }
0x44: {  	_ =	shalt  }
0x45: {  	_ =	shalt  }
0x46: {  	_ =	shalt  }
0x47: {  	_ =	shalt  }
0x48: {  	_ =	shalt  }
0x49: {  	_ =	shalt  }
0x4a: {  	_ =	shalt  }
0x4b: {  	_ =	shalt  }
0x4c: {  	_ =	shalt  }
0x4d: {  	_ =	shalt  }
0x4e: {  	_ =	shalt  }
0x4f: {  	_ =	shalt  }
0x50: {  	_ =	shalt  }
0x51: {  	_ =	shalt  }
0x52: {  	_ =	shalt  }
0x53: {  	_ =	shalt  }
0x54: {  	_ =	shalt  }
0x55: {  	_ =	shalt  }
0x56: {  	_ =	shalt  }
0x57: {  	_ =	shalt  }
0x58: {  	_ =	shalt  }
0x59: {  	_ =	shalt  }
0x5a: {  	_ =	shalt  }
0x5b: {  	_ =	shalt  }
0x5c: {  	_ =	shalt  }
0x5d: {  	_ =	shalt  }
0x5e: {  	_ =	shalt  }
0x5f: {  	_ =	shalt  }
0x60: {  	_ =	shalt  }
0x61: {  	_ =	shalt  }
0x62: {  	_ =	shalt  }
0x63: {  	_ =	shalt  }
0x64: {  	_ =	shalt  }
0x65: {  	_ =	shalt  }
0x66: {  	_ =	shalt  }
0x67: {  	_ =	shalt  }
0x68: {  	_ =	shalt  }
0x69: {  	_ =	shalt  }
0x6a: {  	_ =	shalt  }
0x6b: {  	_ =	shalt  }
0x6c: {  	_ =	shalt  }
0x6d: {  	_ =	shalt  }
0x6e: {  	_ =	shalt  }
0x6f: {  	_ =	shalt  }
0x70: {  	_ =	shalt  }
0x71: {  	_ =	shalt  }
0x72: {  	_ =	shalt  }
0x73: {  	_ =	shalt  }
0x74: {  	_ =	shalt  }
0x75: {  	_ =	shalt  }
0x76: {  	_ =	shalt  }
0x77: {  	_ =	shalt  }
0x78: {  	_ =	shalt  }
0x79: {  	_ =	shalt  }
0x7a: {  	_ =	shalt  }
0x7b: {  	_ =	shalt  }
0x7c: {  	_ =	shalt  }
0x7d: {  	_ =	shalt  }
0x7e: {  	_ =	shalt  }
0x7f: {  	_ =	shalt  }
0x80: {  	_ =	shalt  }
0x81: {  	_ =	shalt  }
0x82: {  	_ =	shalt  }
0x83: {  	_ =	shalt  }
0x84: {  	_ =	shalt  }
0x85: {  	_ =	shalt  }
0x86: {  	_ =	shalt  }
0x87: {  	_ =	shalt  }
.Lfunc_end0:
.L_simem_size_0:
called_computation_lowered:
.L_overlay_start_0:
0x88: {  	s2 =	sld [smem:$0x3FD9]  }
0x89: {  	s3 =	sld [smem:$0x3FFE];
	_ =	sdelay $0x1  }
0x8a: {  	s1 =	srdreg.scid  }
0x8b: {  	s0 =	sand.u32 $0x1, s1  }
0x8c: {  	s17 =	sshll.u32 s0, $0xA;
	s2 =	sadd.s32 s3, s2  }
0x8d: {  	s2 =	sadd.s32 s2, s17  }
0x8e: {  	[smem:$0x3FC0] =	sst s2  }
0x8f: {  	_ = 	snop  }
0x90: {  	s2 =	sld [smem:$0x3FC9]  }
0x91: {  	s18 =	sld [smem:$0x3FD0];
	(tm) =	ssettm $0x1  }
0x92: {  	s4 =	sld [smem:$0x3FFB];
	_ =	sdelay $0x3  }
0x93: {  	_ =	strace s4  }
0x94: {  	s4 =	sld [smem:$0x3FFC];
	_ =	sdelay $0x3  }
0x95: {  	_ =	strace s4  }
0x96: {  	s4 =	sld [smem:$0x3FFD];
	_ =	sdelay $0x3  }
0x97: {  	_ =	strace s4  }
0x98: {  	_ =	strace $0x8FFFFFFF  }
0x99: {  	s19 =	sld [smem:$0x3FDB];
	_ =	sdelay $0x1  }
0x9a: {  	s5 =	simm.s32 $_scs_section_size  }
0x9b: {  	s6 =	simm.s32 $_size__tile_overlayer_lowered;
	s7 =	simm.s32 $_tile_overlayer_lowered  }
0x9c: {  	s22 =	simm.s32 $0x1BFF;
	s21 =	sshll.u32 s7, $0x1;
	s4 =	sadd.s32 s5, s19  }
0x9d: {  	s8 =	simm.s32 $0x0;
	s20 =	sshll.u32 s6, $0x1;
	s6 =	sadd.s32 s21, s4  }
0x9e: {  	[timem:s8], [sflag:s22] =	dma.local [hbm:s6], s20  }
0x9f: {  	_ =	swait.ge [sflag:s22], s20  }
0xa0: {  	s5 =	ssub.s32 $0x0, s20;
	[sflag:s22] =	ssyncset.done $0x0  }
0xa1: {  	[sflag:s22] =	ssyncadd.s32 s5;
	_ =	sdelay $0x1  }
0xa2: {  	s23 =	simm.s32 $0x1B8B  }
0xa3: {  	_ =	swait.ge [sflag:s23], $0x1  }
0xa4: {  	[sflag:s23] =	ssyncset.done $0x0  }
0xa5: {  	s25 =	simm.s32 $0x1B8E;
	s24 =	sld [smem:$0x3FFE];
	[sflag:s23] =	ssyncadd.s32 $0xFFFFFFFF  }
0xa6: {  	s26 =	simm.s32 $execute0_lowered;
	[smem:$0x3FD2] =	sst s25  }
0xa7: {  	s6 =	sshll.u32 s26, $0x1;
	_ =	strace $0x80000046;
	[dreg:$0x1] =	wrdreg $0xFFFFFFFF  }
0xa8: {  	s28 =	simm.s32 $_size_execute0_lowered;
	s4 =	sadd.s32 s4, s6;
	[dreg:$0x0] =	wrdreg $0x0  }
0xa9: {  	s6 =	sshll.u32 s28, $0x1;
	[dreg:$0x2] =	wrdreg s4  }
0xaa: {  	[dreg:$0x3] =	wrdreg s6  }
0xab: {  	[dreg:$0x4] =	wrdreg $0xC0  }
0xac: {  	_ =	task [dreg:s8], $0x5FFFF  }
0xad: {  	[dreg:$0x1] =	wrdreg $0xFFFFFFFF  }
0xae: {  	[dreg:$0x0] =	wrdreg $0x60  }
0xaf: {  	[dreg:$0x2] =	wrdreg s2  }
0xb0: {  	[dreg:$0x3] =	wrdreg s18  }
0xb1: {  	[dreg:$0x4] =	wrdreg s24  }
0xb2: {  	[dreg:$0x5] =	wrdreg $0xDE800  }
0xb3: {  	[dreg:$0x6] =	wrdreg $0x17E800  }
0xb4: {  	[dreg:$0x7] =	wrdreg $0x9  }
0xb5: {  	_ =	task.clear_ibuf [dreg:s8], $0x8FFFF;
	_ =	strace $0x90000046  }
0xb6: {  	s29 =	simm.s32 $0x9;
	_ =	strace $0x80000048  }
0xb7: {  	_ =	swait.ge [sflag:s29], $0x1  }
0xb8: {  	[sflag:s29] =	ssyncadd.s32 $0xFFFFFFFF  }
0xb9: {  	_ =	strace $0x90000048  }
0xba: {  	_ =	sfence  }
0xbb: {  	s30 =	sld [smem:$0x0];
	_ =	sdelay $0x2  }
0xbc: {  	s31 =	sshll.u32 s1, $0xD;
	s1 =	sshrl.u32 s1, $0x2  }
0xbd: {  	s3 =	sand.u32 $0x4000, s31;
	s1 =	sadd.s32 s1, s30  }
0xbe: {  	s0 =	sor.u32 s3, s0;
	s1 =	sshll.u32 s1, $0x11  }
0xbf: {  	s0 =	sor.u32 s1, s0  }
0xc0: {  	s0 =	sadd.s32 $0x8F2B, s0  }
0xc1: {  	[sflag:s0] =	ssyncadd.remote.s32 $0x1  }
0xc2: {  	_ =	sfence.sel $0xFFFF  }
0xc3: {  	[dreg:$0x0] =	wrdreg $0xFFFFFFFF;
	(pc) =	sbr.abs _section_cstart, $3  }
0xc4: {  	[dreg:$0x1] =	wrdreg $0xFFFFFFFF  }
0xc5: {  	_ =	task.clear_ibuf [dreg:s8], $0x2FFFF;
	_ =	strace $0x9FFFFFFF  }
0xc6: {  	(tm) =	ssettm $0x7FFFFFFF  }
0xc7: {  	_ =	shalt  }
tec
execute0_lowered:
.L_overlay_start_1:
0x0: {  	(tag) =	ssettag $0x1  }
0x1: {  	s1 =	rddreg [dreg:$0x0]  }
0x2: {  	s2 =	rddreg [dreg:$0x1];
	s14 =	stileid.u32  }
0x3: {  	s0 =	srdreg.scid;
	s30 =	smul.u32 $0xA000, s14  }
0x4: {  	s3 =	rddreg [dreg:$0x2];
	s8 =	smul.u32 $0x2800, s14  }
0x5: {  	s4 =	rddreg [dreg:$0x3];
	s21 =	sand.u32 $0x1, s0;
	s11 =	smul.u32 $0x280, s14  }
0x6: {  	s5 =	rddreg [dreg:$0x4];
	s6 =	simm.s32 $0x0;
	s7 =	smul.u32 $0xA0000, s21  }
0x7: {  	s31 =	simm.s32 $0x4;
	[smem:$0x7FF] =	sst s6;
	s9 =	smul.u32 $0x28000, s21  }
0x8: {  	_ =	strace $0x80000047;
	s10 =	ssub.s32 $0x2, s21;
	s0 =	sadd.s32 s30, s4  }
0x9: {  	s13 =	sor.u32 $0x50, s11;
	s17 =	sadd.s32 $0xA0, s11;
	s23 =	sadd.s32 $0x140, s11  }
0xa: {  	s26 =	sadd.s32 $0x190, s11;
	s7 =	sadd.s32 s30, s7;
	s9 =	sadd.s32 s8, s9  }
0xb: {  	[dreg:$0x6] =	wrdreg s0;
	s8 =	sadd.s32 s8, s5;
	s15 =	sshll.u32 s13, $0x6  }
0xc: {  	s0 =	sshll.u32 s13, $0x4;
	s18 =	sshll.u32 s17, $0x6;
	s13 =	sadd.s32 $0xF0, s11  }
0xd: {  	s24 =	sshll.u32 s23, $0x6;
	s28 =	sshll.u32 s26, $0x6;
	s30 =	sadd.s32 $0x1E0, s11  }
0xe: {  	s11 =	sadd.s32 $0x230, s11;
	s7 =	sshrl.u32 s7, $0x3;
	s9 =	sshrl.u32 s9, $0x3  }
0xf: {  	s16 =	sadd.s32 s15, s4;
	s0 =	sadd.s32 s0, s5;
	s19 =	sadd.s32 s18, s4  }
0x10: {  	s20 =	sshll.u32 s13, $0x6;
	s22 =	sshll.u32 s13, $0x4;
	[dreg:$0x7] =	wrdreg s16  }
0x11: {  	s15 =	sadd.s32 s28, s4;
	s13 =	simm.s32 $0x5000;
	[dreg:$0x8] =	wrdreg s0  }
0x12: {  	s12 =	sadd.s32 s7, s3;
	s3 =	sadd.s32 s9, s3;
	[dreg:$0x9] =	wrdreg s19  }
0x13: {  	s9 =	sshrl.u32 s10, $0x1;
	s0 =	sshll.u32 s17, $0x4;
	[dreg:$0xf] =	wrdreg s15  }
0x14: {  	s16 =	sshll.u32 s30, $0x6;
	s17 =	sshll.u32 s30, $0x4;
	s19 =	smul.u32 $0x4E20, s14  }
0x15: {  	s14 =	simm.s32 $0x6400;
	s15 =	simm.s32 $0x7800;
	s9 =	ssub.s32 s10, s9  }
0x16: {  	s0 =	sadd.s32 s0, s5;
	s10 =	sshll.u32 s23, $0x4;
	s18 =	sadd.s32 s17, s5  }
0x17: {  	s3 =	sadd.s32 $0x29600, s3;
	s17 =	simm.s32 $0xA000;
	[dreg:$0xa] =	wrdreg s0  }
0x18: {  	s0 =	sadd.s32 s20, s4;
	s25 =	sadd.s32 s10, s5;
	[dreg:$0x12] =	wrdreg s18  }
0x19: {  	s20 =	sshll.u32 s11, $0x6;
	s23 =	sshrl.u32 s19, $0x3;
	[dreg:$0x17] =	wrdreg s3  }
0x1a: {  	s28 =	smax.u32 s9, $0x1;
	s3 =	simm.s32 $0xD980;
	s9 =	simm.s32 $0x50  }
0x1b: {  	s10 =	simm.s32 $0x1400;
	s18 =	simm.s32 $0xB400;
	[dreg:$0xb] =	wrdreg s0  }
0x1c: {  	s0 =	sadd.s32 s22, s5;
	[dreg:$0xe] =	wrdreg s25;
	s22 =	sshll.u32 s11, $0x4  }
0x1d: {  	s25 =	smul.u32 $0x140, s21;
	[dreg:$0x18] =	wrdreg s28;
	s11 =	simm.s32 $0x2800  }
0x1e: {  	v0 =	vmov s21;
	s21 =	simm.s32 $0x2;
	[dreg:$0xc] =	wrdreg s0;
	s0 =	sadd.s32 s24, s4  }
0x1f: {  	s24 =	sadd.s32 s2, s23;
	s23 =	simm.s32 $0x0;
	[dreg:$0xd] =	wrdreg s0  }
0x20: {  	s0 =	sshll.u32 s26, $0x4;
	s26 =	sadd.s32 $0x1600, s12;
	[dreg:$0x15] =	wrdreg s24  }
0x21: {  	s29 =	sshrl.u32 s25, $0x2;
	s30 =	sadd.s32 $0x9C40, s24;
	[dreg:$0x16] =	wrdreg s26  }
.Ltmp0:
0x22: {  	s0 =	sadd.s32 s0, s5;
	[dreg:$0x19] =	wrdreg s30;
	(pc) =	sbr.rel .LBB2_1-.Ltmp0, $4  }
0x23: {  	s12 =	simm.s32 $0x3C00;
	[dreg:$0x10] =	wrdreg s0;
	s0 =	sadd.s32 s16, s4  }
0x24: {  	s16 =	simm.s32 $0x8C00;
	[dreg:$0x11] =	wrdreg s0;
	s0 =	sadd.s32 s20, s4  }
0x25: {  	s20 =	simm.s32 $0xD480;
	[dreg:$0x13] =	wrdreg s0;
	s0 =	sadd.s32 s22, s5  }
0x26: {  	v1 =	vimm.f32 $0.0e+00;
	v2 =	vimm.f32 $1.000000000e+00;
	s22 =	simm.s32 $0x3;
	[dreg:$0x14] =	wrdreg s0;
	s0 =	simm.s32 $0x1  }
.LBB2_18:
0x27: {  	_ =	swait.ge [sflag:s21], $0x1400  }
0x28: {  	[sflag:s21] =	ssyncset.done $0x0  }
0x29: {  	[sflag:s21] =	ssyncadd.s32 $0xFFFFEC00  }
0x2a: {  	_ =	swait.ge [sflag:s21], $0x1400  }
0x2b: {  	[sflag:s21] =	ssyncset.done $0x0  }
0x2c: {  	[sflag:s21] =	ssyncadd.s32 $0xFFFFEC00  }
0x2d: {  	_ =	swait.ge [sflag:s21], $0x1400  }
0x2e: {  	[sflag:s21] =	ssyncset.done $0x0  }
0x2f: {  	[sflag:s21] =	ssyncadd.s32 $0xFFFFEC00  }
0x30: {  	_ =	swait.ge [sflag:s21], $0x1400  }
0x31: {  	[sflag:s21] =	ssyncset.done $0x0  }
0x32: {  	[sflag:s21] =	ssyncadd.s32 $0xFFFFEC00  }
0x33: {  	_ =	swait.ge [sflag:s21], $0x1400  }
0x34: {  	[sflag:s21] =	ssyncset.done $0x0  }
0x35: {  	[sflag:s21] =	ssyncadd.s32 $0xFFFFEC00  }
0x36: {  	_ =	swait.ge [sflag:s21], $0x1400  }
0x37: {  	[sflag:s21] =	ssyncset.done $0x0  }
0x38: {  	[sflag:s21] =	ssyncadd.s32 $0xFFFFEC00  }
0x39: {  	_ =	swait.ge [sflag:s21], $0x1400  }
0x3a: {  	[sflag:s21] =	ssyncset.done $0x0  }
0x3b: {  	[sflag:s21] =	ssyncadd.s32 $0xFFFFEC00  }
0x3c: {  	_ =	swait.ge [sflag:s21], $0x1400  }
0x3d: {  	[sflag:s21] =	ssyncset.done $0x0  }
0x3e: {  	[sflag:s21] =	ssyncadd.s32 $0xFFFFEC00  }
0x3f: {  	_ =	swait.ge [sflag:s21], $0x1400  }
0x40: {  	[sflag:s21] =	ssyncset.done $0x0  }
0x41: {  	[sflag:s21] =	ssyncadd.s32 $0xFFFFEC00  }
0x42: {  	_ =	swait.ge [sflag:s21], $0x1400  }
0x43: {  	[sflag:s21] =	ssyncset.done $0x0  }
0x44: {  	[sflag:s21] =	ssyncadd.s32 $0xFFFFEC00  }
0x45: {  	_ =	swait.ge [sflag:s21], $0x500  }
0x46: {  	[sflag:s21] =	ssyncset.done $0x0  }
0x47: {  	[sflag:s21] =	ssyncadd.s32 $0xFFFFFB00  }
0x48: {  	_ =	swait.ge [sflag:s21], $0x500  }
0x49: {  	[sflag:s21] =	ssyncset.done $0x0  }
0x4a: {  	[sflag:s21] =	ssyncadd.s32 $0xFFFFFB00  }
0x4b: {  	_ =	swait.ge [sflag:s21], $0x500  }
0x4c: {  	[sflag:s21] =	ssyncset.done $0x0  }
0x4d: {  	[sflag:s21] =	ssyncadd.s32 $0xFFFFFB00  }
0x4e: {  	_ =	swait.ge [sflag:s21], $0x500  }
0x4f: {  	[sflag:s21] =	ssyncset.done $0x0  }
0x50: {  	[sflag:s21] =	ssyncadd.s32 $0xFFFFFB00  }
0x51: {  	_ =	swait.ge [sflag:s21], $0x500  }
0x52: {  	[sflag:s21] =	ssyncset.done $0x0  }
0x53: {  	[sflag:s21] =	ssyncadd.s32 $0xFFFFFB00  }
0x54: {  	s7 =	stileid.u32;
	[bflag:$0x0] =	sbarrier.arrive $0xFFFF  }
0x55: {  	s7 =	sshll.u32 s7, $0x6;
	s24 =	rddreg [dreg:$0x6]  }
0x56: {  	s7 =	sor.u32 $0x1C04, s7;
	s25 =	rddreg [dreg:$0x16];
	s24 =	sshrl.u32 s24, $0x3  }
0x57: {  	[hbm:s25], [sflag:s7] =	dma.local [spmem:s24], $0x1400  }
0x58: {  	_ =	swait.ge [sflag:s31], $0x1400  }
0x59: {  	[sflag:s31] =	ssyncset.done $0x0  }
0x5a: {  	s26 =	sshrl.u32 s8, $0x3;
	s28 =	rddreg [dreg:$0x17];
	[sflag:s31] =	ssyncadd.s32 $0xFFFFEC00  }
0x5b: {  	[hbm:s28], [sflag:s7] =	dma.local [spmem:s26], $0x500  }
0x5c: {  	_ =	swait.ge [sflag:s31], $0x500  }
0x5d: {  	s23 =	sadd.s32 $0x1, s23;
	s30 =	rddreg [dreg:$0x18]  }
0x5e: {  	p0 =	sne.s32 s23, s30  }
.Ltmp1:
0x5f: {  	_ = 	snop;
	(pc) =	sbr.rel @!p0 .LBB2_19-.Ltmp1, $3  }
0x60: {  	_ =	sdelay $0x1  }
0x61: {  	[sflag:s31] =	ssyncset.done $0x0  }
0x62: {  	[sflag:s31] =	ssyncadd.s32 $0xFFFFFB00  }
.LBB2_1:
0x63: {  	s25 =	simm.s32 $0x40;
	s26 =	simm.s32 $0x0  }
.LBB2_2:
0x64: {  	p0 =	sne.s32 s25, $0x13C0;
	[tilespmem:s26+$0xD980] =	vst v1;
	s26 =	smov.u32 s25;
	s25 =	sadd.s32 $0x40, s25  }
.Ltmp2:
0x65: {  	(pc) =	sbr.rel @p0 .LBB2_2-.Ltmp2, $2  }
0x66: {  	_ =	sdelay $0x2  }
0x67: {  	s26 =	sshra.s32 s26, $0x2  }
0x68: {  	[tilespmem:s26+$0xD980] =	vst v1;
	s25 =	simm.s32 $0x0;
	s26 =	simm.s32 $0x40;
	s28 =	simm.s32 $0x0  }
.LBB2_4:
0x69: {  	p0 =	sne.s32 s26, $0x13C0;
	[tilespmem:s28+$0xD480] =	vst v2;
	s28 =	smov.u32 s26;
	s26 =	sadd.s32 $0x40, s26  }
.Ltmp3:
0x6a: {  	(pc) =	sbr.rel @p0 .LBB2_4-.Ltmp3, $2  }
0x6b: {  	_ =	sdelay $0x2  }
0x6c: {  	s28 =	sshra.s32 s28, $0x2  }
0x6d: {  	s26 =	sand.u32 $0x7F00, s25  }
0x6e: {  	s30 =	sand.u32 $0x30, s25;
	s24 =	sshrl.u32 s26, $0x2  }
0x6f: {  	[tilespmem:s28+$0xD480] =	vst v2;
	s26 =	simm.s32 $0x40;
	s28 =	sor.u32 s30, s24  }
.LBB2_6:
0x70: {  	p0 =	sne.s32 s26, $0x4FC0  }
0x71: {  	[tilespmem:s28+$0x0] =	vst v1;
	s25 =	sadd.s32 $0x10, s25;
	s24 =	smov.u32 s26;
	s26 =	sadd.s32 $0x40, s26  }
.Ltmp4:
0x72: {  	(pc) =	sbr.rel @p0 .LBB2_6-.Ltmp4, $4  }
0x73: {  	_ = 	snop  }
0x74: {  	s24 =	sand.u32 $0x7F00, s24  }
0x75: {  	s28 =	sand.u32 $0x30, s25;
	s24 =	sshrl.u32 s24, $0x2  }
0x76: {  	s28 =	sor.u32 s28, s24  }
0x77: {  	[tilespmem:s28+$0x0] =	vst v1;
	s25 =	simm.s32 $0x0;
	s7 =	rddreg [dreg:$0x6]  }
0x78: {  	[spmem:s7] =	stream.linear.scatter [tilespmem:s25], [sflag:$0x4], $0x1400, $0x38;
	[tilespmem:$0x1A680] =	vst v63  }
0x79: {  	_ =	swait.ge [sflag:s31], $0x1400  }
0x7a: {  	[sflag:s31] =	ssyncset.done $0x0  }
0x7b: {  	[sflag:s31] =	ssyncadd.s32 $0xFFFFEC00  }
0x7c: {  	[spmem:s8] =	stream.linear.scatter [tilespmem:s3], [sflag:$0x4], $0x500, $0x38;
	[tilespmem:$0x1A680] =	vst v63  }
0x7d: {  	_ =	swait.ge [sflag:s31], $0x500  }
0x7e: {  	[sflag:s31] =	ssyncset.done $0x0  }
0x7f: {  	s30 =	rddreg [dreg:$0x7];
	[sflag:s31] =	ssyncadd.s32 $0xFFFFFB00  }
0x80: {  	[spmem:s30] =	stream.linear.scatter [tilespmem:s25], [sflag:$0x4], $0x1400, $0x38;
	[tilespmem:$0x1A680] =	vst v63  }
0x81: {  	_ =	swait.ge [sflag:s31], $0x1400  }
0x82: {  	[sflag:s31] =	ssyncset.done $0x0  }
0x83: {  	s24 =	rddreg [dreg:$0x8];
	[sflag:s31] =	ssyncadd.s32 $0xFFFFEC00  }
0x84: {  	[spmem:s24] =	stream.linear.scatter [tilespmem:s3], [sflag:$0x4], $0x500, $0x38;
	[tilespmem:$0x1A680] =	vst v63  }
0x85: {  	_ =	swait.ge [sflag:s31], $0x500  }
0x86: {  	[sflag:s31] =	ssyncset.done $0x0  }
0x87: {  	s26 =	rddreg [dreg:$0x9];
	[sflag:s31] =	ssyncadd.s32 $0xFFFFFB00  }
0x88: {  	[spmem:s26] =	stream.linear.scatter [tilespmem:s25], [sflag:$0x4], $0x1400, $0x38;
	[tilespmem:$0x1A680] =	vst v63  }
0x89: {  	_ =	swait.ge [sflag:s31], $0x1400  }
0x8a: {  	[sflag:s31] =	ssyncset.done $0x0  }
0x8b: {  	s28 =	rddreg [dreg:$0xa];
	[sflag:s31] =	ssyncadd.s32 $0xFFFFEC00  }
0x8c: {  	[spmem:s28] =	stream.linear.scatter [tilespmem:s3], [sflag:$0x4], $0x500, $0x38;
	[tilespmem:$0x1A680] =	vst v63  }
0x8d: {  	_ =	swait.ge [sflag:s31], $0x500  }
0x8e: {  	[sflag:s31] =	ssyncset.done $0x0  }
0x8f: {  	s30 =	rddreg [dreg:$0xb];
	[sflag:s31] =	ssyncadd.s32 $0xFFFFFB00  }
0x90: {  	[spmem:s30] =	stream.linear.scatter [tilespmem:s25], [sflag:$0x4], $0x1400, $0x38;
	[tilespmem:$0x1A680] =	vst v63  }
0x91: {  	_ =	swait.ge [sflag:s31], $0x1400  }
0x92: {  	[sflag:s31] =	ssyncset.done $0x0  }
0x93: {  	s24 =	rddreg [dreg:$0xc];
	[sflag:s31] =	ssyncadd.s32 $0xFFFFEC00  }
0x94: {  	[spmem:s24] =	stream.linear.scatter [tilespmem:s3], [sflag:$0x4], $0x500, $0x38;
	[tilespmem:$0x1A680] =	vst v63  }
0x95: {  	_ =	swait.ge [sflag:s31], $0x500  }
0x96: {  	[sflag:s31] =	ssyncset.done $0x0  }
0x97: {  	s26 =	rddreg [dreg:$0xd];
	[sflag:s31] =	ssyncadd.s32 $0xFFFFFB00  }
0x98: {  	[spmem:s26] =	stream.linear.scatter [tilespmem:s25], [sflag:$0x4], $0x1400, $0x38;
	[tilespmem:$0x1A680] =	vst v63  }
0x99: {  	_ =	swait.ge [sflag:s31], $0x1400  }
0x9a: {  	[sflag:s31] =	ssyncset.done $0x0  }
0x9b: {  	s28 =	rddreg [dreg:$0xe];
	[sflag:s31] =	ssyncadd.s32 $0xFFFFEC00  }
0x9c: {  	[spmem:s28] =	stream.linear.scatter [tilespmem:s3], [sflag:$0x4], $0x500, $0x38;
	[tilespmem:$0x1A680] =	vst v63  }
0x9d: {  	_ =	swait.ge [sflag:s31], $0x500  }
0x9e: {  	[sflag:s31] =	ssyncset.done $0x0  }
0x9f: {  	s30 =	rddreg [dreg:$0xf];
	[sflag:s31] =	ssyncadd.s32 $0xFFFFFB00  }
0xa0: {  	[spmem:s30] =	stream.linear.scatter [tilespmem:s25], [sflag:$0x4], $0x1400, $0x38;
	[tilespmem:$0x1A680] =	vst v63  }
0xa1: {  	_ =	swait.ge [sflag:s31], $0x1400  }
0xa2: {  	[sflag:s31] =	ssyncset.done $0x0  }
0xa3: {  	s24 =	rddreg [dreg:$0x10];
	[sflag:s31] =	ssyncadd.s32 $0xFFFFEC00  }
0xa4: {  	[spmem:s24] =	stream.linear.scatter [tilespmem:s3], [sflag:$0x4], $0x500, $0x38;
	[tilespmem:$0x1A680] =	vst v63  }
0xa5: {  	_ =	swait.ge [sflag:s31], $0x500  }
0xa6: {  	[sflag:s31] =	ssyncset.done $0x0  }
0xa7: {  	s26 =	rddreg [dreg:$0x11];
	[sflag:s31] =	ssyncadd.s32 $0xFFFFFB00  }
0xa8: {  	[spmem:s26] =	stream.linear.scatter [tilespmem:s25], [sflag:$0x4], $0x1400, $0x38;
	[tilespmem:$0x1A680] =	vst v63  }
0xa9: {  	_ =	swait.ge [sflag:s31], $0x1400  }
0xaa: {  	[sflag:s31] =	ssyncset.done $0x0  }
0xab: {  	s28 =	rddreg [dreg:$0x12];
	[sflag:s31] =	ssyncadd.s32 $0xFFFFEC00  }
0xac: {  	[spmem:s28] =	stream.linear.scatter [tilespmem:s3], [sflag:$0x4], $0x500, $0x38;
	[tilespmem:$0x1A680] =	vst v63  }
0xad: {  	_ =	swait.ge [sflag:s31], $0x500  }
0xae: {  	[sflag:s31] =	ssyncset.done $0x0  }
0xaf: {  	s30 =	rddreg [dreg:$0x13];
	[sflag:s31] =	ssyncadd.s32 $0xFFFFFB00  }
0xb0: {  	[spmem:s30] =	stream.linear.scatter [tilespmem:s25], [sflag:$0x4], $0x1400, $0x38;
	[tilespmem:$0x1A680] =	vst v63  }
0xb1: {  	_ =	swait.ge [sflag:s31], $0x1400  }
0xb2: {  	[sflag:s31] =	ssyncset.done $0x0  }
0xb3: {  	s24 =	rddreg [dreg:$0x14];
	[sflag:s31] =	ssyncadd.s32 $0xFFFFEC00  }
0xb4: {  	[spmem:s24] =	stream.linear.scatter [tilespmem:s3], [sflag:$0x4], $0x500, $0x38;
	[tilespmem:$0x1A680] =	vst v63  }
0xb5: {  	_ =	swait.ge [sflag:s31], $0x500  }
0xb6: {  	[sflag:s31] =	ssyncset.done $0x0  }
0xb7: {  	s24 =	simm.s32 $0xC800;
	s26 =	rddreg [dreg:$0x15];
	[sflag:s31] =	ssyncadd.s32 $0xFFFFFB00  }
0xb8: {  	[tilespmem:s24], [sflag:$0x4] =	stream.linear.gather [hbm4b:s26+s25], $0x320, $0x38;
	[tilespmem:$0x1A680] =	vst v63  }
0xb9: {  	_ =	swait.ge [sflag:s31], $0x320  }
0xba: {  	[sflag:s31] =	ssyncset.done $0x0  }
0xbb: {  	s30 =	simm.s32 $0xCE40;
	s28 =	rddreg [dreg:$0x19];
	[sflag:s31] =	ssyncadd.s32 $0xFFFFFCE0  }
0xbc: {  	[tilespmem:s30], [sflag:$0x4] =	stream.linear.gather [hbm4b:s28+s25], $0x320, $0x38;
	[tilespmem:$0x1A680] =	vst v63  }
0xbd: {  	_ =	swait.ge [sflag:s31], $0x320  }
0xbe: {  	[sflag:s31] =	ssyncset.done $0x0  }
0xbf: {  	s26 =	simm.s32 $0x40;
	s25 =	simm.s32 $0x0;
	[sflag:s31] =	ssyncadd.s32 $0xFFFFFCE0  }
.LBB2_8:
0xc0: {  	p0 =	sne.s32 s26, $0xC40;
	v3 =	vld [tilespmem:s25+$0xC800];
	_ =	sdelay $0x2  }
.Ltmp5:
0xc1: {  	(pc) =	sbr.rel @p0 .LBB2_8-.Ltmp5, $4  }
0xc2: {  	_ = 	snop  }
0xc3: {  	v3 =	vshll.u32 v3, $0x1  }
0xc4: {  	v3 =	vor.u32 v0, v3  }
0xc5: {  	[tilespmem:s25+$0xC800] =	vst v3;
	s25 =	sshra.s32 s26, $0x2;
	s26 =	sadd.s32 $0x40, s26  }
0xc6: {  	v3 =	vld [tilespmem:s25+$0xC800];
	_ =	sdelay $0x4  }
.Ltmp6:
0xc7: {  	v3 =	vshll.u32 v3, $0x1;
	(pc) =	sbr.rel .LBB2_10-.Ltmp6, $4  }
0xc8: {  	v3 =	vor.u32 v0, v3  }
0xc9: {  	[tilespmem:s25+$0xC800] =	vst v3  }
0xca: {  	[bflag:$0x0] =	sbarrier.arrive $0xFFFF  }
0xcb: {  	s25 =	simm.s32 $0x0  }
.LBB2_17:
0xcc: {  	p0 =	slt.u32 s25, $0x19  }
.Ltmp7:
0xcd: {  	_ = 	snop;
	(pc) =	sbr.rel @!p0 .LBB2_18-.Ltmp7, $1  }
0xce: {  	_ =	sdelay $0x3  }
.LBB2_10:
0xcf: {  	p0 =	seq.s32 s25, $0x0  }
0xd0: {  	s24 =	simm.s32 @!p0 $0x2  }
0xd1: {  	_ =	swait.ge @!p0 [sflag:s24], $0x1400  }
0xd2: {  	[sflag:s24] =	ssyncset.done @!p0 $0x0  }
0xd3: {  	[sflag:s24] =	ssyncadd.s32 @!p0 $0xFFFFEC00  }
0xd4: {  	_ =	swait.ge @!p0 [sflag:s24], $0x1400  }
0xd5: {  	[sflag:s24] =	ssyncset.done @!p0 $0x0  }
0xd6: {  	[sflag:s24] =	ssyncadd.s32 @!p0 $0xFFFFEC00  }
0xd7: {  	_ =	swait.ge @!p0 [sflag:s24], $0x1400  }
0xd8: {  	[sflag:s24] =	ssyncset.done @!p0 $0x0  }
0xd9: {  	[sflag:s24] =	ssyncadd.s32 @!p0 $0xFFFFEC00  }
0xda: {  	_ =	swait.ge @!p0 [sflag:s24], $0x1400  }
0xdb: {  	[sflag:s24] =	ssyncset.done @!p0 $0x0  }
0xdc: {  	[sflag:s24] =	ssyncadd.s32 @!p0 $0xFFFFEC00  }
0xdd: {  	_ =	swait.ge @!p0 [sflag:s24], $0x1400  }
0xde: {  	[sflag:s24] =	ssyncset.done @!p0 $0x0  }
0xdf: {  	[sflag:s24] =	ssyncadd.s32 @!p0 $0xFFFFEC00  }
0xe0: {  	_ =	swait.ge @!p0 [sflag:s24], $0x1400  }
0xe1: {  	[sflag:s24] =	ssyncset.done @!p0 $0x0  }
0xe2: {  	[sflag:s24] =	ssyncadd.s32 @!p0 $0xFFFFEC00  }
0xe3: {  	_ =	swait.ge @!p0 [sflag:s24], $0x1400  }
0xe4: {  	[sflag:s24] =	ssyncset.done @!p0 $0x0  }
0xe5: {  	[sflag:s24] =	ssyncadd.s32 @!p0 $0xFFFFEC00  }
0xe6: {  	_ =	swait.ge @!p0 [sflag:s24], $0x1400  }
0xe7: {  	[sflag:s24] =	ssyncset.done @!p0 $0x0  }
0xe8: {  	[sflag:s24] =	ssyncadd.s32 @!p0 $0xFFFFEC00  }
0xe9: {  	_ =	swait.ge @!p0 [sflag:s24], $0x1400  }
0xea: {  	[sflag:s24] =	ssyncset.done @!p0 $0x0  }
0xeb: {  	[sflag:s24] =	ssyncadd.s32 @!p0 $0xFFFFEC00  }
0xec: {  	_ =	swait.ge @!p0 [sflag:s24], $0x1400  }
0xed: {  	[sflag:s24] =	ssyncset.done @!p0 $0x0  }
0xee: {  	[sflag:s24] =	ssyncadd.s32 @!p0 $0xFFFFEC00  }
0xef: {  	_ =	swait.ge @!p0 [sflag:s24], $0x500  }
0xf0: {  	[sflag:s24] =	ssyncset.done @!p0 $0x0  }
0xf1: {  	[sflag:s24] =	ssyncadd.s32 @!p0 $0xFFFFFB00  }
0xf2: {  	_ =	swait.ge @!p0 [sflag:s24], $0x500  }
0xf3: {  	[sflag:s24] =	ssyncset.done @!p0 $0x0  }
0xf4: {  	[sflag:s24] =	ssyncadd.s32 @!p0 $0xFFFFFB00  }
0xf5: {  	_ =	swait.ge @!p0 [sflag:s24], $0x500  }
0xf6: {  	[sflag:s24] =	ssyncset.done @!p0 $0x0  }
0xf7: {  	p1 =	seq.s32 @!p0 s25, $0x18;
	[sflag:s24] =	ssyncadd.s32 @!p0 $0xFFFFFB00  }
0xf8: {  	p1 =	por p0, !p1;
	_ =	swait.ge @!p0 [sflag:s24], $0x500  }
.Ltmp8:
0xf9: {  	[sflag:s24] =	ssyncset.done @!p0 $0x0;
	(pc) =	sbr.rel @p1 .LBB2_12-.Ltmp8, $4  }
0xfa: {  	[sflag:s24] =	ssyncadd.s32 @!p0 $0xFFFFFB00  }
0xfb: {  	_ =	swait.ge @!p0 [sflag:s24], $0x500  }
0xfc: {  	[sflag:s24] =	ssyncset.done @!p0 $0x0  }
0xfd: {  	s26 =	sand.u32 $0x1, s25;
	[sflag:s24] =	ssyncadd.s32 @!p0 $0xFFFFFB00  }
.Ltmp9:
0xfe: {  	(pc) =	sbr.rel .LBB2_13-.Ltmp9, $2  }
0xff: {  	_ =	sdelay $0x2  }
0x100: {  	s25 =	simm.s32 @!p0 $0x19;
	p0 =	por @!p0 $0x1, $0x1  }
.LBB2_12:
0x101: {  	s25 =	sadd.s32 @!p0 $0x1, s25  }
0x102: {  	s25 =	simm.s32 @p0 $0x1  }
0x103: {  	s24 =	smul.u32 $0x320, s25  }
0x104: {  	s28 =	sxor.u32 $0x1, s26  }
0x105: {  	s28 =	smul.u32 $0x320, s28;
	s24 =	sadd.s32 s19, s24  }
0x106: {  	s24 =	sshrl.u32 s24, $0x3  }
0x107: {  	s30 =	sor.u32 $0xC800, s28;
	s24 =	sadd.s32 s2, s24  }
0x108: {  	[tilespmem:s30], [sflag:$0x3] =	stream.linear.gather [hbm4b:s24+s6], $0x320, $0x38;
	[tilespmem:$0x1A680] =	vst v63  }
0x109: {  	p0 =	por $0x0, $0x0;
	s28 =	sadd.s32 $0xCE40, s28;
	s24 =	sadd.s32 $0x9C40, s24  }
0x10a: {  	[tilespmem:s28], [sflag:$0x3] =	stream.linear.gather [hbm4b:s24+s6], $0x320, $0x38;
	[tilespmem:$0x1A680] =	vst v63  }
.LBB2_13:
0x10b: {  	s28 =	smul.u32 $0x320, s26;
	_ =	sdelay $0x1  }
0x10c: {  	s24 =	sor.u32 $0xC800, s28  }
0x10d: {  	[tilespmem:s6], [sflag:$0x1] =	stream.indirect.gather [hbm4b:s1+s9], $0x40, s24, s9, $0xb8;
	[tilespmem:$0x1A680] =	vst v63  }
0x10e: {  	s7 =	sadd.s32 $0xC850, s28  }
0x10f: {  	[tilespmem:s10], [sflag:$0x1] =	stream.indirect.gather [hbm4b:s1+s9], $0x40, s7, s9, $0xb8;
	[tilespmem:$0x1A680] =	vst v63  }
0x110: {  	s30 =	sadd.s32 $0xC8A0, s28  }
0x111: {  	[tilespmem:s11], [sflag:$0x1] =	stream.indirect.gather [hbm4b:s1+s9], $0x40, s30, s9, $0xb8;
	[tilespmem:$0x1A680] =	vst v63  }
0x112: {  	s7 =	sadd.s32 $0xC8F0, s28  }
0x113: {  	[tilespmem:s12], [sflag:$0x1] =	stream.indirect.gather [hbm4b:s1+s9], $0x40, s7, s9, $0xb8;
	[tilespmem:$0x1A680] =	vst v63  }
0x114: {  	s30 =	sadd.s32 $0xC940, s28  }
0x115: {  	[tilespmem:s13], [sflag:$0x1] =	stream.indirect.gather [hbm4b:s1+s9], $0x40, s30, s9, $0xb8;
	[tilespmem:$0x1A680] =	vst v63  }
0x116: {  	s7 =	sadd.s32 $0xC990, s28  }
0x117: {  	[tilespmem:s14], [sflag:$0x1] =	stream.indirect.gather [hbm4b:s1+s9], $0x40, s7, s9, $0xb8;
	[tilespmem:$0x1A680] =	vst v63  }
0x118: {  	s30 =	sadd.s32 $0xC9E0, s28  }
0x119: {  	[tilespmem:s15], [sflag:$0x1] =	stream.indirect.gather [hbm4b:s1+s9], $0x40, s30, s9, $0xb8;
	[tilespmem:$0x1A680] =	vst v63  }
0x11a: {  	s7 =	sadd.s32 $0xCA30, s28  }
0x11b: {  	[tilespmem:s16], [sflag:$0x1] =	stream.indirect.gather [hbm4b:s1+s9], $0x40, s7, s9, $0xb8;
	[tilespmem:$0x1A680] =	vst v63  }
0x11c: {  	s30 =	sadd.s32 $0xCA80, s28  }
0x11d: {  	[tilespmem:s17], [sflag:$0x1] =	stream.indirect.gather [hbm4b:s1+s9], $0x40, s30, s9, $0xb8;
	[tilespmem:$0x1A680] =	vst v63  }
0x11e: {  	s24 =	sadd.s32 $0xCE40, s28;
	s7 =	sadd.s32 $0xCAD0, s28  }
0x11f: {  	[tilespmem:s18], [sflag:$0x1] =	stream.indirect.gather [hbm4b:s1+s9], $0x40, s7, s9, $0xb8;
	[tilespmem:$0x1A680] =	vst v63  }
0x120: {  	s30 =	sadd.s32 s29, s24  }
0x121: {  	[spmem:s5] =	stream.indirect.scatter.add.f32 [tilespmem:s20], [sflag:$0x2], $0x10, s30, s9, $0xb8;
	[tilespmem:$0x1A680] =	vst v63  }
0x122: {  	s7 =	sadd.s32 $0xA0, s30  }
0x123: {  	[spmem:s5] =	stream.indirect.scatter.add.f32 [tilespmem:s20], [sflag:$0x2], $0x10, s7, s9, $0xb8;
	[tilespmem:$0x1A680] =	vst v63  }
0x124: {  	s7 =	sadd.s32 $0x140, s30  }
0x125: {  	[spmem:s5] =	stream.indirect.scatter.add.f32 [tilespmem:s20], [sflag:$0x2], $0x10, s7, s9, $0xb8;
	[tilespmem:$0x1A680] =	vst v63  }
0x126: {  	s7 =	sadd.s32 $0x1E0, s30  }
0x127: {  	[spmem:s5] =	stream.indirect.scatter.add.f32 [tilespmem:s20], [sflag:$0x2], $0x10, s7, s9, $0xb8;
	[tilespmem:$0x1A680] =	vst v63  }
0x128: {  	s30 =	sadd.s32 $0x280, s30  }
0x129: {  	[spmem:s5] =	stream.indirect.scatter.add.f32 [tilespmem:s20], [sflag:$0x2], $0x10, s30, s9, $0xb8;
	[tilespmem:$0x1A680] =	vst v63  }
0x12a: {  	_ =	swait.ge [sflag:s0], $0x1400  }
0x12b: {  	[sflag:s0] =	ssyncset.done $0x0  }
0x12c: {  	[sflag:s0] =	ssyncadd.s32 $0xFFFFEC00  }
0x12d: {  	[spmem:s4] =	stream.indirect.scatter.add.f32 [tilespmem:s6], [sflag:$0x2], $0x40, s24, s9, $0xb8;
	[tilespmem:$0x1A680] =	vst v63  }
0x12e: {  	_ =	swait.ge [sflag:s0], $0x1400  }
0x12f: {  	[sflag:s0] =	ssyncset.done $0x0  }
0x130: {  	s30 =	sadd.s32 $0xCE90, s28;
	[sflag:s0] =	ssyncadd.s32 $0xFFFFEC00  }
0x131: {  	[spmem:s4] =	stream.indirect.scatter.add.f32 [tilespmem:s10], [sflag:$0x2], $0x40, s30, s9, $0xb8;
	[tilespmem:$0x1A680] =	vst v63  }
0x132: {  	_ =	swait.ge [sflag:s0], $0x1400  }
0x133: {  	[sflag:s0] =	ssyncset.done $0x0  }
0x134: {  	s24 =	sadd.s32 $0xCEE0, s28;
	[sflag:s0] =	ssyncadd.s32 $0xFFFFEC00  }
0x135: {  	[spmem:s4] =	stream.indirect.scatter.add.f32 [tilespmem:s11], [sflag:$0x2], $0x40, s24, s9, $0xb8;
	[tilespmem:$0x1A680] =	vst v63  }
0x136: {  	_ =	swait.ge [sflag:s0], $0x1400  }
0x137: {  	[sflag:s0] =	ssyncset.done $0x0  }
0x138: {  	s30 =	sadd.s32 $0xCF30, s28;
	[sflag:s0] =	ssyncadd.s32 $0xFFFFEC00  }
0x139: {  	[spmem:s4] =	stream.indirect.scatter.add.f32 [tilespmem:s12], [sflag:$0x2], $0x40, s30, s9, $0xb8;
	[tilespmem:$0x1A680] =	vst v63  }
0x13a: {  	_ =	swait.ge [sflag:s0], $0x1400  }
0x13b: {  	[sflag:s0] =	ssyncset.done $0x0  }
0x13c: {  	s24 =	sadd.s32 $0xCF80, s28;
	[sflag:s0] =	ssyncadd.s32 $0xFFFFEC00  }
0x13d: {  	[spmem:s4] =	stream.indirect.scatter.add.f32 [tilespmem:s13], [sflag:$0x2], $0x40, s24, s9, $0xb8;
	[tilespmem:$0x1A680] =	vst v63  }
0x13e: {  	_ =	swait.ge [sflag:s0], $0x1400  }
0x13f: {  	[sflag:s0] =	ssyncset.done $0x0  }
0x140: {  	s30 =	sadd.s32 $0xCFD0, s28;
	[sflag:s0] =	ssyncadd.s32 $0xFFFFEC00  }
0x141: {  	[spmem:s4] =	stream.indirect.scatter.add.f32 [tilespmem:s14], [sflag:$0x2], $0x40, s30, s9, $0xb8;
	[tilespmem:$0x1A680] =	vst v63  }
0x142: {  	_ =	swait.ge [sflag:s0], $0x1400  }
0x143: {  	[sflag:s0] =	ssyncset.done $0x0  }
0x144: {  	s24 =	sadd.s32 $0xD020, s28;
	[sflag:s0] =	ssyncadd.s32 $0xFFFFEC00  }
0x145: {  	[spmem:s4] =	stream.indirect.scatter.add.f32 [tilespmem:s15], [sflag:$0x2], $0x40, s24, s9, $0xb8;
	[tilespmem:$0x1A680] =	vst v63  }
0x146: {  	_ =	swait.ge [sflag:s0], $0x1400  }
0x147: {  	[sflag:s0] =	ssyncset.done $0x0  }
0x148: {  	s30 =	sadd.s32 $0xD070, s28;
	[sflag:s0] =	ssyncadd.s32 $0xFFFFEC00  }
0x149: {  	[spmem:s4] =	stream.indirect.scatter.add.f32 [tilespmem:s16], [sflag:$0x2], $0x40, s30, s9, $0xb8;
	[tilespmem:$0x1A680] =	vst v63  }
0x14a: {  	_ =	swait.ge [sflag:s0], $0x1400  }
0x14b: {  	[sflag:s0] =	ssyncset.done $0x0  }
0x14c: {  	s24 =	sadd.s32 $0xD0C0, s28;
	[sflag:s0] =	ssyncadd.s32 $0xFFFFEC00  }
0x14d: {  	[spmem:s4] =	stream.indirect.scatter.add.f32 [tilespmem:s17], [sflag:$0x2], $0x40, s24, s9, $0xb8;
	[tilespmem:$0x1A680] =	vst v63  }
.Ltmp10:
0x14e: {  	_ = 	snop;
	(pc) =	sbr.rel @p0 .LBB2_17-.Ltmp10, $4  }
0x14f: {  	_ =	swait.ge [sflag:s0], $0x1400  }
0x150: {  	[sflag:s0] =	ssyncset.done $0x0  }
0x151: {  	s30 =	sadd.s32 $0xD110, s28;
	[sflag:s0] =	ssyncadd.s32 $0xFFFFEC00  }
0x152: {  	[spmem:s4] =	stream.indirect.scatter.add.f32 [tilespmem:s18], [sflag:$0x2], $0x40, s30, s9, $0xb8;
	[tilespmem:$0x1A680] =	vst v63  }
0x153: {  	s7 =	sxor.u32 $0x1, s26  }
0x154: {  	s7 =	smul.u32 $0xC80, s7;
	_ =	sdelay $0x1  }
0x155: {  	s7 =	sshrl.u32 s7, $0x2  }
0x156: {  	_ =	swait.ge [sflag:s22], $0x320;
	s7 =	sor.u32 $0xC800, s7  }
0x157: {  	[sflag:s22] =	ssyncset.done $0x0;
	v3 =	vmov s7  }
0x158: {  	[sflag:s22] =	ssyncadd.s32 $0xFFFFFCE0  }
0x159: {  	_ =	swait.ge [sflag:s22], $0x320  }
0x15a: {  	[sflag:s22] =	ssyncset.done $0x0  }
0x15b: {  	s26 =	simm.s32 $0x0;
	s28 =	simm.s32 $0x40;
	[sflag:s22] =	ssyncadd.s32 $0xFFFFFCE0  }
.LBB2_15:
0x15c: {  	p0 =	sne.s32 s28, $0xC40;
	v4 =	vld.idx.msk [tilespmem:v3+s26+$0x0 ss:$0x1], $0xffff;
	_ =	sdelay $0x3  }
.Ltmp11:
0x15d: {  	(pc) =	sbr.rel @p0 .LBB2_15-.Ltmp11, $4  }
0x15e: {  	_ = 	snop  }
0x15f: {  	v4 =	vshll.u32 v4, $0x1  }
0x160: {  	v4 =	vor.u32 v0, v4  }
0x161: {  	[tilespmem:v3+s26+$0x0 ss:$0x1] =	vst.idx.msk $0xffff, v4;
	s26 =	sshra.s32 s28, $0x2;
	s28 =	sadd.s32 $0x40, s28  }
0x162: {  	_ =	sdelay $0x3  }
0x163: {  	v4 =	vld.idx.msk [tilespmem:v3+s26+$0x0 ss:$0x1], $0xffff;
	_ =	sdelay $0x2  }
.Ltmp12:
0x164: {  	_ = 	snop;
	(pc) =	sbr.rel .LBB2_17-.Ltmp12, $4  }
0x165: {  	_ = 	snop  }
0x166: {  	v4 =	vshll.u32 v4, $0x1  }
0x167: {  	v4 =	vor.u32 v0, v4  }
0x168: {  	[tilespmem:v3+s26+$0x0 ss:$0x1] =	vst.idx.msk $0xffff, v4  }
.LBB2_19:
0x169: {  	_ =	sfence.sel $0x180000  }
0x16a: {  	[bflag:$0x0] =	sbarrier.arrive $0xFFFF  }
0x16b: {  	_ =	strace $0x90000047  }
0x16c: {  	s0 =	stileid.u32;
	[bflag:$0x2] =	sbarrier.arrive $0xFFFF  }
0x16d: {  	p0 =	sne.s32 s0, $0x0;
	s0 =	rddreg [dreg:$0x5]  }
0x16e: {  	s0 =	sadd.s32 @!p0 $0x100000, s0  }
0x16f: {  	[sflag:s0] =	ssyncadd.tile.s32 @!p0 $0x1;
	_ =	shalt  }
.Lfunc_end2:
_tile_overlayer_lowered:
.L_overlay_start_2:
0x170: {  	(tag) =	ssettag $0x2  }
0x171: {  	s0 =	rddreg [dreg:$0x0];
	s2 =	stileid.u32  }
0x172: {  	s1 =	rddreg [dreg:$0x1];
	p0 =	sne.s32 s2, $0x0  }
0x173: {  	s3 =	rddreg [dreg:$0x2];
	[bflag:$0x3] =	sbarrier.arrive $0xFFFF;
	s2 =	simm.s32 @!p0 $0x1C04  }
0x174: {  	[timem:s3], [sflag:s2] =	dma.local @!p0 [hbm:s0], s1  }
0x175: {  	s0 =	simm.s32 @!p0 $0x4  }
0x176: {  	_ =	swait.ge @!p0 [sflag:s0], s1  }
0x177: {  	s1 =	ssub.s32 @!p0 $0x0, s1;
	[sflag:s0] =	ssyncset.done @!p0 $0x0  }
0x178: {  	[sflag:s0] =	ssyncadd.s32 @!p0 s1  }
0x179: {  	[bflag:$0x3] =	sbarrier.arrive $0xFFFF  }
0x17a: {  	_ =	shalt  }

</sc_bundles>
